<compile_context>
chip_gen: v7x
topology: tpu7x:2x2x1
jax: 0.10.2.dev20260603
libtpu: 0.0.44.dev20260713+nightly
codegen_flags: <defaults>
</compile_context>

<pallas_src>
import functools

import jax
import jax.numpy as jnp
from jax import lax
from jax.experimental import pallas as pl
from jax.experimental.pallas import tpu as pltpu
from jax.experimental.pallas import tpu_sc as plsc

_N = 10000
_E = 320000
_D = 128
_NC = 2
_NS = 16
_NW = _NC * _NS
_EPW = _E // _NW
_B = 80
_NB = _EPW // _B
_NCHUNK = _N // _B
_CPT = -(-_NCHUNK // _NS)
_LANES = _D // 16


def _sc_mesh():
    return plsc.VectorSubcoreMesh(
        core_axis_name="c", subcore_axis_name="s",
        num_cores=_NC, num_subcores=_NS)


@functools.partial(
    pl.kernel,
    out_type=jax.ShapeDtypeStruct((_NC * _N, _D), jnp.float32),
    mesh=_sc_mesh(),
    scratch_types=[
        pltpu.VMEM_SHARED((_N, _D), jnp.float32),
        pltpu.VMEM((_B,), jnp.int32),
        pltpu.VMEM((_B,), jnp.int32),
        pltpu.VMEM((_B,), jnp.float32),
        pltpu.VMEM((_B, _D), jnp.float32),
        pltpu.SemaphoreType.DMA,
    ],
)
def _aggregate(src_hbm, dst_hbm, w_hbm, feat_hbm, out_hbm,
               agg_sh, src_v, dst_v, w_v, rows_v, sem):
    c = lax.axis_index("c")
    s = lax.axis_index("s")

    def _zero_row(i, carry):
        for k in range(_LANES):
            rows_v[i, pl.ds(k * 16, 16)] = jnp.zeros((16,), jnp.float32)
        return carry
    lax.fori_loop(0, _B, _zero_row, 0)
    for j in range(_CPT):
        cid = j * _NS + s
        if (j + 1) * _NS > _NCHUNK:
            @pl.when(cid < _NCHUNK)
            def _():
                pltpu.sync_copy(rows_v, agg_sh.at[pl.ds(cid * _B, _B)])
        else:
            pltpu.sync_copy(rows_v, agg_sh.at[pl.ds(cid * _B, _B)])
    plsc.subcore_barrier()

    ebase = (c * _NS + s) * _EPW

    def _batch(j, carry):
        b0 = ebase + j * _B
        pltpu.sync_copy(src_hbm.at[pl.ds(b0, _B)], src_v)
        pltpu.sync_copy(dst_hbm.at[pl.ds(b0, _B)], dst_v)
        pltpu.sync_copy(w_hbm.at[pl.ds(b0, _B)], w_v)
        pltpu.async_copy(feat_hbm.at[src_v], rows_v, sem).wait()

        def _scale(g, inner):
            wvec = w_v[pl.ds(g * 16, 16)]
            for b in range(16):
                wb = lax.gather(
                    wvec, jnp.full((16, 1), b, jnp.int32),
                    lax.GatherDimensionNumbers(
                        offset_dims=(), collapsed_slice_dims=(0,),
                        start_index_map=(0,)),
                    (1,), mode=lax.GatherScatterMode.PROMISE_IN_BOUNDS)
                r = g * 16 + b
                for k in range(_LANES):
                    rows_v[r, pl.ds(k * 16, 16)] = wb * rows_v[r, pl.ds(k * 16, 16)]
            return inner
        lax.fori_loop(0, _B // 16, _scale, 0)
        pltpu.sync_copy(rows_v, agg_sh.at[dst_v], add=True)
        return carry
    lax.fori_loop(0, _NB, _batch, 0)
    plsc.subcore_barrier()

    for j in range(_CPT):
        cid = j * _NS + s

        def _drain(cid=cid):
            pltpu.sync_copy(agg_sh.at[pl.ds(cid * _B, _B)], rows_v)
            pltpu.sync_copy(rows_v, out_hbm.at[pl.ds(c * _N + cid * _B, _B)])
        if (j + 1) * _NS > _NCHUNK:
            pl.when(cid < _NCHUNK)(_drain)
        else:
            _drain()


def _dense_body(p_ref, nf_ref, w1t_ref, w2t_ref, b1_ref, b2_ref, o_ref):
    a = p_ref[0] + p_ref[1]
    nf = nf_ref[...]
    y1 = jnp.dot(a, w1t_ref[...], preferred_element_type=jnp.float32) + b1_ref[...]
    y2 = jnp.dot(a * nf, w2t_ref[...], preferred_element_type=jnp.float32) + b2_ref[...]
    o_ref[...] = (jnp.where(y1 >= 0, y1, 0.2 * y1)
                  + jnp.where(y2 >= 0, y2, 0.2 * y2))


_ROWS_BLK = 1000


def _dense(p, node_feat, w1t, w2t, b1, b2):
    grid = (_N // _ROWS_BLK,)
    return pl.pallas_call(
        _dense_body,
        grid=grid,
        in_specs=[
            pl.BlockSpec((_NC, _ROWS_BLK, _D), lambda i: (0, i, 0)),
            pl.BlockSpec((_ROWS_BLK, _D), lambda i: (i, 0)),
            pl.BlockSpec((_D, _D), lambda i: (0, 0)),
            pl.BlockSpec((_D, _D), lambda i: (0, 0)),
            pl.BlockSpec((1, _D), lambda i: (0, 0)),
            pl.BlockSpec((1, _D), lambda i: (0, 0)),
        ],
        out_specs=pl.BlockSpec((_ROWS_BLK, _D), lambda i: (i, 0)),
        out_shape=jax.ShapeDtypeStruct((_N, _D), jnp.float32),
    )(p, node_feat, w1t, w2t, b1, b2)


def kernel(edge_index, edge_weight, node_feat, W1, b1, W2, b2):
    dst = edge_index[0].astype(jnp.int32)
    src = edge_index[1].astype(jnp.int32)
    w = edge_weight.astype(jnp.float32)
    partials = _aggregate(src, dst, w, node_feat)
    p = partials.reshape(_NC, _N, _D)
    return _dense(p, node_feat, W1.T, W2.T,
                  b1.reshape(1, _D), b2.reshape(1, _D))

# --- scband reference (transcript-rebuilt; emitter-appended) ---
"""Pipeline reference for scband-feat-transform-3693671874622 (READ-ONLY COPY).

The authoritative reference and input builder live on the scoring server;
editing this copy changes nothing except your own understanding.
"""

import jax, jax.numpy as jnp
import numpy as np

N = 10000
E = 320000
D_IN = 128
D_OUT = 128


def _xavier_uniform(key, fan_out, fan_in):
    limit = float(np.sqrt(6.0 / (fan_in + fan_out)))
    return jax.random.uniform(key, (fan_out, fan_in), minval=-limit, maxval=limit, dtype=jnp.float32)


def setup_inputs(seed: int = 0) -> dict:
    key = jax.random.key(seed)
    k1, k2, k3, k4, k5 = jax.random.split(key, 5)
    edge_index = jax.random.randint(k1, (2, E), 0, N)  # row 0 = dst (row of sparse mat), row 1 = src (col)
    edge_weight = jax.random.uniform(k2, (E,), dtype=jnp.float32)
    node_feat = jax.random.normal(k3, (N, D_IN), dtype=jnp.float32)
    W1 = _xavier_uniform(k4, D_OUT, D_IN)
    b1 = jnp.zeros((D_OUT,), dtype=jnp.float32)
    W2 = _xavier_uniform(k5, D_OUT, D_IN)
    b2 = jnp.zeros((D_OUT,), dtype=jnp.float32)
    return {"edge_index": edge_index, "edge_weight": edge_weight, "node_feat": node_feat,
            "W1": W1, "b1": b1, "W2": W2, "b2": b2}


def _leaky_relu(x, negative_slope=0.2):
    return jnp.where(x >= 0, x, negative_slope * x)


def reference(edge_index, edge_weight, node_feat, W1, b1, W2, b2):
    # torch.sparse.mm(mat, node_feat): out[i] = sum_j mat[i, j] * node_feat[j]
    dst = edge_index[0]
    src = edge_index[1]
    msgs = edge_weight[:, None] * jnp.take(node_feat, src, axis=0)
    agg_feat = jax.ops.segment_sum(msgs, dst, num_segments=node_feat.shape[0])
    part_1 = _leaky_relu(agg_feat @ W1.T + b1)
    part_2 = _leaky_relu((agg_feat * node_feat) @ W2.T + b2)
    out = part_1 + part_2
    # dropout is identity in eval mode
    return out

if __name__ == "__main__":
    import jax
    _d = setup_inputs()
    print(jax.jit(kernel)(*tuple(_d.values())))

</pallas_src>

<mosaic_0001>
#map = affine_map<(d0, d1) -> (0)>
#map1 = affine_map<(d0, d1) -> (0, 0)>
module attributes {stable_mosaic.version = 14 : i64} {
  func.func @_aggregate(%arg0: i32, %arg1: i32, %arg2: memref<320000xi32, #tpu.memory_space<hbm>>, %arg3: memref<320000xi32, #tpu.memory_space<hbm>>, %arg4: memref<320000xf32, #tpu.memory_space<hbm>>, %arg5: memref<10000x128xf32, #tpu.memory_space<hbm>>, %arg6: memref<20000x128xf32, #tpu.memory_space<hbm>>, %arg7: memref<10000x128xf32, #tpu.memory_space<vmem_shared>>, %arg8: memref<80xi32, #tpu.memory_space<vmem>>, %arg9: memref<80xi32, #tpu.memory_space<vmem>>, %arg10: memref<80xf32, #tpu.memory_space<vmem>>, %arg11: memref<80x128xf32, #tpu.memory_space<vmem>>, %arg12: memref<!tpu.dma_semaphore, #tpu.memory_space<semaphore_mem>>) attributes {dimension_semantics = [#tpu.dimension_semantics<core_parallel>, #tpu.dimension_semantics<subcore_parallel>], iteration_bounds = array<i64: 2, 16>, scalar_prefetch = 0 : i64, scratch_operands = 6 : i64, tpu.core_type = #tpu.core_type<sc_vector_subcore>, window_params = [{transform_indices = #map}, {transform_indices = #map}, {transform_indices = #map}, {transform_indices = #map1}, {transform_indices = #map1}]} {
    %scan3A = arith.constant 0 : i32
    %scan3A_0 = arith.constant 0 : i32
    %scan3A_1 = arith.constant 80 : i32
    %scan3A_2 = arith.addi %scan3A_0, %scan3A_1 : i32
    %scan3A_3 = arith.constant 1 : i32
    scf.for %scan3A_117 = %scan3A_0 to %scan3A_2 step %scan3A_3  : i32 {
      %broadcast_in_dim3A = arith.constant 0.000000e+00 : f32
      %broadcast_in_dim3A_118 = vector.broadcast %broadcast_in_dim3A : f32 to vector<16xf32>
      %swap3A = arith.index_cast %scan3A_117 : i32 to index
      %swap3A_119 = arith.constant 0 : index
      %swap3A_120 = tpu.vector_load %arg11[%swap3A, %swap3A_119] {strides = array<i32>} : memref<80x128xf32, #tpu.memory_space<vmem>>, vector<1x16xf32>,
      %swap3A_121 = vector.shape_cast %swap3A_120 : vector<1x16xf32> to vector<16xf32>
      %swap3A_122 = vector.shape_cast %broadcast_in_dim3A_118 : vector<16xf32> to vector<1x16xf32>
      tpu.vector_store %arg11[%swap3A, %swap3A_119], %swap3A_122 {strides = array<i32>} : memref<80x128xf32, #tpu.memory_space<vmem>>, vector<1x16xf32>,
      %broadcast_in_dim3A_123 = arith.constant 0.000000e+00 : f32
      %broadcast_in_dim3A_124 = vector.broadcast %broadcast_in_dim3A_123 : f32 to vector<16xf32>
      %swap3A_125 = arith.index_cast %scan3A_117 : i32 to index
      %swap3A_126 = arith.constant 16 : index
      %swap3A_127 = tpu.vector_load %arg11[%swap3A_125, %swap3A_126] {strides = array<i32>} : memref<80x128xf32, #tpu.memory_space<vmem>>, vector<1x16xf32>,
      %swap3A_128 = vector.shape_cast %swap3A_127 : vector<1x16xf32> to vector<16xf32>
      %swap3A_129 = vector.shape_cast %broadcast_in_dim3A_124 : vector<16xf32> to vector<1x16xf32>
      tpu.vector_store %arg11[%swap3A_125, %swap3A_126], %swap3A_129 {strides = array<i32>} : memref<80x128xf32, #tpu.memory_space<vmem>>, vector<1x16xf32>,
      %broadcast_in_dim3A_130 = arith.constant 0.000000e+00 : f32
      %broadcast_in_dim3A_131 = vector.broadcast %broadcast_in_dim3A_130 : f32 to vector<16xf32>
      %swap3A_132 = arith.index_cast %scan3A_117 : i32 to index
      %swap3A_133 = arith.constant 32 : index
      %swap3A_134 = tpu.vector_load %arg11[%swap3A_132, %swap3A_133] {strides = array<i32>} : memref<80x128xf32, #tpu.memory_space<vmem>>, vector<1x16xf32>,
      %swap3A_135 = vector.shape_cast %swap3A_134 : vector<1x16xf32> to vector<16xf32>
      %swap3A_136 = vector.shape_cast %broadcast_in_dim3A_131 : vector<16xf32> to vector<1x16xf32>
      tpu.vector_store %arg11[%swap3A_132, %swap3A_133], %swap3A_136 {strides = array<i32>} : memref<80x128xf32, #tpu.memory_space<vmem>>, vector<1x16xf32>,
      %broadcast_in_dim3A_137 = arith.constant 0.000000e+00 : f32
      %broadcast_in_dim3A_138 = vector.broadcast %broadcast_in_dim3A_137 : f32 to vector<16xf32>
      %swap3A_139 = arith.index_cast %scan3A_117 : i32 to index
      %swap3A_140 = arith.constant 48 : index
      %swap3A_141 = tpu.vector_load %arg11[%swap3A_139, %swap3A_140] {strides = array<i32>} : memref<80x128xf32, #tpu.memory_space<vmem>>, vector<1x16xf32>,
      %swap3A_142 = vector.shape_cast %swap3A_141 : vector<1x16xf32> to vector<16xf32>
      %swap3A_143 = vector.shape_cast %broadcast_in_dim3A_138 : vector<16xf32> to vector<1x16xf32>
      tpu.vector_store %arg11[%swap3A_139, %swap3A_140], %swap3A_143 {strides = array<i32>} : memref<80x128xf32, #tpu.memory_space<vmem>>, vector<1x16xf32>,
      %broadcast_in_dim3A_144 = arith.constant 0.000000e+00 : f32
      %broadcast_in_dim3A_145 = vector.broadcast %broadcast_in_dim3A_144 : f32 to vector<16xf32>
      %swap3A_146 = arith.index_cast %scan3A_117 : i32 to index
      %swap3A_147 = arith.constant 64 : index
      %swap3A_148 = tpu.vector_load %arg11[%swap3A_146, %swap3A_147] {strides = array<i32>} : memref<80x128xf32, #tpu.memory_space<vmem>>, vector<1x16xf32>,
      %swap3A_149 = vector.shape_cast %swap3A_148 : vector<1x16xf32> to vector<16xf32>
      %swap3A_150 = vector.shape_cast %broadcast_in_dim3A_145 : vector<16xf32> to vector<1x16xf32>
      tpu.vector_store %arg11[%swap3A_146, %swap3A_147], %swap3A_150 {strides = array<i32>} : memref<80x128xf32, #tpu.memory_space<vmem>>, vector<1x16xf32>,
      %broadcast_in_dim3A_151 = arith.constant 0.000000e+00 : f32
      %broadcast_in_dim3A_152 = vector.broadcast %broadcast_in_dim3A_151 : f32 to vector<16xf32>
      %swap3A_153 = arith.index_cast %scan3A_117 : i32 to index
      %swap3A_154 = arith.constant 80 : index
      %swap3A_155 = tpu.vector_load %arg11[%swap3A_153, %swap3A_154] {strides = array<i32>} : memref<80x128xf32, #tpu.memory_space<vmem>>, vector<1x16xf32>,
      %swap3A_156 = vector.shape_cast %swap3A_155 : vector<1x16xf32> to vector<16xf32>
      %swap3A_157 = vector.shape_cast %broadcast_in_dim3A_152 : vector<16xf32> to vector<1x16xf32>
      tpu.vector_store %arg11[%swap3A_153, %swap3A_154], %swap3A_157 {strides = array<i32>} : memref<80x128xf32, #tpu.memory_space<vmem>>, vector<1x16xf32>,
      %broadcast_in_dim3A_158 = arith.constant 0.000000e+00 : f32
      %broadcast_in_dim3A_159 = vector.broadcast %broadcast_in_dim3A_158 : f32 to vector<16xf32>
      %swap3A_160 = arith.index_cast %scan3A_117 : i32 to index
      %swap3A_161 = arith.constant 96 : index
      %swap3A_162 = tpu.vector_load %arg11[%swap3A_160, %swap3A_161] {strides = array<i32>} : memref<80x128xf32, #tpu.memory_space<vmem>>, vector<1x16xf32>,
      %swap3A_163 = vector.shape_cast %swap3A_162 : vector<1x16xf32> to vector<16xf32>
      %swap3A_164 = vector.shape_cast %broadcast_in_dim3A_159 : vector<16xf32> to vector<1x16xf32>
      tpu.vector_store %arg11[%swap3A_160, %swap3A_161], %swap3A_164 {strides = array<i32>} : memref<80x128xf32, #tpu.memory_space<vmem>>, vector<1x16xf32>,
      %broadcast_in_dim3A_165 = arith.constant 0.000000e+00 : f32
      %broadcast_in_dim3A_166 = vector.broadcast %broadcast_in_dim3A_165 : f32 to vector<16xf32>
      %swap3A_167 = arith.index_cast %scan3A_117 : i32 to index
      %swap3A_168 = arith.constant 112 : index
      %swap3A_169 = tpu.vector_load %arg11[%swap3A_167, %swap3A_168] {strides = array<i32>} : memref<80x128xf32, #tpu.memory_space<vmem>>, vector<1x16xf32>,
      %swap3A_170 = vector.shape_cast %swap3A_169 : vector<1x16xf32> to vector<16xf32>
      %swap3A_171 = vector.shape_cast %broadcast_in_dim3A_166 : vector<16xf32> to vector<1x16xf32>
      tpu.vector_store %arg11[%swap3A_167, %swap3A_168], %swap3A_171 {strides = array<i32>} : memref<80x128xf32, #tpu.memory_space<vmem>>, vector<1x16xf32>,
    }
    %scan3A_4 = arith.constant 80 : i32
    %add3A = arith.constant 0 : i32
    %add3A_5 = arith.addi %add3A, %arg1 : i32
    %mul3A = arith.constant 80 : i32
    %mul3A_6 = arith.muli %add3A_5, %mul3A : i32
    "tpu.region"() ({
      %run_scoped3A = tpu.sem_alloc : memref<!tpu.dma_semaphore, #tpu.memory_space<semaphore_mem>>
      %dma_start3A = arith.constant 0 : i32
      %dma_start3A_117 = tpu.memref_slice %arg7[%mul3A_6, %dma_start3A] : memref<10000x128xf32, #tpu.memory_space<vmem_shared>> -> memref<80x128xf32, #tpu.memory_space<vmem_shared>>
      %dma_start3A_118 = arith.constant 0 : i32
      %dma_start3A_119 = tpu.memref_slice %arg7[%mul3A_6, %dma_start3A_118] : memref<10000x128xf32, #tpu.memory_space<vmem_shared>> -> memref<80x128xf32, #tpu.memory_space<vmem_shared>>
      tpu.enqueue_dma source(%arg11 : memref<80x128xf32, #tpu.memory_space<vmem>>) target(%dma_start3A_119 : memref<80x128xf32, #tpu.memory_space<vmem_shared>>) target_semaphore(%run_scoped3A : memref<!tpu.dma_semaphore, #tpu.memory_space<semaphore_mem>>)
      %dma_wait3A = arith.constant 0 : i32
      %dma_wait3A_120 = tpu.memref_slice %arg7[%mul3A_6, %dma_wait3A] : memref<10000x128xf32, #tpu.memory_space<vmem_shared>> -> memref<80x128xf32, #tpu.memory_space<vmem_shared>>
      %dma_wait3A_121 = arith.constant 0 : i32
      %dma_wait3A_122 = tpu.memref_slice %arg7[%mul3A_6, %dma_wait3A_121] : memref<10000x128xf32, #tpu.memory_space<vmem_shared>> -> memref<80x128xf32, #tpu.memory_space<vmem_shared>>
      tpu.wait_dma2 semaphore(%run_scoped3A : memref<!tpu.dma_semaphore, #tpu.memory_space<semaphore_mem>>) src(%arg11 : memref<80x128xf32, #tpu.memory_space<vmem>>) dst(%dma_wait3A_122 : memref<80x128xf32, #tpu.memory_space<vmem_shared>>)
      tpu.yield
    }) : () -> ()
    %add3A_7 = arith.constant 16 : i32
    %add3A_8 = arith.addi %add3A_7, %arg1 : i32
    %mul3A_9 = arith.constant 80 : i32
    %mul3A_10 = arith.muli %add3A_8, %mul3A_9 : i32
    "tpu.region"() ({
      %run_scoped3A = tpu.sem_alloc : memref<!tpu.dma_semaphore, #tpu.memory_space<semaphore_mem>>
      %dma_start3A = arith.constant 0 : i32
      %dma_start3A_117 = tpu.memref_slice %arg7[%mul3A_10, %dma_start3A] : memref<10000x128xf32, #tpu.memory_space<vmem_shared>> -> memref<80x128xf32, #tpu.memory_space<vmem_shared>>
      %dma_start3A_118 = arith.constant 0 : i32
      %dma_start3A_119 = tpu.memref_slice %arg7[%mul3A_10, %dma_start3A_118] : memref<10000x128xf32, #tpu.memory_space<vmem_shared>> -> memref<80x128xf32, #tpu.memory_space<vmem_shared>>
      tpu.enqueue_dma source(%arg11 : memref<80x128xf32, #tpu.memory_space<vmem>>) target(%dma_start3A_119 : memref<80x128xf32, #tpu.memory_space<vmem_shared>>) target_semaphore(%run_scoped3A : memref<!tpu.dma_semaphore, #tpu.memory_space<semaphore_mem>>)
      %dma_wait3A = arith.constant 0 : i32
      %dma_wait3A_120 = tpu.memref_slice %arg7[%mul3A_10, %dma_wait3A] : memref<10000x128xf32, #tpu.memory_space<vmem_shared>> -> memref<80x128xf32, #tpu.memory_space<vmem_shared>>
      %dma_wait3A_121 = arith.constant 0 : i32
      %dma_wait3A_122 = tpu.memref_slice %arg7[%mul3A_10, %dma_wait3A_121] : memref<10000x128xf32, #tpu.memory_space<vmem_shared>> -> memref<80x128xf32, #tpu.memory_space<vmem_shared>>
      tpu.wait_dma2 semaphore(%run_scoped3A : memref<!tpu.dma_semaphore, #tpu.memory_space<semaphore_mem>>) src(%arg11 : memref<80x128xf32, #tpu.memory_space<vmem>>) dst(%dma_wait3A_122 : memref<80x128xf32, #tpu.memory_space<vmem_shared>>)
      tpu.yield
    }) : () -> ()
    %add3A_11 = arith.constant 32 : i32
    %add3A_12 = arith.addi %add3A_11, %arg1 : i32
    %mul3A_13 = arith.constant 80 : i32
    %mul3A_14 = arith.muli %add3A_12, %mul3A_13 : i32
    "tpu.region"() ({
      %run_scoped3A = tpu.sem_alloc : memref<!tpu.dma_semaphore, #tpu.memory_space<semaphore_mem>>
      %dma_start3A = arith.constant 0 : i32
      %dma_start3A_117 = tpu.memref_slice %arg7[%mul3A_14, %dma_start3A] : memref<10000x128xf32, #tpu.memory_space<vmem_shared>> -> memref<80x128xf32, #tpu.memory_space<vmem_shared>>
      %dma_start3A_118 = arith.constant 0 : i32
      %dma_start3A_119 = tpu.memref_slice %arg7[%mul3A_14, %dma_start3A_118] : memref<10000x128xf32, #tpu.memory_space<vmem_shared>> -> memref<80x128xf32, #tpu.memory_space<vmem_shared>>
      tpu.enqueue_dma source(%arg11 : memref<80x128xf32, #tpu.memory_space<vmem>>) target(%dma_start3A_119 : memref<80x128xf32, #tpu.memory_space<vmem_shared>>) target_semaphore(%run_scoped3A : memref<!tpu.dma_semaphore, #tpu.memory_space<semaphore_mem>>)
      %dma_wait3A = arith.constant 0 : i32
      %dma_wait3A_120 = tpu.memref_slice %arg7[%mul3A_14, %dma_wait3A] : memref<10000x128xf32, #tpu.memory_space<vmem_shared>> -> memref<80x128xf32, #tpu.memory_space<vmem_shared>>
      %dma_wait3A_121 = arith.constant 0 : i32
      %dma_wait3A_122 = tpu.memref_slice %arg7[%mul3A_14, %dma_wait3A_121] : memref<10000x128xf32, #tpu.memory_space<vmem_shared>> -> memref<80x128xf32, #tpu.memory_space<vmem_shared>>
      tpu.wait_dma2 semaphore(%run_scoped3A : memref<!tpu.dma_semaphore, #tpu.memory_space<semaphore_mem>>) src(%arg11 : memref<80x128xf32, #tpu.memory_space<vmem>>) dst(%dma_wait3A_122 : memref<80x128xf32, #tpu.memory_space<vmem_shared>>)
      tpu.yield
    }) : () -> ()
    %add3A_15 = arith.constant 48 : i32
    %add3A_16 = arith.addi %add3A_15, %arg1 : i32
    %mul3A_17 = arith.constant 80 : i32
    %mul3A_18 = arith.muli %add3A_16, %mul3A_17 : i32
    "tpu.region"() ({
      %run_scoped3A = tpu.sem_alloc : memref<!tpu.dma_semaphore, #tpu.memory_space<semaphore_mem>>
      %dma_start3A = arith.constant 0 : i32
      %dma_start3A_117 = tpu.memref_slice %arg7[%mul3A_18, %dma_start3A] : memref<10000x128xf32, #tpu.memory_space<vmem_shared>> -> memref<80x128xf32, #tpu.memory_space<vmem_shared>>
      %dma_start3A_118 = arith.constant 0 : i32
      %dma_start3A_119 = tpu.memref_slice %arg7[%mul3A_18, %dma_start3A_118] : memref<10000x128xf32, #tpu.memory_space<vmem_shared>> -> memref<80x128xf32, #tpu.memory_space<vmem_shared>>
      tpu.enqueue_dma source(%arg11 : memref<80x128xf32, #tpu.memory_space<vmem>>) target(%dma_start3A_119 : memref<80x128xf32, #tpu.memory_space<vmem_shared>>) target_semaphore(%run_scoped3A : memref<!tpu.dma_semaphore, #tpu.memory_space<semaphore_mem>>)
      %dma_wait3A = arith.constant 0 : i32
      %dma_wait3A_120 = tpu.memref_slice %arg7[%mul3A_18, %dma_wait3A] : memref<10000x128xf32, #tpu.memory_space<vmem_shared>> -> memref<80x128xf32, #tpu.memory_space<vmem_shared>>
      %dma_wait3A_121 = arith.constant 0 : i32
      %dma_wait3A_122 = tpu.memref_slice %arg7[%mul3A_18, %dma_wait3A_121] : memref<10000x128xf32, #tpu.memory_space<vmem_shared>> -> memref<80x128xf32, #tpu.memory_space<vmem_shared>>
      tpu.wait_dma2 semaphore(%run_scoped3A : memref<!tpu.dma_semaphore, #tpu.memory_space<semaphore_mem>>) src(%arg11 : memref<80x128xf32, #tpu.memory_space<vmem>>) dst(%dma_wait3A_122 : memref<80x128xf32, #tpu.memory_space<vmem_shared>>)
      tpu.yield
    }) : () -> ()
    %add3A_19 = arith.constant 64 : i32
    %add3A_20 = arith.addi %add3A_19, %arg1 : i32
    %mul3A_21 = arith.constant 80 : i32
    %mul3A_22 = arith.muli %add3A_20, %mul3A_21 : i32
    "tpu.region"() ({
      %run_scoped3A = tpu.sem_alloc : memref<!tpu.dma_semaphore, #tpu.memory_space<semaphore_mem>>
      %dma_start3A = arith.constant 0 : i32
      %dma_start3A_117 = tpu.memref_slice %arg7[%mul3A_22, %dma_start3A] : memref<10000x128xf32, #tpu.memory_space<vmem_shared>> -> memref<80x128xf32, #tpu.memory_space<vmem_shared>>
      %dma_start3A_118 = arith.constant 0 : i32
      %dma_start3A_119 = tpu.memref_slice %arg7[%mul3A_22, %dma_start3A_118] : memref<10000x128xf32, #tpu.memory_space<vmem_shared>> -> memref<80x128xf32, #tpu.memory_space<vmem_shared>>
      tpu.enqueue_dma source(%arg11 : memref<80x128xf32, #tpu.memory_space<vmem>>) target(%dma_start3A_119 : memref<80x128xf32, #tpu.memory_space<vmem_shared>>) target_semaphore(%run_scoped3A : memref<!tpu.dma_semaphore, #tpu.memory_space<semaphore_mem>>)
      %dma_wait3A = arith.constant 0 : i32
      %dma_wait3A_120 = tpu.memref_slice %arg7[%mul3A_22, %dma_wait3A] : memref<10000x128xf32, #tpu.memory_space<vmem_shared>> -> memref<80x128xf32, #tpu.memory_space<vmem_shared>>
      %dma_wait3A_121 = arith.constant 0 : i32
      %dma_wait3A_122 = tpu.memref_slice %arg7[%mul3A_22, %dma_wait3A_121] : memref<10000x128xf32, #tpu.memory_space<vmem_shared>> -> memref<80x128xf32, #tpu.memory_space<vmem_shared>>
      tpu.wait_dma2 semaphore(%run_scoped3A : memref<!tpu.dma_semaphore, #tpu.memory_space<semaphore_mem>>) src(%arg11 : memref<80x128xf32, #tpu.memory_space<vmem>>) dst(%dma_wait3A_122 : memref<80x128xf32, #tpu.memory_space<vmem_shared>>)
      tpu.yield
    }) : () -> ()
    %add3A_23 = arith.constant 80 : i32
    %add3A_24 = arith.addi %add3A_23, %arg1 : i32
    %mul3A_25 = arith.constant 80 : i32
    %mul3A_26 = arith.muli %add3A_24, %mul3A_25 : i32
    "tpu.region"() ({
      %run_scoped3A = tpu.sem_alloc : memref<!tpu.dma_semaphore, #tpu.memory_space<semaphore_mem>>
      %dma_start3A = arith.constant 0 : i32
      %dma_start3A_117 = tpu.memref_slice %arg7[%mul3A_26, %dma_start3A] : memref<10000x128xf32, #tpu.memory_space<vmem_shared>> -> memref<80x128xf32, #tpu.memory_space<vmem_shared>>
      %dma_start3A_118 = arith.constant 0 : i32
      %dma_start3A_119 = tpu.memref_slice %arg7[%mul3A_26, %dma_start3A_118] : memref<10000x128xf32, #tpu.memory_space<vmem_shared>> -> memref<80x128xf32, #tpu.memory_space<vmem_shared>>
      tpu.enqueue_dma source(%arg11 : memref<80x128xf32, #tpu.memory_space<vmem>>) target(%dma_start3A_119 : memref<80x128xf32, #tpu.memory_space<vmem_shared>>) target_semaphore(%run_scoped3A : memref<!tpu.dma_semaphore, #tpu.memory_space<semaphore_mem>>)
      %dma_wait3A = arith.constant 0 : i32
      %dma_wait3A_120 = tpu.memref_slice %arg7[%mul3A_26, %dma_wait3A] : memref<10000x128xf32, #tpu.memory_space<vmem_shared>> -> memref<80x128xf32, #tpu.memory_space<vmem_shared>>
      %dma_wait3A_121 = arith.constant 0 : i32
      %dma_wait3A_122 = tpu.memref_slice %arg7[%mul3A_26, %dma_wait3A_121] : memref<10000x128xf32, #tpu.memory_space<vmem_shared>> -> memref<80x128xf32, #tpu.memory_space<vmem_shared>>
      tpu.wait_dma2 semaphore(%run_scoped3A : memref<!tpu.dma_semaphore, #tpu.memory_space<semaphore_mem>>) src(%arg11 : memref<80x128xf32, #tpu.memory_space<vmem>>) dst(%dma_wait3A_122 : memref<80x128xf32, #tpu.memory_space<vmem_shared>>)
      tpu.yield
    }) : () -> ()
    %add3A_27 = arith.constant 96 : i32
    %add3A_28 = arith.addi %add3A_27, %arg1 : i32
    %mul3A_29 = arith.constant 80 : i32
    %mul3A_30 = arith.muli %add3A_28, %mul3A_29 : i32
    "tpu.region"() ({
      %run_scoped3A = tpu.sem_alloc : memref<!tpu.dma_semaphore, #tpu.memory_space<semaphore_mem>>
      %dma_start3A = arith.constant 0 : i32
      %dma_start3A_117 = tpu.memref_slice %arg7[%mul3A_30, %dma_start3A] : memref<10000x128xf32, #tpu.memory_space<vmem_shared>> -> memref<80x128xf32, #tpu.memory_space<vmem_shared>>
      %dma_start3A_118 = arith.constant 0 : i32
      %dma_start3A_119 = tpu.memref_slice %arg7[%mul3A_30, %dma_start3A_118] : memref<10000x128xf32, #tpu.memory_space<vmem_shared>> -> memref<80x128xf32, #tpu.memory_space<vmem_shared>>
      tpu.enqueue_dma source(%arg11 : memref<80x128xf32, #tpu.memory_space<vmem>>) target(%dma_start3A_119 : memref<80x128xf32, #tpu.memory_space<vmem_shared>>) target_semaphore(%run_scoped3A : memref<!tpu.dma_semaphore, #tpu.memory_space<semaphore_mem>>)
      %dma_wait3A = arith.constant 0 : i32
      %dma_wait3A_120 = tpu.memref_slice %arg7[%mul3A_30, %dma_wait3A] : memref<10000x128xf32, #tpu.memory_space<vmem_shared>> -> memref<80x128xf32, #tpu.memory_space<vmem_shared>>
      %dma_wait3A_121 = arith.constant 0 : i32
      %dma_wait3A_122 = tpu.memref_slice %arg7[%mul3A_30, %dma_wait3A_121] : memref<10000x128xf32, #tpu.memory_space<vmem_shared>> -> memref<80x128xf32, #tpu.memory_space<vmem_shared>>
      tpu.wait_dma2 semaphore(%run_scoped3A : memref<!tpu.dma_semaphore, #tpu.memory_space<semaphore_mem>>) src(%arg11 : memref<80x128xf32, #tpu.memory_space<vmem>>) dst(%dma_wait3A_122 : memref<80x128xf32, #tpu.memory_space<vmem_shared>>)
      tpu.yield
    }) : () -> ()
    %add3A_31 = arith.constant 112 : i32
    %add3A_32 = arith.addi %add3A_31, %arg1 : i32
    %lt3A = arith.constant 125 : i32
    %lt3A_33 = arith.cmpi slt, %add3A_32, %lt3A : i32
    %convert_element_type3A = arith.extui %lt3A_33 : i1 to i32
    %cond3A = arith.constant 0 : i32
    %cond3A_34 = arith.cmpi ne, %convert_element_type3A, %cond3A : i32
    scf.if %cond3A_34 {
      %mul3A_117 = arith.constant 80 : i32
      %mul3A_118 = arith.muli %add3A_32, %mul3A_117 : i32
      "tpu.region"() ({
        %run_scoped3A = tpu.sem_alloc : memref<!tpu.dma_semaphore, #tpu.memory_space<semaphore_mem>>
        %dma_start3A = arith.constant 0 : i32
        %dma_start3A_119 = tpu.memref_slice %arg7[%mul3A_118, %dma_start3A] : memref<10000x128xf32, #tpu.memory_space<vmem_shared>> -> memref<80x128xf32, #tpu.memory_space<vmem_shared>>
        %dma_start3A_120 = arith.constant 0 : i32
        %dma_start3A_121 = tpu.memref_slice %arg7[%mul3A_118, %dma_start3A_120] : memref<10000x128xf32, #tpu.memory_space<vmem_shared>> -> memref<80x128xf32, #tpu.memory_space<vmem_shared>>
        tpu.enqueue_dma source(%arg11 : memref<80x128xf32, #tpu.memory_space<vmem>>) target(%dma_start3A_121 : memref<80x128xf32, #tpu.memory_space<vmem_shared>>) target_semaphore(%run_scoped3A : memref<!tpu.dma_semaphore, #tpu.memory_space<semaphore_mem>>)
        %dma_wait3A = arith.constant 0 : i32
        %dma_wait3A_122 = tpu.memref_slice %arg7[%mul3A_118, %dma_wait3A] : memref<10000x128xf32, #tpu.memory_space<vmem_shared>> -> memref<80x128xf32, #tpu.memory_space<vmem_shared>>
        %dma_wait3A_123 = arith.constant 0 : i32
        %dma_wait3A_124 = tpu.memref_slice %arg7[%mul3A_118, %dma_wait3A_123] : memref<10000x128xf32, #tpu.memory_space<vmem_shared>> -> memref<80x128xf32, #tpu.memory_space<vmem_shared>>
        tpu.wait_dma2 semaphore(%run_scoped3A : memref<!tpu.dma_semaphore, #tpu.memory_space<semaphore_mem>>) src(%arg11 : memref<80x128xf32, #tpu.memory_space<vmem>>) dst(%dma_wait3A_124 : memref<80x128xf32, #tpu.memory_space<vmem_shared>>)
        tpu.yield
      }) : () -> ()
    } else {
    }
    %barrier3A = arith.constant 0 : index
    tpu.barrier barrier_id(%barrier3A)
    %mul3A_35 = arith.constant 16 : i32
    %mul3A_36 = arith.muli %arg0, %mul3A_35 : i32
    %add3A_37 = arith.addi %mul3A_36, %arg1 : i32
    %mul3A_38 = arith.constant 10000 : i32
    %mul3A_39 = arith.muli %add3A_37, %mul3A_38 : i32
    %scan3A_40 = arith.constant 0 : i32
    %scan3A_41 = arith.constant 0 : i32
    %scan3A_42 = arith.constant 125 : i32
    %scan3A_43 = arith.addi %scan3A_41, %scan3A_42 : i32
    %scan3A_44 = arith.constant 1 : i32
    scf.for %scan3A_117 = %scan3A_41 to %scan3A_43 step %scan3A_44  : i32 {
      %mul3A_118 = arith.constant 80 : i32
      %mul3A_119 = arith.muli %scan3A_117, %mul3A_118 : i32
      %add3A_120 = arith.addi %mul3A_39, %mul3A_119 : i32
      "tpu.region"() ({
        %run_scoped3A = tpu.sem_alloc : memref<!tpu.dma_semaphore, #tpu.memory_space<semaphore_mem>>
        %dma_start3A_131 = tpu.memref_slice %arg2[%add3A_120] : memref<320000xi32, #tpu.memory_space<hbm>> -> memref<80xi32, #tpu.memory_space<hbm>>
        %dma_start3A_132 = tpu.memref_slice %arg2[%add3A_120] : memref<320000xi32, #tpu.memory_space<hbm>> -> memref<80xi32, #tpu.memory_space<hbm>>
        tpu.enqueue_dma source(%dma_start3A_132 : memref<80xi32, #tpu.memory_space<hbm>>) target(%arg8 : memref<80xi32, #tpu.memory_space<vmem>>) target_semaphore(%run_scoped3A : memref<!tpu.dma_semaphore, #tpu.memory_space<semaphore_mem>>)
        %dma_wait3A_133 = tpu.memref_slice %arg2[%add3A_120] : memref<320000xi32, #tpu.memory_space<hbm>> -> memref<80xi32, #tpu.memory_space<hbm>>
        %dma_wait3A_134 = tpu.memref_slice %arg2[%add3A_120] : memref<320000xi32, #tpu.memory_space<hbm>> -> memref<80xi32, #tpu.memory_space<hbm>>
        tpu.wait_dma2 semaphore(%run_scoped3A : memref<!tpu.dma_semaphore, #tpu.memory_space<semaphore_mem>>) src(%dma_wait3A_134 : memref<80xi32, #tpu.memory_space<hbm>>) dst(%arg8 : memref<80xi32, #tpu.memory_space<vmem>>)
        tpu.yield
      }) : () -> ()
      "tpu.region"() ({
        %run_scoped3A = tpu.sem_alloc : memref<!tpu.dma_semaphore, #tpu.memory_space<semaphore_mem>>
        %dma_start3A_131 = tpu.memref_slice %arg3[%add3A_120] : memref<320000xi32, #tpu.memory_space<hbm>> -> memref<80xi32, #tpu.memory_space<hbm>>
        %dma_start3A_132 = tpu.memref_slice %arg3[%add3A_120] : memref<320000xi32, #tpu.memory_space<hbm>> -> memref<80xi32, #tpu.memory_space<hbm>>
        tpu.enqueue_dma source(%dma_start3A_132 : memref<80xi32, #tpu.memory_space<hbm>>) target(%arg9 : memref<80xi32, #tpu.memory_space<vmem>>) target_semaphore(%run_scoped3A : memref<!tpu.dma_semaphore, #tpu.memory_space<semaphore_mem>>)
        %dma_wait3A_133 = tpu.memref_slice %arg3[%add3A_120] : memref<320000xi32, #tpu.memory_space<hbm>> -> memref<80xi32, #tpu.memory_space<hbm>>
        %dma_wait3A_134 = tpu.memref_slice %arg3[%add3A_120] : memref<320000xi32, #tpu.memory_space<hbm>> -> memref<80xi32, #tpu.memory_space<hbm>>
        tpu.wait_dma2 semaphore(%run_scoped3A : memref<!tpu.dma_semaphore, #tpu.memory_space<semaphore_mem>>) src(%dma_wait3A_134 : memref<80xi32, #tpu.memory_space<hbm>>) dst(%arg9 : memref<80xi32, #tpu.memory_space<vmem>>)
        tpu.yield
      }) : () -> ()
      "tpu.region"() ({
        %run_scoped3A = tpu.sem_alloc : memref<!tpu.dma_semaphore, #tpu.memory_space<semaphore_mem>>
        %dma_start3A_131 = tpu.memref_slice %arg4[%add3A_120] : memref<320000xf32, #tpu.memory_space<hbm>> -> memref<80xf32, #tpu.memory_space<hbm>>
        %dma_start3A_132 = tpu.memref_slice %arg4[%add3A_120] : memref<320000xf32, #tpu.memory_space<hbm>> -> memref<80xf32, #tpu.memory_space<hbm>>
        tpu.enqueue_dma source(%dma_start3A_132 : memref<80xf32, #tpu.memory_space<hbm>>) target(%arg10 : memref<80xf32, #tpu.memory_space<vmem>>) target_semaphore(%run_scoped3A : memref<!tpu.dma_semaphore, #tpu.memory_space<semaphore_mem>>)
        %dma_wait3A_133 = tpu.memref_slice %arg4[%add3A_120] : memref<320000xf32, #tpu.memory_space<hbm>> -> memref<80xf32, #tpu.memory_space<hbm>>
        %dma_wait3A_134 = tpu.memref_slice %arg4[%add3A_120] : memref<320000xf32, #tpu.memory_space<hbm>> -> memref<80xf32, #tpu.memory_space<hbm>>
        tpu.wait_dma2 semaphore(%run_scoped3A : memref<!tpu.dma_semaphore, #tpu.memory_space<semaphore_mem>>) src(%dma_wait3A_134 : memref<80xf32, #tpu.memory_space<hbm>>) dst(%arg10 : memref<80xf32, #tpu.memory_space<vmem>>)
        tpu.yield
      }) : () -> ()
      %dma_start3A = arith.constant 0 : i32
      %dma_start3A_121 = arith.constant 0 : i32
      %dma_start3A_122 = tpu.memref_slice %arg5[%dma_start3A, %dma_start3A_121] : memref<10000x128xf32, #tpu.memory_space<hbm>> -> memref<10000x128xf32, #tpu.memory_space<hbm>>
      tpu.enqueue_indirect_dma source(%dma_start3A_122 : memref<10000x128xf32, #tpu.memory_space<hbm>>) target(%arg11 : memref<80x128xf32, #tpu.memory_space<vmem>>) offsets(%arg8 : memref<80xi32, #tpu.memory_space<vmem>>) semaphore(%arg12 : memref<!tpu.dma_semaphore, #tpu.memory_space<semaphore_mem>>)
      %dma_wait3A = arith.constant 0 : i32
      %dma_wait3A_123 = arith.constant 0 : i32
      %dma_wait3A_124 = tpu.memref_slice %arg5[%dma_wait3A, %dma_wait3A_123] : memref<10000x128xf32, #tpu.memory_space<hbm>> -> memref<10000x128xf32, #tpu.memory_space<hbm>>
      tpu.wait_indirect_dma semaphore(%arg12 : memref<!tpu.dma_semaphore, #tpu.memory_space<semaphore_mem>>) src(%dma_wait3A_124 : memref<10000x128xf32, #tpu.memory_space<hbm>>) dst(%arg11 : memref<80x128xf32, #tpu.memory_space<vmem>>)
      %scan3A_125 = arith.constant 0 : i32
      %scan3A_126 = arith.constant 0 : i32
      %scan3A_127 = arith.constant 5 : i32
      %scan3A_128 = arith.addi %scan3A_126, %scan3A_127 : i32
      %scan3A_129 = arith.constant 1 : i32
      scf.for %scan3A_131 = %scan3A_126 to %scan3A_128 step %scan3A_129  : i32 {
        %mul3A_132 = arith.constant 16 : i32
        %mul3A_133 = arith.muli %scan3A_131, %mul3A_132 : i32
        %get3A = arith.index_cast %mul3A_133 : i32 to index
        %get3A_134 = tpu.vector_load %arg10[%get3A] {strides = array<i32>} : memref<80xf32, #tpu.memory_space<vmem>>, vector<16xf32>,
        %get3A_135 = vector.shape_cast %get3A_134 : vector<16xf32> to vector<16xf32>
        %broadcast_in_dim3A = arith.constant 0 : i32
        %broadcast_in_dim3A_136 = vector.broadcast %broadcast_in_dim3A : i32 to vector<16x1xi32>
        %gather3A = vector.shape_cast %broadcast_in_dim3A_136 : vector<16x1xi32> to vector<16xi32>
        %gather3A_137 = tpu.dynamic_gather %get3A_135[%gather3A] in [0] : vector<16xf32>, vector<16xi32> -> vector<16xf32>
        %mul3A_138 = arith.constant 16 : i32
        %mul3A_139 = arith.muli %scan3A_131, %mul3A_138 : i32
        %add3A_140 = arith.constant 0 : i32
        %add3A_141 = arith.addi %mul3A_139, %add3A_140 : i32
        %get3A_142 = arith.index_cast %add3A_141 : i32 to index
        %get3A_143 = arith.constant 0 : index
        %get3A_144 = tpu.vector_load %arg11[%get3A_142, %get3A_143] {strides = array<i32>} : memref<80x128xf32, #tpu.memory_space<vmem>>, vector<1x16xf32>,
        %get3A_145 = vector.shape_cast %get3A_144 : vector<1x16xf32> to vector<16xf32>
        %mul3A_146 = arith.mulf %gather3A_137, %get3A_145 : vector<16xf32>
        %swap3A = arith.index_cast %add3A_141 : i32 to index
        %swap3A_147 = arith.constant 0 : index
        %swap3A_148 = tpu.vector_load %arg11[%swap3A, %swap3A_147] {strides = array<i32>} : memref<80x128xf32, #tpu.memory_space<vmem>>, vector<1x16xf32>,
        %swap3A_149 = vector.shape_cast %swap3A_148 : vector<1x16xf32> to vector<16xf32>
        %swap3A_150 = vector.shape_cast %mul3A_146 : vector<16xf32> to vector<1x16xf32>
        tpu.vector_store %arg11[%swap3A, %swap3A_147], %swap3A_150 {strides = array<i32>} : memref<80x128xf32, #tpu.memory_space<vmem>>, vector<1x16xf32>,
        %get3A_151 = arith.index_cast %add3A_141 : i32 to index
        %get3A_152 = arith.constant 16 : index
        %get3A_153 = tpu.vector_load %arg11[%get3A_151, %get3A_152] {strides = array<i32>} : memref<80x128xf32, #tpu.memory_space<vmem>>, vector<1x16xf32>,
        %get3A_154 = vector.shape_cast %get3A_153 : vector<1x16xf32> to vector<16xf32>
        %mul3A_155 = arith.mulf %gather3A_137, %get3A_154 : vector<16xf32>
        %swap3A_156 = arith.index_cast %add3A_141 : i32 to index
        %swap3A_157 = arith.constant 16 : index
        %swap3A_158 = tpu.vector_load %arg11[%swap3A_156, %swap3A_157] {strides = array<i32>} : memref<80x128xf32, #tpu.memory_space<vmem>>, vector<1x16xf32>,
        %swap3A_159 = vector.shape_cast %swap3A_158 : vector<1x16xf32> to vector<16xf32>
        %swap3A_160 = vector.shape_cast %mul3A_155 : vector<16xf32> to vector<1x16xf32>
        tpu.vector_store %arg11[%swap3A_156, %swap3A_157], %swap3A_160 {strides = array<i32>} : memref<80x128xf32, #tpu.memory_space<vmem>>, vector<1x16xf32>,
        %get3A_161 = arith.index_cast %add3A_141 : i32 to index
        %get3A_162 = arith.constant 32 : index
        %get3A_163 = tpu.vector_load %arg11[%get3A_161, %get3A_162] {strides = array<i32>} : memref<80x128xf32, #tpu.memory_space<vmem>>, vector<1x16xf32>,
        %get3A_164 = vector.shape_cast %get3A_163 : vector<1x16xf32> to vector<16xf32>
        %mul3A_165 = arith.mulf %gather3A_137, %get3A_164 : vector<16xf32>
        %swap3A_166 = arith.index_cast %add3A_141 : i32 to index
        %swap3A_167 = arith.constant 32 : index
        %swap3A_168 = tpu.vector_load %arg11[%swap3A_166, %swap3A_167] {strides = array<i32>} : memref<80x128xf32, #tpu.memory_space<vmem>>, vector<1x16xf32>,
        %swap3A_169 = vector.shape_cast %swap3A_168 : vector<1x16xf32> to vector<16xf32>
        %swap3A_170 = vector.shape_cast %mul3A_165 : vector<16xf32> to vector<1x16xf32>
        tpu.vector_store %arg11[%swap3A_166, %swap3A_167], %swap3A_170 {strides = array<i32>} : memref<80x128xf32, #tpu.memory_space<vmem>>, vector<1x16xf32>,
        %get3A_171 = arith.index_cast %add3A_141 : i32 to index
        %get3A_172 = arith.constant 48 : index
        %get3A_173 = tpu.vector_load %arg11[%get3A_171, %get3A_172] {strides = array<i32>} : memref<80x128xf32, #tpu.memory_space<vmem>>, vector<1x16xf32>,
        %get3A_174 = vector.shape_cast %get3A_173 : vector<1x16xf32> to vector<16xf32>
        %mul3A_175 = arith.mulf %gather3A_137, %get3A_174 : vector<16xf32>
        %swap3A_176 = arith.index_cast %add3A_141 : i32 to index
        %swap3A_177 = arith.constant 48 : index
        %swap3A_178 = tpu.vector_load %arg11[%swap3A_176, %swap3A_177] {strides = array<i32>} : memref<80x128xf32, #tpu.memory_space<vmem>>, vector<1x16xf32>,
        %swap3A_179 = vector.shape_cast %swap3A_178 : vector<1x16xf32> to vector<16xf32>
        %swap3A_180 = vector.shape_cast %mul3A_175 : vector<16xf32> to vector<1x16xf32>
        tpu.vector_store %arg11[%swap3A_176, %swap3A_177], %swap3A_180 {strides = array<i32>} : memref<80x128xf32, #tpu.memory_space<vmem>>, vector<1x16xf32>,
        %get3A_181 = arith.index_cast %add3A_141 : i32 to index
        %get3A_182 = arith.constant 64 : index
        %get3A_183 = tpu.vector_load %arg11[%get3A_181, %get3A_182] {strides = array<i32>} : memref<80x128xf32, #tpu.memory_space<vmem>>, vector<1x16xf32>,
        %get3A_184 = vector.shape_cast %get3A_183 : vector<1x16xf32> to vector<16xf32>
        %mul3A_185 = arith.mulf %gather3A_137, %get3A_184 : vector<16xf32>
        %swap3A_186 = arith.index_cast %add3A_141 : i32 to index
        %swap3A_187 = arith.constant 64 : index
        %swap3A_188 = tpu.vector_load %arg11[%swap3A_186, %swap3A_187] {strides = array<i32>} : memref<80x128xf32, #tpu.memory_space<vmem>>, vector<1x16xf32>,
        %swap3A_189 = vector.shape_cast %swap3A_188 : vector<1x16xf32> to vector<16xf32>
        %swap3A_190 = vector.shape_cast %mul3A_185 : vector<16xf32> to vector<1x16xf32>
        tpu.vector_store %arg11[%swap3A_186, %swap3A_187], %swap3A_190 {strides = array<i32>} : memref<80x128xf32, #tpu.memory_space<vmem>>, vector<1x16xf32>,
        %get3A_191 = arith.index_cast %add3A_141 : i32 to index
        %get3A_192 = arith.constant 80 : index
        %get3A_193 = tpu.vector_load %arg11[%get3A_191, %get3A_192] {strides = array<i32>} : memref<80x128xf32, #tpu.memory_space<vmem>>, vector<1x16xf32>,
        %get3A_194 = vector.shape_cast %get3A_193 : vector<1x16xf32> to vector<16xf32>
        %mul3A_195 = arith.mulf %gather3A_137, %get3A_194 : vector<16xf32>
        %swap3A_196 = arith.index_cast %add3A_141 : i32 to index
        %swap3A_197 = arith.constant 80 : index
        %swap3A_198 = tpu.vector_load %arg11[%swap3A_196, %swap3A_197] {strides = array<i32>} : memref<80x128xf32, #tpu.memory_space<vmem>>, vector<1x16xf32>,
        %swap3A_199 = vector.shape_cast %swap3A_198 : vector<1x16xf32> to vector<16xf32>
        %swap3A_200 = vector.shape_cast %mul3A_195 : vector<16xf32> to vector<1x16xf32>
        tpu.vector_store %arg11[%swap3A_196, %swap3A_197], %swap3A_200 {strides = array<i32>} : memref<80x128xf32, #tpu.memory_space<vmem>>, vector<1x16xf32>,
        %get3A_201 = arith.index_cast %add3A_141 : i32 to index
        %get3A_202 = arith.constant 96 : index
        %get3A_203 = tpu.vector_load %arg11[%get3A_201, %get3A_202] {strides = array<i32>} : memref<80x128xf32, #tpu.memory_space<vmem>>, vector<1x16xf32>,
        %get3A_204 = vector.shape_cast %get3A_203 : vector<1x16xf32> to vector<16xf32>
        %mul3A_205 = arith.mulf %gather3A_137, %get3A_204 : vector<16xf32>
        %swap3A_206 = arith.index_cast %add3A_141 : i32 to index
        %swap3A_207 = arith.constant 96 : index
        %swap3A_208 = tpu.vector_load %arg11[%swap3A_206, %swap3A_207] {strides = array<i32>} : memref<80x128xf32, #tpu.memory_space<vmem>>, vector<1x16xf32>,
        %swap3A_209 = vector.shape_cast %swap3A_208 : vector<1x16xf32> to vector<16xf32>
        %swap3A_210 = vector.shape_cast %mul3A_205 : vector<16xf32> to vector<1x16xf32>
        tpu.vector_store %arg11[%swap3A_206, %swap3A_207], %swap3A_210 {strides = array<i32>} : memref<80x128xf32, #tpu.memory_space<vmem>>, vector<1x16xf32>,
        %get3A_211 = arith.index_cast %add3A_141 : i32 to index
        %get3A_212 = arith.constant 112 : index
        %get3A_213 = tpu.vector_load %arg11[%get3A_211, %get3A_212] {strides = array<i32>} : memref<80x128xf32, #tpu.memory_space<vmem>>, vector<1x16xf32>,
        %get3A_214 = vector.shape_cast %get3A_213 : vector<1x16xf32> to vector<16xf32>
        %mul3A_215 = arith.mulf %gather3A_137, %get3A_214 : vector<16xf32>
        %swap3A_216 = arith.index_cast %add3A_141 : i32 to index
        %swap3A_217 = arith.constant 112 : index
        %swap3A_218 = tpu.vector_load %arg11[%swap3A_216, %swap3A_217] {strides = array<i32>} : memref<80x128xf32, #tpu.memory_space<vmem>>, vector<1x16xf32>,
        %swap3A_219 = vector.shape_cast %swap3A_218 : vector<1x16xf32> to vector<16xf32>
        %swap3A_220 = vector.shape_cast %mul3A_215 : vector<16xf32> to vector<1x16xf32>
        tpu.vector_store %arg11[%swap3A_216, %swap3A_217], %swap3A_220 {strides = array<i32>} : memref<80x128xf32, #tpu.memory_space<vmem>>, vector<1x16xf32>,
        %broadcast_in_dim3A_221 = arith.constant 1 : i32
        %broadcast_in_dim3A_222 = vector.broadcast %broadcast_in_dim3A_221 : i32 to vector<16x1xi32>
        %gather3A_223 = vector.shape_cast %broadcast_in_dim3A_222 : vector<16x1xi32> to vector<16xi32>
        %gather3A_224 = tpu.dynamic_gather %get3A_135[%gather3A_223] in [0] : vector<16xf32>, vector<16xi32> -> vector<16xf32>
        %mul3A_225 = arith.constant 16 : i32
        %mul3A_226 = arith.muli %scan3A_131, %mul3A_225 : i32
        %add3A_227 = arith.constant 1 : i32
        %add3A_228 = arith.addi %mul3A_226, %add3A_227 : i32
        %get3A_229 = arith.index_cast %add3A_228 : i32 to index
        %get3A_230 = arith.constant 0 : index
        %get3A_231 = tpu.vector_load %arg11[%get3A_229, %get3A_230] {strides = array<i32>} : memref<80x128xf32, #tpu.memory_space<vmem>>, vector<1x16xf32>,
        %get3A_232 = vector.shape_cast %get3A_231 : vector<1x16xf32> to vector<16xf32>
        %mul3A_233 = arith.mulf %gather3A_224, %get3A_232 : vector<16xf32>
        %swap3A_234 = arith.index_cast %add3A_228 : i32 to index
        %swap3A_235 = arith.constant 0 : index
        %swap3A_236 = tpu.vector_load %arg11[%swap3A_234, %swap3A_235] {strides = array<i32>} : memref<80x128xf32, #tpu.memory_space<vmem>>, vector<1x16xf32>,
        %swap3A_237 = vector.shape_cast %swap3A_236 : vector<1x16xf32> to vector<16xf32>
        %swap3A_238 = vector.shape_cast %mul3A_233 : vector<16xf32> to vector<1x16xf32>
        tpu.vector_store %arg11[%swap3A_234, %swap3A_235], %swap3A_238 {strides = array<i32>} : memref<80x128xf32, #tpu.memory_space<vmem>>, vector<1x16xf32>,
        %get3A_239 = arith.index_cast %add3A_228 : i32 to index
        %get3A_240 = arith.constant 16 : index
        %get3A_241 = tpu.vector_load %arg11[%get3A_239, %get3A_240] {strides = array<i32>} : memref<80x128xf32, #tpu.memory_space<vmem>>, vector<1x16xf32>,
        %get3A_242 = vector.shape_cast %get3A_241 : vector<1x16xf32> to vector<16xf32>
        %mul3A_243 = arith.mulf %gather3A_224, %get3A_242 : vector<16xf32>
        %swap3A_244 = arith.index_cast %add3A_228 : i32 to index
        %swap3A_245 = arith.constant 16 : index
        %swap3A_246 = tpu.vector_load %arg11[%swap3A_244, %swap3A_245] {strides = array<i32>} : memref<80x128xf32, #tpu.memory_space<vmem>>, vector<1x16xf32>,
        %swap3A_247 = vector.shape_cast %swap3A_246 : vector<1x16xf32> to vector<16xf32>
        %swap3A_248 = vector.shape_cast %mul3A_243 : vector<16xf32> to vector<1x16xf32>
        tpu.vector_store %arg11[%swap3A_244, %swap3A_245], %swap3A_248 {strides = array<i32>} : memref<80x128xf32, #tpu.memory_space<vmem>>, vector<1x16xf32>,
        %get3A_249 = arith.index_cast %add3A_228 : i32 to index
        %get3A_250 = arith.constant 32 : index
        %get3A_251 = tpu.vector_load %arg11[%get3A_249, %get3A_250] {strides = array<i32>} : memref<80x128xf32, #tpu.memory_space<vmem>>, vector<1x16xf32>,
        %get3A_252 = vector.shape_cast %get3A_251 : vector<1x16xf32> to vector<16xf32>
        %mul3A_253 = arith.mulf %gather3A_224, %get3A_252 : vector<16xf32>
        %swap3A_254 = arith.index_cast %add3A_228 : i32 to index
        %swap3A_255 = arith.constant 32 : index
        %swap3A_256 = tpu.vector_load %arg11[%swap3A_254, %swap3A_255] {strides = array<i32>} : memref<80x128xf32, #tpu.memory_space<vmem>>, vector<1x16xf32>,
        %swap3A_257 = vector.shape_cast %swap3A_256 : vector<1x16xf32> to vector<16xf32>
        %swap3A_258 = vector.shape_cast %mul3A_253 : vector<16xf32> to vector<1x16xf32>
        tpu.vector_store %arg11[%swap3A_254, %swap3A_255], %swap3A_258 {strides = array<i32>} : memref<80x128xf32, #tpu.memory_space<vmem>>, vector<1x16xf32>,
        %get3A_259 = arith.index_cast %add3A_228 : i32 to index
        %get3A_260 = arith.constant 48 : index
        %get3A_261 = tpu.vector_load %arg11[%get3A_259, %get3A_260] {strides = array<i32>} : memref<80x128xf32, #tpu.memory_space<vmem>>, vector<1x16xf32>,
        %get3A_262 = vector.shape_cast %get3A_261 : vector<1x16xf32> to vector<16xf32>
        %mul3A_263 = arith.mulf %gather3A_224, %get3A_262 : vector<16xf32>
        %swap3A_264 = arith.index_cast %add3A_228 : i32 to index
        %swap3A_265 = arith.constant 48 : index
        %swap3A_266 = tpu.vector_load %arg11[%swap3A_264, %swap3A_265] {strides = array<i32>} : memref<80x128xf32, #tpu.memory_space<vmem>>, vector<1x16xf32>,
        %swap3A_267 = vector.shape_cast %swap3A_266 : vector<1x16xf32> to vector<16xf32>
        %swap3A_268 = vector.shape_cast %mul3A_263 : vector<16xf32> to vector<1x16xf32>
        tpu.vector_store %arg11[%swap3A_264, %swap3A_265], %swap3A_268 {strides = array<i32>} : memref<80x128xf32, #tpu.memory_space<vmem>>, vector<1x16xf32>,
        %get3A_269 = arith.index_cast %add3A_228 : i32 to index
        %get3A_270 = arith.constant 64 : index
        %get3A_271 = tpu.vector_load %arg11[%get3A_269, %get3A_270] {strides = array<i32>} : memref<80x128xf32, #tpu.memory_space<vmem>>, vector<1x16xf32>,
        %get3A_272 = vector.shape_cast %get3A_271 : vector<1x16xf32> to vector<16xf32>
        %mul3A_273 = arith.mulf %gather3A_224, %get3A_272 : vector<16xf32>
        %swap3A_274 = arith.index_cast %add3A_228 : i32 to index
        %swap3A_275 = arith.constant 64 : index
        %swap3A_276 = tpu.vector_load %arg11[%swap3A_274, %swap3A_275] {strides = array<i32>} : memref<80x128xf32, #tpu.memory_space<vmem>>, vector<1x16xf32>,
        %swap3A_277 = vector.shape_cast %swap3A_276 : vector<1x16xf32> to vector<16xf32>
        %swap3A_278 = vector.shape_cast %mul3A_273 : vector<16xf32> to vector<1x16xf32>
        tpu.vector_store %arg11[%swap3A_274, %swap3A_275], %swap3A_278 {strides = array<i32>} : memref<80x128xf32, #tpu.memory_space<vmem>>, vector<1x16xf32>,
        %get3A_279 = arith.index_cast %add3A_228 : i32 to index
        %get3A_280 = arith.constant 80 : index
        %get3A_281 = tpu.vector_load %arg11[%get3A_279, %get3A_280] {strides = array<i32>} : memref<80x128xf32, #tpu.memory_space<vmem>>, vector<1x16xf32>,
        %get3A_282 = vector.shape_cast %get3A_281 : vector<1x16xf32> to vector<16xf32>
        %mul3A_283 = arith.mulf %gather3A_224, %get3A_282 : vector<16xf32>
        %swap3A_284 = arith.index_cast %add3A_228 : i32 to index
        %swap3A_285 = arith.constant 80 : index
        %swap3A_286 = tpu.vector_load %arg11[%swap3A_284, %swap3A_285] {strides = array<i32>} : memref<80x128xf32, #tpu.memory_space<vmem>>, vector<1x16xf32>,
        %swap3A_287 = vector.shape_cast %swap3A_286 : vector<1x16xf32> to vector<16xf32>
        %swap3A_288 = vector.shape_cast %mul3A_283 : vector<16xf32> to vector<1x16xf32>
        tpu.vector_store %arg11[%swap3A_284, %swap3A_285], %swap3A_288 {strides = array<i32>} : memref<80x128xf32, #tpu.memory_space<vmem>>, vector<1x16xf32>,
        %get3A_289 = arith.index_cast %add3A_228 : i32 to index
        %get3A_290 = arith.constant 96 : index
        %get3A_291 = tpu.vector_load %arg11[%get3A_289, %get3A_290] {strides = array<i32>} : memref<80x128xf32, #tpu.memory_space<vmem>>, vector<1x16xf32>,
        %get3A_292 = vector.shape_cast %get3A_291 : vector<1x16xf32> to vector<16xf32>
        %mul3A_293 = arith.mulf %gather3A_224, %get3A_292 : vector<16xf32>
        %swap3A_294 = arith.index_cast %add3A_228 : i32 to index
        %swap3A_295 = arith.constant 96 : index
        %swap3A_296 = tpu.vector_load %arg11[%swap3A_294, %swap3A_295] {strides = array<i32>} : memref<80x128xf32, #tpu.memory_space<vmem>>, vector<1x16xf32>,
        %swap3A_297 = vector.shape_cast %swap3A_296 : vector<1x16xf32> to vector<16xf32>
        %swap3A_298 = vector.shape_cast %mul3A_293 : vector<16xf32> to vector<1x16xf32>
        tpu.vector_store %arg11[%swap3A_294, %swap3A_295], %swap3A_298 {strides = array<i32>} : memref<80x128xf32, #tpu.memory_space<vmem>>, vector<1x16xf32>,
        %get3A_299 = arith.index_cast %add3A_228 : i32 to index
        %get3A_300 = arith.constant 112 : index
        %get3A_301 = tpu.vector_load %arg11[%get3A_299, %get3A_300] {strides = array<i32>} : memref<80x128xf32, #tpu.memory_space<vmem>>, vector<1x16xf32>,
        %get3A_302 = vector.shape_cast %get3A_301 : vector<1x16xf32> to vector<16xf32>
        %mul3A_303 = arith.mulf %gather3A_224, %get3A_302 : vector<16xf32>
        %swap3A_304 = arith.index_cast %add3A_228 : i32 to index
        %swap3A_305 = arith.constant 112 : index
        %swap3A_306 = tpu.vector_load %arg11[%swap3A_304, %swap3A_305] {strides = array<i32>} : memref<80x128xf32, #tpu.memory_space<vmem>>, vector<1x16xf32>,
        %swap3A_307 = vector.shape_cast %swap3A_306 : vector<1x16xf32> to vector<16xf32>
        %swap3A_308 = vector.shape_cast %mul3A_303 : vector<16xf32> to vector<1x16xf32>
        tpu.vector_store %arg11[%swap3A_304, %swap3A_305], %swap3A_308 {strides = array<i32>} : memref<80x128xf32, #tpu.memory_space<vmem>>, vector<1x16xf32>,
        %broadcast_in_dim3A_309 = arith.constant 2 : i32
        %broadcast_in_dim3A_310 = vector.broadcast %broadcast_in_dim3A_309 : i32 to vector<16x1xi32>
        %gather3A_311 = vector.shape_cast %broadcast_in_dim3A_310 : vector<16x1xi32> to vector<16xi32>
        %gather3A_312 = tpu.dynamic_gather %get3A_135[%gather3A_311] in [0] : vector<16xf32>, vector<16xi32> -> vector<16xf32>
        %mul3A_313 = arith.constant 16 : i32
        %mul3A_314 = arith.muli %scan3A_131, %mul3A_313 : i32
        %add3A_315 = arith.constant 2 : i32
        %add3A_316 = arith.addi %mul3A_314, %add3A_315 : i32
        %get3A_317 = arith.index_cast %add3A_316 : i32 to index
        %get3A_318 = arith.constant 0 : index
        %get3A_319 = tpu.vector_load %arg11[%get3A_317, %get3A_318] {strides = array<i32>} : memref<80x128xf32, #tpu.memory_space<vmem>>, vector<1x16xf32>,
        %get3A_320 = vector.shape_cast %get3A_319 : vector<1x16xf32> to vector<16xf32>
        %mul3A_321 = arith.mulf %gather3A_312, %get3A_320 : vector<16xf32>
        %swap3A_322 = arith.index_cast %add3A_316 : i32 to index
        %swap3A_323 = arith.constant 0 : index
        %swap3A_324 = tpu.vector_load %arg11[%swap3A_322, %swap3A_323] {strides = array<i32>} : memref<80x128xf32, #tpu.memory_space<vmem>>, vector<1x16xf32>,
        %swap3A_325 = vector.shape_cast %swap3A_324 : vector<1x16xf32> to vector<16xf32>
        %swap3A_326 = vector.shape_cast %mul3A_321 : vector<16xf32> to vector<1x16xf32>
        tpu.vector_store %arg11[%swap3A_322, %swap3A_323], %swap3A_326 {strides = array<i32>} : memref<80x128xf32, #tpu.memory_space<vmem>>, vector<1x16xf32>,
        %get3A_327 = arith.index_cast %add3A_316 : i32 to index
        %get3A_328 = arith.constant 16 : index
        %get3A_329 = tpu.vector_load %arg11[%get3A_327, %get3A_328] {strides = array<i32>} : memref<80x128xf32, #tpu.memory_space<vmem>>, vector<1x16xf32>,
        %get3A_330 = vector.shape_cast %get3A_329 : vector<1x16xf32> to vector<16xf32>
        %mul3A_331 = arith.mulf %gather3A_312, %get3A_330 : vector<16xf32>
        %swap3A_332 = arith.index_cast %add3A_316 : i32 to index
        %swap3A_333 = arith.constant 16 : index
        %swap3A_334 = tpu.vector_load %arg11[%swap3A_332, %swap3A_333] {strides = array<i32>} : memref<80x128xf32, #tpu.memory_space<vmem>>, vector<1x16xf32>,
        %swap3A_335 = vector.shape_cast %swap3A_334 : vector<1x16xf32> to vector<16xf32>
        %swap3A_336 = vector.shape_cast %mul3A_331 : vector<16xf32> to vector<1x16xf32>
        tpu.vector_store %arg11[%swap3A_332, %swap3A_333], %swap3A_336 {strides = array<i32>} : memref<80x128xf32, #tpu.memory_space<vmem>>, vector<1x16xf32>,
        %get3A_337 = arith.index_cast %add3A_316 : i32 to index
        %get3A_338 = arith.constant 32 : index
        %get3A_339 = tpu.vector_load %arg11[%get3A_337, %get3A_338] {strides = array<i32>} : memref<80x128xf32, #tpu.memory_space<vmem>>, vector<1x16xf32>,
        %get3A_340 = vector.shape_cast %get3A_339 : vector<1x16xf32> to vector<16xf32>
        %mul3A_341 = arith.mulf %gather3A_312, %get3A_340 : vector<16xf32>
        %swap3A_342 = arith.index_cast %add3A_316 : i32 to index
        %swap3A_343 = arith.constant 32 : index
        %swap3A_344 = tpu.vector_load %arg11[%swap3A_342, %swap3A_343] {strides = array<i32>} : memref<80x128xf32, #tpu.memory_space<vmem>>, vector<1x16xf32>,
        %swap3A_345 = vector.shape_cast %swap3A_344 : vector<1x16xf32> to vector<16xf32>
        %swap3A_346 = vector.shape_cast %mul3A_341 : vector<16xf32> to vector<1x16xf32>
        tpu.vector_store %arg11[%swap3A_342, %swap3A_343], %swap3A_346 {strides = array<i32>} : memref<80x128xf32, #tpu.memory_space<vmem>>, vector<1x16xf32>,
        %get3A_347 = arith.index_cast %add3A_316 : i32 to index
        %get3A_348 = arith.constant 48 : index
        %get3A_349 = tpu.vector_load %arg11[%get3A_347, %get3A_348] {strides = array<i32>} : memref<80x128xf32, #tpu.memory_space<vmem>>, vector<1x16xf32>,
        %get3A_350 = vector.shape_cast %get3A_349 : vector<1x16xf32> to vector<16xf32>
        %mul3A_351 = arith.mulf %gather3A_312, %get3A_350 : vector<16xf32>
        %swap3A_352 = arith.index_cast %add3A_316 : i32 to index
        %swap3A_353 = arith.constant 48 : index
        %swap3A_354 = tpu.vector_load %arg11[%swap3A_352, %swap3A_353] {strides = array<i32>} : memref<80x128xf32, #tpu.memory_space<vmem>>, vector<1x16xf32>,
        %swap3A_355 = vector.shape_cast %swap3A_354 : vector<1x16xf32> to vector<16xf32>
        %swap3A_356 = vector.shape_cast %mul3A_351 : vector<16xf32> to vector<1x16xf32>
        tpu.vector_store %arg11[%swap3A_352, %swap3A_353], %swap3A_356 {strides = array<i32>} : memref<80x128xf32, #tpu.memory_space<vmem>>, vector<1x16xf32>,
        %get3A_357 = arith.index_cast %add3A_316 : i32 to index
        %get3A_358 = arith.constant 64 : index
        %get3A_359 = tpu.vector_load %arg11[%get3A_357, %get3A_358] {strides = array<i32>} : memref<80x128xf32, #tpu.memory_space<vmem>>, vector<1x16xf32>,
        %get3A_360 = vector.shape_cast %get3A_359 : vector<1x16xf32> to vector<16xf32>
        %mul3A_361 = arith.mulf %gather3A_312, %get3A_360 : vector<16xf32>
        %swap3A_362 = arith.index_cast %add3A_316 : i32 to index
        %swap3A_363 = arith.constant 64 : index
        %swap3A_364 = tpu.vector_load %arg11[%swap3A_362, %swap3A_363] {strides = array<i32>} : memref<80x128xf32, #tpu.memory_space<vmem>>, vector<1x16xf32>,
        %swap3A_365 = vector.shape_cast %swap3A_364 : vector<1x16xf32> to vector<16xf32>
        %swap3A_366 = vector.shape_cast %mul3A_361 : vector<16xf32> to vector<1x16xf32>
        tpu.vector_store %arg11[%swap3A_362, %swap3A_363], %swap3A_366 {strides = array<i32>} : memref<80x128xf32, #tpu.memory_space<vmem>>, vector<1x16xf32>,
        %get3A_367 = arith.index_cast %add3A_316 : i32 to index
        %get3A_368 = arith.constant 80 : index
        %get3A_369 = tpu.vector_load %arg11[%get3A_367, %get3A_368] {strides = array<i32>} : memref<80x128xf32, #tpu.memory_space<vmem>>, vector<1x16xf32>,
        %get3A_370 = vector.shape_cast %get3A_369 : vector<1x16xf32> to vector<16xf32>
        %mul3A_371 = arith.mulf %gather3A_312, %get3A_370 : vector<16xf32>
        %swap3A_372 = arith.index_cast %add3A_316 : i32 to index
        %swap3A_373 = arith.constant 80 : index
        %swap3A_374 = tpu.vector_load %arg11[%swap3A_372, %swap3A_373] {strides = array<i32>} : memref<80x128xf32, #tpu.memory_space<vmem>>, vector<1x16xf32>,
        %swap3A_375 = vector.shape_cast %swap3A_374 : vector<1x16xf32> to vector<16xf32>
        %swap3A_376 = vector.shape_cast %mul3A_371 : vector<16xf32> to vector<1x16xf32>
        tpu.vector_store %arg11[%swap3A_372, %swap3A_373], %swap3A_376 {strides = array<i32>} : memref<80x128xf32, #tpu.memory_space<vmem>>, vector<1x16xf32>,
        %get3A_377 = arith.index_cast %add3A_316 : i32 to index
        %get3A_378 = arith.constant 96 : index
        %get3A_379 = tpu.vector_load %arg11[%get3A_377, %get3A_378] {strides = array<i32>} : memref<80x128xf32, #tpu.memory_space<vmem>>, vector<1x16xf32>,
        %get3A_380 = vector.shape_cast %get3A_379 : vector<1x16xf32> to vector<16xf32>
        %mul3A_381 = arith.mulf %gather3A_312, %get3A_380 : vector<16xf32>
        %swap3A_382 = arith.index_cast %add3A_316 : i32 to index
        %swap3A_383 = arith.constant 96 : index
        %swap3A_384 = tpu.vector_load %arg11[%swap3A_382, %swap3A_383] {strides = array<i32>} : memref<80x128xf32, #tpu.memory_space<vmem>>, vector<1x16xf32>,
        %swap3A_385 = vector.shape_cast %swap3A_384 : vector<1x16xf32> to vector<16xf32>
        %swap3A_386 = vector.shape_cast %mul3A_381 : vector<16xf32> to vector<1x16xf32>
        tpu.vector_store %arg11[%swap3A_382, %swap3A_383], %swap3A_386 {strides = array<i32>} : memref<80x128xf32, #tpu.memory_space<vmem>>, vector<1x16xf32>,
        %get3A_387 = arith.index_cast %add3A_316 : i32 to index
        %get3A_388 = arith.constant 112 : index
        %get3A_389 = tpu.vector_load %arg11[%get3A_387, %get3A_388] {strides = array<i32>} : memref<80x128xf32, #tpu.memory_space<vmem>>, vector<1x16xf32>,
        %get3A_390 = vector.shape_cast %get3A_389 : vector<1x16xf32> to vector<16xf32>
        %mul3A_391 = arith.mulf %gather3A_312, %get3A_390 : vector<16xf32>
        %swap3A_392 = arith.index_cast %add3A_316 : i32 to index
        %swap3A_393 = arith.constant 112 : index
        %swap3A_394 = tpu.vector_load %arg11[%swap3A_392, %swap3A_393] {strides = array<i32>} : memref<80x128xf32, #tpu.memory_space<vmem>>, vector<1x16xf32>,
        %swap3A_395 = vector.shape_cast %swap3A_394 : vector<1x16xf32> to vector<16xf32>
        %swap3A_396 = vector.shape_cast %mul3A_391 : vector<16xf32> to vector<1x16xf32>
        tpu.vector_store %arg11[%swap3A_392, %swap3A_393], %swap3A_396 {strides = array<i32>} : memref<80x128xf32, #tpu.memory_space<vmem>>, vector<1x16xf32>,
        %broadcast_in_dim3A_397 = arith.constant 3 : i32
        %broadcast_in_dim3A_398 = vector.broadcast %broadcast_in_dim3A_397 : i32 to vector<16x1xi32>
        %gather3A_399 = vector.shape_cast %broadcast_in_dim3A_398 : vector<16x1xi32> to vector<16xi32>
        %gather3A_400 = tpu.dynamic_gather %get3A_135[%gather3A_399] in [0] : vector<16xf32>, vector<16xi32> -> vector<16xf32>
        %mul3A_401 = arith.constant 16 : i32
        %mul3A_402 = arith.muli %scan3A_131, %mul3A_401 : i32
        %add3A_403 = arith.constant 3 : i32
        %add3A_404 = arith.addi %mul3A_402, %add3A_403 : i32
        %get3A_405 = arith.index_cast %add3A_404 : i32 to index
        %get3A_406 = arith.constant 0 : index
        %get3A_407 = tpu.vector_load %arg11[%get3A_405, %get3A_406] {strides = array<i32>} : memref<80x128xf32, #tpu.memory_space<vmem>>, vector<1x16xf32>,
        %get3A_408 = vector.shape_cast %get3A_407 : vector<1x16xf32> to vector<16xf32>
        %mul3A_409 = arith.mulf %gather3A_400, %get3A_408 : vector<16xf32>
        %swap3A_410 = arith.index_cast %add3A_404 : i32 to index
        %swap3A_411 = arith.constant 0 : index
        %swap3A_412 = tpu.vector_load %arg11[%swap3A_410, %swap3A_411] {strides = array<i32>} : memref<80x128xf32, #tpu.memory_space<vmem>>, vector<1x16xf32>,
        %swap3A_413 = vector.shape_cast %swap3A_412 : vector<1x16xf32> to vector<16xf32>
        %swap3A_414 = vector.shape_cast %mul3A_409 : vector<16xf32> to vector<1x16xf32>
        tpu.vector_store %arg11[%swap3A_410, %swap3A_411], %swap3A_414 {strides = array<i32>} : memref<80x128xf32, #tpu.memory_space<vmem>>, vector<1x16xf32>,
        %get3A_415 = arith.index_cast %add3A_404 : i32 to index
        %get3A_416 = arith.constant 16 : index
        %get3A_417 = tpu.vector_load %arg11[%get3A_415, %get3A_416] {strides = array<i32>} : memref<80x128xf32, #tpu.memory_space<vmem>>, vector<1x16xf32>,
        %get3A_418 = vector.shape_cast %get3A_417 : vector<1x16xf32> to vector<16xf32>
        %mul3A_419 = arith.mulf %gather3A_400, %get3A_418 : vector<16xf32>
        %swap3A_420 = arith.index_cast %add3A_404 : i32 to index
        %swap3A_421 = arith.constant 16 : index
        %swap3A_422 = tpu.vector_load %arg11[%swap3A_420, %swap3A_421] {strides = array<i32>} : memref<80x128xf32, #tpu.memory_space<vmem>>, vector<1x16xf32>,
        %swap3A_423 = vector.shape_cast %swap3A_422 : vector<1x16xf32> to vector<16xf32>
        %swap3A_424 = vector.shape_cast %mul3A_419 : vector<16xf32> to vector<1x16xf32>
        tpu.vector_store %arg11[%swap3A_420, %swap3A_421], %swap3A_424 {strides = array<i32>} : memref<80x128xf32, #tpu.memory_space<vmem>>, vector<1x16xf32>,
        %get3A_425 = arith.index_cast %add3A_404 : i32 to index
        %get3A_426 = arith.constant 32 : index
        %get3A_427 = tpu.vector_load %arg11[%get3A_425, %get3A_426] {strides = array<i32>} : memref<80x128xf32, #tpu.memory_space<vmem>>, vector<1x16xf32>,
        %get3A_428 = vector.shape_cast %get3A_427 : vector<1x16xf32> to vector<16xf32>
        %mul3A_429 = arith.mulf %gather3A_400, %get3A_428 : vector<16xf32>
        %swap3A_430 = arith.index_cast %add3A_404 : i32 to index
        %swap3A_431 = arith.constant 32 : index
        %swap3A_432 = tpu.vector_load %arg11[%swap3A_430, %swap3A_431] {strides = array<i32>} : memref<80x128xf32, #tpu.memory_space<vmem>>, vector<1x16xf32>,
        %swap3A_433 = vector.shape_cast %swap3A_432 : vector<1x16xf32> to vector<16xf32>
        %swap3A_434 = vector.shape_cast %mul3A_429 : vector<16xf32> to vector<1x16xf32>
        tpu.vector_store %arg11[%swap3A_430, %swap3A_431], %swap3A_434 {strides = array<i32>} : memref<80x128xf32, #tpu.memory_space<vmem>>, vector<1x16xf32>,
        %get3A_435 = arith.index_cast %add3A_404 : i32 to index
        %get3A_436 = arith.constant 48 : index
        %get3A_437 = tpu.vector_load %arg11[%get3A_435, %get3A_436] {strides = array<i32>} : memref<80x128xf32, #tpu.memory_space<vmem>>, vector<1x16xf32>,
        %get3A_438 = vector.shape_cast %get3A_437 : vector<1x16xf32> to vector<16xf32>
        %mul3A_439 = arith.mulf %gather3A_400, %get3A_438 : vector<16xf32>
        %swap3A_440 = arith.index_cast %add3A_404 : i32 to index
        %swap3A_441 = arith.constant 48 : index
        %swap3A_442 = tpu.vector_load %arg11[%swap3A_440, %swap3A_441] {strides = array<i32>} : memref<80x128xf32, #tpu.memory_space<vmem>>, vector<1x16xf32>,
        %swap3A_443 = vector.shape_cast %swap3A_442 : vector<1x16xf32> to vector<16xf32>
        %swap3A_444 = vector.shape_cast %mul3A_439 : vector<16xf32> to vector<1x16xf32>
        tpu.vector_store %arg11[%swap3A_440, %swap3A_441], %swap3A_444 {strides = array<i32>} : memref<80x128xf32, #tpu.memory_space<vmem>>, vector<1x16xf32>,
        %get3A_445 = arith.index_cast %add3A_404 : i32 to index
        %get3A_446 = arith.constant 64 : index
        %get3A_447 = tpu.vector_load %arg11[%get3A_445, %get3A_446] {strides = array<i32>} : memref<80x128xf32, #tpu.memory_space<vmem>>, vector<1x16xf32>,
        %get3A_448 = vector.shape_cast %get3A_447 : vector<1x16xf32> to vector<16xf32>
        %mul3A_449 = arith.mulf %gather3A_400, %get3A_448 : vector<16xf32>
        %swap3A_450 = arith.index_cast %add3A_404 : i32 to index
        %swap3A_451 = arith.constant 64 : index
        %swap3A_452 = tpu.vector_load %arg11[%swap3A_450, %swap3A_451] {strides = array<i32>} : memref<80x128xf32, #tpu.memory_space<vmem>>, vector<1x16xf32>,
        %swap3A_453 = vector.shape_cast %swap3A_452 : vector<1x16xf32> to vector<16xf32>
        %swap3A_454 = vector.shape_cast %mul3A_449 : vector<16xf32> to vector<1x16xf32>
        tpu.vector_store %arg11[%swap3A_450, %swap3A_451], %swap3A_454 {strides = array<i32>} : memref<80x128xf32, #tpu.memory_space<vmem>>, vector<1x16xf32>,
        %get3A_455 = arith.index_cast %add3A_404 : i32 to index
        %get3A_456 = arith.constant 80 : index
        %get3A_457 = tpu.vector_load %arg11[%get3A_455, %get3A_456] {strides = array<i32>} : memref<80x128xf32, #tpu.memory_space<vmem>>, vector<1x16xf32>,
        %get3A_458 = vector.shape_cast %get3A_457 : vector<1x16xf32> to vector<16xf32>
        %mul3A_459 = arith.mulf %gather3A_400, %get3A_458 : vector<16xf32>
        %swap3A_460 = arith.index_cast %add3A_404 : i32 to index
        %swap3A_461 = arith.constant 80 : index
        %swap3A_462 = tpu.vector_load %arg11[%swap3A_460, %swap3A_461] {strides = array<i32>} : memref<80x128xf32, #tpu.memory_space<vmem>>, vector<1x16xf32>,
        %swap3A_463 = vector.shape_cast %swap3A_462 : vector<1x16xf32> to vector<16xf32>
        %swap3A_464 = vector.shape_cast %mul3A_459 : vector<16xf32> to vector<1x16xf32>
        tpu.vector_store %arg11[%swap3A_460, %swap3A_461], %swap3A_464 {strides = array<i32>} : memref<80x128xf32, #tpu.memory_space<vmem>>, vector<1x16xf32>,
        %get3A_465 = arith.index_cast %add3A_404 : i32 to index
        %get3A_466 = arith.constant 96 : index
        %get3A_467 = tpu.vector_load %arg11[%get3A_465, %get3A_466] {strides = array<i32>} : memref<80x128xf32, #tpu.memory_space<vmem>>, vector<1x16xf32>,
        %get3A_468 = vector.shape_cast %get3A_467 : vector<1x16xf32> to vector<16xf32>
        %mul3A_469 = arith.mulf %gather3A_400, %get3A_468 : vector<16xf32>
        %swap3A_470 = arith.index_cast %add3A_404 : i32 to index
        %swap3A_471 = arith.constant 96 : index
        %swap3A_472 = tpu.vector_load %arg11[%swap3A_470, %swap3A_471] {strides = array<i32>} : memref<80x128xf32, #tpu.memory_space<vmem>>, vector<1x16xf32>,
        %swap3A_473 = vector.shape_cast %swap3A_472 : vector<1x16xf32> to vector<16xf32>
        %swap3A_474 = vector.shape_cast %mul3A_469 : vector<16xf32> to vector<1x16xf32>
        tpu.vector_store %arg11[%swap3A_470, %swap3A_471], %swap3A_474 {strides = array<i32>} : memref<80x128xf32, #tpu.memory_space<vmem>>, vector<1x16xf32>,
        %get3A_475 = arith.index_cast %add3A_404 : i32 to index
        %get3A_476 = arith.constant 112 : index
        %get3A_477 = tpu.vector_load %arg11[%get3A_475, %get3A_476] {strides = array<i32>} : memref<80x128xf32, #tpu.memory_space<vmem>>, vector<1x16xf32>,
        %get3A_478 = vector.shape_cast %get3A_477 : vector<1x16xf32> to vector<16xf32>
        %mul3A_479 = arith.mulf %gather3A_400, %get3A_478 : vector<16xf32>
        %swap3A_480 = arith.index_cast %add3A_404 : i32 to index
        %swap3A_481 = arith.constant 112 : index
        %swap3A_482 = tpu.vector_load %arg11[%swap3A_480, %swap3A_481] {strides = array<i32>} : memref<80x128xf32, #tpu.memory_space<vmem>>, vector<1x16xf32>,
        %swap3A_483 = vector.shape_cast %swap3A_482 : vector<1x16xf32> to vector<16xf32>
        %swap3A_484 = vector.shape_cast %mul3A_479 : vector<16xf32> to vector<1x16xf32>
        tpu.vector_store %arg11[%swap3A_480, %swap3A_481], %swap3A_484 {strides = array<i32>} : memref<80x128xf32, #tpu.memory_space<vmem>>, vector<1x16xf32>,
        %broadcast_in_dim3A_485 = arith.constant 4 : i32
        %broadcast_in_dim3A_486 = vector.broadcast %broadcast_in_dim3A_485 : i32 to vector<16x1xi32>
        %gather3A_487 = vector.shape_cast %broadcast_in_dim3A_486 : vector<16x1xi32> to vector<16xi32>
        %gather3A_488 = tpu.dynamic_gather %get3A_135[%gather3A_487] in [0] : vector<16xf32>, vector<16xi32> -> vector<16xf32>
        %mul3A_489 = arith.constant 16 : i32
        %mul3A_490 = arith.muli %scan3A_131, %mul3A_489 : i32
        %add3A_491 = arith.constant 4 : i32
        %add3A_492 = arith.addi %mul3A_490, %add3A_491 : i32
        %get3A_493 = arith.index_cast %add3A_492 : i32 to index
        %get3A_494 = arith.constant 0 : index
        %get3A_495 = tpu.vector_load %arg11[%get3A_493, %get3A_494] {strides = array<i32>} : memref<80x128xf32, #tpu.memory_space<vmem>>, vector<1x16xf32>,
        %get3A_496 = vector.shape_cast %get3A_495 : vector<1x16xf32> to vector<16xf32>
        %mul3A_497 = arith.mulf %gather3A_488, %get3A_496 : vector<16xf32>
        %swap3A_498 = arith.index_cast %add3A_492 : i32 to index
        %swap3A_499 = arith.constant 0 : index
        %swap3A_500 = tpu.vector_load %arg11[%swap3A_498, %swap3A_499] {strides = array<i32>} : memref<80x128xf32, #tpu.memory_space<vmem>>, vector<1x16xf32>,
        %swap3A_501 = vector.shape_cast %swap3A_500 : vector<1x16xf32> to vector<16xf32>
        %swap3A_502 = vector.shape_cast %mul3A_497 : vector<16xf32> to vector<1x16xf32>
        tpu.vector_store %arg11[%swap3A_498, %swap3A_499], %swap3A_502 {strides = array<i32>} : memref<80x128xf32, #tpu.memory_space<vmem>>, vector<1x16xf32>,
        %get3A_503 = arith.index_cast %add3A_492 : i32 to index
        %get3A_504 = arith.constant 16 : index
        %get3A_505 = tpu.vector_load %arg11[%get3A_503, %get3A_504] {strides = array<i32>} : memref<80x128xf32, #tpu.memory_space<vmem>>, vector<1x16xf32>,
        %get3A_506 = vector.shape_cast %get3A_505 : vector<1x16xf32> to vector<16xf32>
        %mul3A_507 = arith.mulf %gather3A_488, %get3A_506 : vector<16xf32>
        %swap3A_508 = arith.index_cast %add3A_492 : i32 to index
        %swap3A_509 = arith.constant 16 : index
        %swap3A_510 = tpu.vector_load %arg11[%swap3A_508, %swap3A_509] {strides = array<i32>} : memref<80x128xf32, #tpu.memory_space<vmem>>, vector<1x16xf32>,
        %swap3A_511 = vector.shape_cast %swap3A_510 : vector<1x16xf32> to vector<16xf32>
        %swap3A_512 = vector.shape_cast %mul3A_507 : vector<16xf32> to vector<1x16xf32>
        tpu.vector_store %arg11[%swap3A_508, %swap3A_509], %swap3A_512 {strides = array<i32>} : memref<80x128xf32, #tpu.memory_space<vmem>>, vector<1x16xf32>,
        %get3A_513 = arith.index_cast %add3A_492 : i32 to index
        %get3A_514 = arith.constant 32 : index
        %get3A_515 = tpu.vector_load %arg11[%get3A_513, %get3A_514] {strides = array<i32>} : memref<80x128xf32, #tpu.memory_space<vmem>>, vector<1x16xf32>,
        %get3A_516 = vector.shape_cast %get3A_515 : vector<1x16xf32> to vector<16xf32>
        %mul3A_517 = arith.mulf %gather3A_488, %get3A_516 : vector<16xf32>
        %swap3A_518 = arith.index_cast %add3A_492 : i32 to index
        %swap3A_519 = arith.constant 32 : index
        %swap3A_520 = tpu.vector_load %arg11[%swap3A_518, %swap3A_519] {strides = array<i32>} : memref<80x128xf32, #tpu.memory_space<vmem>>, vector<1x16xf32>,
        %swap3A_521 = vector.shape_cast %swap3A_520 : vector<1x16xf32> to vector<16xf32>
        %swap3A_522 = vector.shape_cast %mul3A_517 : vector<16xf32> to vector<1x16xf32>
        tpu.vector_store %arg11[%swap3A_518, %swap3A_519], %swap3A_522 {strides = array<i32>} : memref<80x128xf32, #tpu.memory_space<vmem>>, vector<1x16xf32>,
        %get3A_523 = arith.index_cast %add3A_492 : i32 to index
        %get3A_524 = arith.constant 48 : index
        %get3A_525 = tpu.vector_load %arg11[%get3A_523, %get3A_524] {strides = array<i32>} : memref<80x128xf32, #tpu.memory_space<vmem>>, vector<1x16xf32>,
        %get3A_526 = vector.shape_cast %get3A_525 : vector<1x16xf32> to vector<16xf32>
        %mul3A_527 = arith.mulf %gather3A_488, %get3A_526 : vector<16xf32>
        %swap3A_528 = arith.index_cast %add3A_492 : i32 to index
        %swap3A_529 = arith.constant 48 : index
        %swap3A_530 = tpu.vector_load %arg11[%swap3A_528, %swap3A_529] {strides = array<i32>} : memref<80x128xf32, #tpu.memory_space<vmem>>, vector<1x16xf32>,
        %swap3A_531 = vector.shape_cast %swap3A_530 : vector<1x16xf32> to vector<16xf32>
        %swap3A_532 = vector.shape_cast %mul3A_527 : vector<16xf32> to vector<1x16xf32>
        tpu.vector_store %arg11[%swap3A_528, %swap3A_529], %swap3A_532 {strides = array<i32>} : memref<80x128xf32, #tpu.memory_space<vmem>>, vector<1x16xf32>,
        %get3A_533 = arith.index_cast %add3A_492 : i32 to index
        %get3A_534 = arith.constant 64 : index
        %get3A_535 = tpu.vector_load %arg11[%get3A_533, %get3A_534] {strides = array<i32>} : memref<80x128xf32, #tpu.memory_space<vmem>>, vector<1x16xf32>,
        %get3A_536 = vector.shape_cast %get3A_535 : vector<1x16xf32> to vector<16xf32>
        %mul3A_537 = arith.mulf %gather3A_488, %get3A_536 : vector<16xf32>
        %swap3A_538 = arith.index_cast %add3A_492 : i32 to index
        %swap3A_539 = arith.constant 64 : index
        %swap3A_540 = tpu.vector_load %arg11[%swap3A_538, %swap3A_539] {strides = array<i32>} : memref<80x128xf32, #tpu.memory_space<vmem>>, vector<1x16xf32>,
        %swap3A_541 = vector.shape_cast %swap3A_540 : vector<1x16xf32> to vector<16xf32>
        %swap3A_542 = vector.shape_cast %mul3A_537 : vector<16xf32> to vector<1x16xf32>
        tpu.vector_store %arg11[%swap3A_538, %swap3A_539], %swap3A_542 {strides = array<i32>} : memref<80x128xf32, #tpu.memory_space<vmem>>, vector<1x16xf32>,
        %get3A_543 = arith.index_cast %add3A_492 : i32 to index
        %get3A_544 = arith.constant 80 : index
        %get3A_545 = tpu.vector_load %arg11[%get3A_543, %get3A_544] {strides = array<i32>} : memref<80x128xf32, #tpu.memory_space<vmem>>, vector<1x16xf32>,
        %get3A_546 = vector.shape_cast %get3A_545 : vector<1x16xf32> to vector<16xf32>
        %mul3A_547 = arith.mulf %gather3A_488, %get3A_546 : vector<16xf32>
        %swap3A_548 = arith.index_cast %add3A_492 : i32 to index
        %swap3A_549 = arith.constant 80 : index
        %swap3A_550 = tpu.vector_load %arg11[%swap3A_548, %swap3A_549] {strides = array<i32>} : memref<80x128xf32, #tpu.memory_space<vmem>>, vector<1x16xf32>,
        %swap3A_551 = vector.shape_cast %swap3A_550 : vector<1x16xf32> to vector<16xf32>
        %swap3A_552 = vector.shape_cast %mul3A_547 : vector<16xf32> to vector<1x16xf32>
        tpu.vector_store %arg11[%swap3A_548, %swap3A_549], %swap3A_552 {strides = array<i32>} : memref<80x128xf32, #tpu.memory_space<vmem>>, vector<1x16xf32>,
        %get3A_553 = arith.index_cast %add3A_492 : i32 to index
        %get3A_554 = arith.constant 96 : index
        %get3A_555 = tpu.vector_load %arg11[%get3A_553, %get3A_554] {strides = array<i32>} : memref<80x128xf32, #tpu.memory_space<vmem>>, vector<1x16xf32>,
        %get3A_556 = vector.shape_cast %get3A_555 : vector<1x16xf32> to vector<16xf32>
        %mul3A_557 = arith.mulf %gather3A_488, %get3A_556 : vector<16xf32>
        %swap3A_558 = arith.index_cast %add3A_492 : i32 to index
        %swap3A_559 = arith.constant 96 : index
        %swap3A_560 = tpu.vector_load %arg11[%swap3A_558, %swap3A_559] {strides = array<i32>} : memref<80x128xf32, #tpu.memory_space<vmem>>, vector<1x16xf32>,
        %swap3A_561 = vector.shape_cast %swap3A_560 : vector<1x16xf32> to vector<16xf32>
        %swap3A_562 = vector.shape_cast %mul3A_557 : vector<16xf32> to vector<1x16xf32>
        tpu.vector_store %arg11[%swap3A_558, %swap3A_559], %swap3A_562 {strides = array<i32>} : memref<80x128xf32, #tpu.memory_space<vmem>>, vector<1x16xf32>,
        %get3A_563 = arith.index_cast %add3A_492 : i32 to index
        %get3A_564 = arith.constant 112 : index
        %get3A_565 = tpu.vector_load %arg11[%get3A_563, %get3A_564] {strides = array<i32>} : memref<80x128xf32, #tpu.memory_space<vmem>>, vector<1x16xf32>,
        %get3A_566 = vector.shape_cast %get3A_565 : vector<1x16xf32> to vector<16xf32>
        %mul3A_567 = arith.mulf %gather3A_488, %get3A_566 : vector<16xf32>
        %swap3A_568 = arith.index_cast %add3A_492 : i32 to index
        %swap3A_569 = arith.constant 112 : index
        %swap3A_570 = tpu.vector_load %arg11[%swap3A_568, %swap3A_569] {strides = array<i32>} : memref<80x128xf32, #tpu.memory_space<vmem>>, vector<1x16xf32>,
        %swap3A_571 = vector.shape_cast %swap3A_570 : vector<1x16xf32> to vector<16xf32>
        %swap3A_572 = vector.shape_cast %mul3A_567 : vector<16xf32> to vector<1x16xf32>
        tpu.vector_store %arg11[%swap3A_568, %swap3A_569], %swap3A_572 {strides = array<i32>} : memref<80x128xf32, #tpu.memory_space<vmem>>, vector<1x16xf32>,
        %broadcast_in_dim3A_573 = arith.constant 5 : i32
        %broadcast_in_dim3A_574 = vector.broadcast %broadcast_in_dim3A_573 : i32 to vector<16x1xi32>
        %gather3A_575 = vector.shape_cast %broadcast_in_dim3A_574 : vector<16x1xi32> to vector<16xi32>
        %gather3A_576 = tpu.dynamic_gather %get3A_135[%gather3A_575] in [0] : vector<16xf32>, vector<16xi32> -> vector<16xf32>
        %mul3A_577 = arith.constant 16 : i32
        %mul3A_578 = arith.muli %scan3A_131, %mul3A_577 : i32
        %add3A_579 = arith.constant 5 : i32
        %add3A_580 = arith.addi %mul3A_578, %add3A_579 : i32
        %get3A_581 = arith.index_cast %add3A_580 : i32 to index
        %get3A_582 = arith.constant 0 : index
        %get3A_583 = tpu.vector_load %arg11[%get3A_581, %get3A_582] {strides = array<i32>} : memref<80x128xf32, #tpu.memory_space<vmem>>, vector<1x16xf32>,
        %get3A_584 = vector.shape_cast %get3A_583 : vector<1x16xf32> to vector<16xf32>
        %mul3A_585 = arith.mulf %gather3A_576, %get3A_584 : vector<16xf32>
        %swap3A_586 = arith.index_cast %add3A_580 : i32 to index
        %swap3A_587 = arith.constant 0 : index
        %swap3A_588 = tpu.vector_load %arg11[%swap3A_586, %swap3A_587] {strides = array<i32>} : memref<80x128xf32, #tpu.memory_space<vmem>>, vector<1x16xf32>,
        %swap3A_589 = vector.shape_cast %swap3A_588 : vector<1x16xf32> to vector<16xf32>
        %swap3A_590 = vector.shape_cast %mul3A_585 : vector<16xf32> to vector<1x16xf32>
        tpu.vector_store %arg11[%swap3A_586, %swap3A_587], %swap3A_590 {strides = array<i32>} : memref<80x128xf32, #tpu.memory_space<vmem>>, vector<1x16xf32>,
        %get3A_591 = arith.index_cast %add3A_580 : i32 to index
        %get3A_592 = arith.constant 16 : index
        %get3A_593 = tpu.vector_load %arg11[%get3A_591, %get3A_592] {strides = array<i32>} : memref<80x128xf32, #tpu.memory_space<vmem>>, vector<1x16xf32>,
        %get3A_594 = vector.shape_cast %get3A_593 : vector<1x16xf32> to vector<16xf32>
        %mul3A_595 = arith.mulf %gather3A_576, %get3A_594 : vector<16xf32>
        %swap3A_596 = arith.index_cast %add3A_580 : i32 to index
        %swap3A_597 = arith.constant 16 : index
        %swap3A_598 = tpu.vector_load %arg11[%swap3A_596, %swap3A_597] {strides = array<i32>} : memref<80x128xf32, #tpu.memory_space<vmem>>, vector<1x16xf32>,
        %swap3A_599 = vector.shape_cast %swap3A_598 : vector<1x16xf32> to vector<16xf32>
        %swap3A_600 = vector.shape_cast %mul3A_595 : vector<16xf32> to vector<1x16xf32>
        tpu.vector_store %arg11[%swap3A_596, %swap3A_597], %swap3A_600 {strides = array<i32>} : memref<80x128xf32, #tpu.memory_space<vmem>>, vector<1x16xf32>,
        %get3A_601 = arith.index_cast %add3A_580 : i32 to index
        %get3A_602 = arith.constant 32 : index
        %get3A_603 = tpu.vector_load %arg11[%get3A_601, %get3A_602] {strides = array<i32>} : memref<80x128xf32, #tpu.memory_space<vmem>>, vector<1x16xf32>,
        %get3A_604 = vector.shape_cast %get3A_603 : vector<1x16xf32> to vector<16xf32>
        %mul3A_605 = arith.mulf %gather3A_576, %get3A_604 : vector<16xf32>
        %swap3A_606 = arith.index_cast %add3A_580 : i32 to index
        %swap3A_607 = arith.constant 32 : index
        %swap3A_608 = tpu.vector_load %arg11[%swap3A_606, %swap3A_607] {strides = array<i32>} : memref<80x128xf32, #tpu.memory_space<vmem>>, vector<1x16xf32>,
        %swap3A_609 = vector.shape_cast %swap3A_608 : vector<1x16xf32> to vector<16xf32>
        %swap3A_610 = vector.shape_cast %mul3A_605 : vector<16xf32> to vector<1x16xf32>
        tpu.vector_store %arg11[%swap3A_606, %swap3A_607], %swap3A_610 {strides = array<i32>} : memref<80x128xf32, #tpu.memory_space<vmem>>, vector<1x16xf32>,
        %get3A_611 = arith.index_cast %add3A_580 : i32 to index
        %get3A_612 = arith.constant 48 : index
        %get3A_613 = tpu.vector_load %arg11[%get3A_611, %get3A_612] {strides = array<i32>} : memref<80x128xf32, #tpu.memory_space<vmem>>, vector<1x16xf32>,
        %get3A_614 = vector.shape_cast %get3A_613 : vector<1x16xf32> to vector<16xf32>
        %mul3A_615 = arith.mulf %gather3A_576, %get3A_614 : vector<16xf32>
        %swap3A_616 = arith.index_cast %add3A_580 : i32 to index
        %swap3A_617 = arith.constant 48 : index
        %swap3A_618 = tpu.vector_load %arg11[%swap3A_616, %swap3A_617] {strides = array<i32>} : memref<80x128xf32, #tpu.memory_space<vmem>>, vector<1x16xf32>,
        %swap3A_619 = vector.shape_cast %swap3A_618 : vector<1x16xf32> to vector<16xf32>
        %swap3A_620 = vector.shape_cast %mul3A_615 : vector<16xf32> to vector<1x16xf32>
        tpu.vector_store %arg11[%swap3A_616, %swap3A_617], %swap3A_620 {strides = array<i32>} : memref<80x128xf32, #tpu.memory_space<vmem>>, vector<1x16xf32>,
        %get3A_621 = arith.index_cast %add3A_580 : i32 to index
        %get3A_622 = arith.constant 64 : index
        %get3A_623 = tpu.vector_load %arg11[%get3A_621, %get3A_622] {strides = array<i32>} : memref<80x128xf32, #tpu.memory_space<vmem>>, vector<1x16xf32>,
        %get3A_624 = vector.shape_cast %get3A_623 : vector<1x16xf32> to vector<16xf32>
        %mul3A_625 = arith.mulf %gather3A_576, %get3A_624 : vector<16xf32>
        %swap3A_626 = arith.index_cast %add3A_580 : i32 to index
        %swap3A_627 = arith.constant 64 : index
        %swap3A_628 = tpu.vector_load %arg11[%swap3A_626, %swap3A_627] {strides = array<i32>} : memref<80x128xf32, #tpu.memory_space<vmem>>, vector<1x16xf32>,
        %swap3A_629 = vector.shape_cast %swap3A_628 : vector<1x16xf32> to vector<16xf32>
        %swap3A_630 = vector.shape_cast %mul3A_625 : vector<16xf32> to vector<1x16xf32>
        tpu.vector_store %arg11[%swap3A_626, %swap3A_627], %swap3A_630 {strides = array<i32>} : memref<80x128xf32, #tpu.memory_space<vmem>>, vector<1x16xf32>,
        %get3A_631 = arith.index_cast %add3A_580 : i32 to index
        %get3A_632 = arith.constant 80 : index
        %get3A_633 = tpu.vector_load %arg11[%get3A_631, %get3A_632] {strides = array<i32>} : memref<80x128xf32, #tpu.memory_space<vmem>>, vector<1x16xf32>,
        %get3A_634 = vector.shape_cast %get3A_633 : vector<1x16xf32> to vector<16xf32>
        %mul3A_635 = arith.mulf %gather3A_576, %get3A_634 : vector<16xf32>
        %swap3A_636 = arith.index_cast %add3A_580 : i32 to index
        %swap3A_637 = arith.constant 80 : index
        %swap3A_638 = tpu.vector_load %arg11[%swap3A_636, %swap3A_637] {strides = array<i32>} : memref<80x128xf32, #tpu.memory_space<vmem>>, vector<1x16xf32>,
        %swap3A_639 = vector.shape_cast %swap3A_638 : vector<1x16xf32> to vector<16xf32>
        %swap3A_640 = vector.shape_cast %mul3A_635 : vector<16xf32> to vector<1x16xf32>
        tpu.vector_store %arg11[%swap3A_636, %swap3A_637], %swap3A_640 {strides = array<i32>} : memref<80x128xf32, #tpu.memory_space<vmem>>, vector<1x16xf32>,
        %get3A_641 = arith.index_cast %add3A_580 : i32 to index
        %get3A_642 = arith.constant 96 : index
        %get3A_643 = tpu.vector_load %arg11[%get3A_641, %get3A_642] {strides = array<i32>} : memref<80x128xf32, #tpu.memory_space<vmem>>, vector<1x16xf32>,
        %get3A_644 = vector.shape_cast %get3A_643 : vector<1x16xf32> to vector<16xf32>
        %mul3A_645 = arith.mulf %gather3A_576, %get3A_644 : vector<16xf32>
        %swap3A_646 = arith.index_cast %add3A_580 : i32 to index
        %swap3A_647 = arith.constant 96 : index
        %swap3A_648 = tpu.vector_load %arg11[%swap3A_646, %swap3A_647] {strides = array<i32>} : memref<80x128xf32, #tpu.memory_space<vmem>>, vector<1x16xf32>,
        %swap3A_649 = vector.shape_cast %swap3A_648 : vector<1x16xf32> to vector<16xf32>
        %swap3A_650 = vector.shape_cast %mul3A_645 : vector<16xf32> to vector<1x16xf32>
        tpu.vector_store %arg11[%swap3A_646, %swap3A_647], %swap3A_650 {strides = array<i32>} : memref<80x128xf32, #tpu.memory_space<vmem>>, vector<1x16xf32>,
        %get3A_651 = arith.index_cast %add3A_580 : i32 to index
        %get3A_652 = arith.constant 112 : index
        %get3A_653 = tpu.vector_load %arg11[%get3A_651, %get3A_652] {strides = array<i32>} : memref<80x128xf32, #tpu.memory_space<vmem>>, vector<1x16xf32>,
        %get3A_654 = vector.shape_cast %get3A_653 : vector<1x16xf32> to vector<16xf32>
        %mul3A_655 = arith.mulf %gather3A_576, %get3A_654 : vector<16xf32>
        %swap3A_656 = arith.index_cast %add3A_580 : i32 to index
        %swap3A_657 = arith.constant 112 : index
        %swap3A_658 = tpu.vector_load %arg11[%swap3A_656, %swap3A_657] {strides = array<i32>} : memref<80x128xf32, #tpu.memory_space<vmem>>, vector<1x16xf32>,
        %swap3A_659 = vector.shape_cast %swap3A_658 : vector<1x16xf32> to vector<16xf32>
        %swap3A_660 = vector.shape_cast %mul3A_655 : vector<16xf32> to vector<1x16xf32>
        tpu.vector_store %arg11[%swap3A_656, %swap3A_657], %swap3A_660 {strides = array<i32>} : memref<80x128xf32, #tpu.memory_space<vmem>>, vector<1x16xf32>,
        %broadcast_in_dim3A_661 = arith.constant 6 : i32
        %broadcast_in_dim3A_662 = vector.broadcast %broadcast_in_dim3A_661 : i32 to vector<16x1xi32>
        %gather3A_663 = vector.shape_cast %broadcast_in_dim3A_662 : vector<16x1xi32> to vector<16xi32>
        %gather3A_664 = tpu.dynamic_gather %get3A_135[%gather3A_663] in [0] : vector<16xf32>, vector<16xi32> -> vector<16xf32>
        %mul3A_665 = arith.constant 16 : i32
        %mul3A_666 = arith.muli %scan3A_131, %mul3A_665 : i32
        %add3A_667 = arith.constant 6 : i32
        %add3A_668 = arith.addi %mul3A_666, %add3A_667 : i32
        %get3A_669 = arith.index_cast %add3A_668 : i32 to index
        %get3A_670 = arith.constant 0 : index
        %get3A_671 = tpu.vector_load %arg11[%get3A_669, %get3A_670] {strides = array<i32>} : memref<80x128xf32, #tpu.memory_space<vmem>>, vector<1x16xf32>,
        %get3A_672 = vector.shape_cast %get3A_671 : vector<1x16xf32> to vector<16xf32>
        %mul3A_673 = arith.mulf %gather3A_664, %get3A_672 : vector<16xf32>
        %swap3A_674 = arith.index_cast %add3A_668 : i32 to index
        %swap3A_675 = arith.constant 0 : index
        %swap3A_676 = tpu.vector_load %arg11[%swap3A_674, %swap3A_675] {strides = array<i32>} : memref<80x128xf32, #tpu.memory_space<vmem>>, vector<1x16xf32>,
        %swap3A_677 = vector.shape_cast %swap3A_676 : vector<1x16xf32> to vector<16xf32>
        %swap3A_678 = vector.shape_cast %mul3A_673 : vector<16xf32> to vector<1x16xf32>
        tpu.vector_store %arg11[%swap3A_674, %swap3A_675], %swap3A_678 {strides = array<i32>} : memref<80x128xf32, #tpu.memory_space<vmem>>, vector<1x16xf32>,
        %get3A_679 = arith.index_cast %add3A_668 : i32 to index
        %get3A_680 = arith.constant 16 : index
        %get3A_681 = tpu.vector_load %arg11[%get3A_679, %get3A_680] {strides = array<i32>} : memref<80x128xf32, #tpu.memory_space<vmem>>, vector<1x16xf32>,
        %get3A_682 = vector.shape_cast %get3A_681 : vector<1x16xf32> to vector<16xf32>
        %mul3A_683 = arith.mulf %gather3A_664, %get3A_682 : vector<16xf32>
        %swap3A_684 = arith.index_cast %add3A_668 : i32 to index
        %swap3A_685 = arith.constant 16 : index
        %swap3A_686 = tpu.vector_load %arg11[%swap3A_684, %swap3A_685] {strides = array<i32>} : memref<80x128xf32, #tpu.memory_space<vmem>>, vector<1x16xf32>,
        %swap3A_687 = vector.shape_cast %swap3A_686 : vector<1x16xf32> to vector<16xf32>
        %swap3A_688 = vector.shape_cast %mul3A_683 : vector<16xf32> to vector<1x16xf32>
        tpu.vector_store %arg11[%swap3A_684, %swap3A_685], %swap3A_688 {strides = array<i32>} : memref<80x128xf32, #tpu.memory_space<vmem>>, vector<1x16xf32>,
        %get3A_689 = arith.index_cast %add3A_668 : i32 to index
        %get3A_690 = arith.constant 32 : index
        %get3A_691 = tpu.vector_load %arg11[%get3A_689, %get3A_690] {strides = array<i32>} : memref<80x128xf32, #tpu.memory_space<vmem>>, vector<1x16xf32>,
        %get3A_692 = vector.shape_cast %get3A_691 : vector<1x16xf32> to vector<16xf32>
        %mul3A_693 = arith.mulf %gather3A_664, %get3A_692 : vector<16xf32>
        %swap3A_694 = arith.index_cast %add3A_668 : i32 to index
        %swap3A_695 = arith.constant 32 : index
        %swap3A_696 = tpu.vector_load %arg11[%swap3A_694, %swap3A_695] {strides = array<i32>} : memref<80x128xf32, #tpu.memory_space<vmem>>, vector<1x16xf32>,
        %swap3A_697 = vector.shape_cast %swap3A_696 : vector<1x16xf32> to vector<16xf32>
        %swap3A_698 = vector.shape_cast %mul3A_693 : vector<16xf32> to vector<1x16xf32>
        tpu.vector_store %arg11[%swap3A_694, %swap3A_695], %swap3A_698 {strides = array<i32>} : memref<80x128xf32, #tpu.memory_space<vmem>>, vector<1x16xf32>,
        %get3A_699 = arith.index_cast %add3A_668 : i32 to index
        %get3A_700 = arith.constant 48 : index
        %get3A_701 = tpu.vector_load %arg11[%get3A_699, %get3A_700] {strides = array<i32>} : memref<80x128xf32, #tpu.memory_space<vmem>>, vector<1x16xf32>,
        %get3A_702 = vector.shape_cast %get3A_701 : vector<1x16xf32> to vector<16xf32>
        %mul3A_703 = arith.mulf %gather3A_664, %get3A_702 : vector<16xf32>
        %swap3A_704 = arith.index_cast %add3A_668 : i32 to index
        %swap3A_705 = arith.constant 48 : index
        %swap3A_706 = tpu.vector_load %arg11[%swap3A_704, %swap3A_705] {strides = array<i32>} : memref<80x128xf32, #tpu.memory_space<vmem>>, vector<1x16xf32>,
        %swap3A_707 = vector.shape_cast %swap3A_706 : vector<1x16xf32> to vector<16xf32>
        %swap3A_708 = vector.shape_cast %mul3A_703 : vector<16xf32> to vector<1x16xf32>
        tpu.vector_store %arg11[%swap3A_704, %swap3A_705], %swap3A_708 {strides = array<i32>} : memref<80x128xf32, #tpu.memory_space<vmem>>, vector<1x16xf32>,
        %get3A_709 = arith.index_cast %add3A_668 : i32 to index
        %get3A_710 = arith.constant 64 : index
        %get3A_711 = tpu.vector_load %arg11[%get3A_709, %get3A_710] {strides = array<i32>} : memref<80x128xf32, #tpu.memory_space<vmem>>, vector<1x16xf32>,
        %get3A_712 = vector.shape_cast %get3A_711 : vector<1x16xf32> to vector<16xf32>
        %mul3A_713 = arith.mulf %gather3A_664, %get3A_712 : vector<16xf32>
        %swap3A_714 = arith.index_cast %add3A_668 : i32 to index
        %swap3A_715 = arith.constant 64 : index
        %swap3A_716 = tpu.vector_load %arg11[%swap3A_714, %swap3A_715] {strides = array<i32>} : memref<80x128xf32, #tpu.memory_space<vmem>>, vector<1x16xf32>,
        %swap3A_717 = vector.shape_cast %swap3A_716 : vector<1x16xf32> to vector<16xf32>
        %swap3A_718 = vector.shape_cast %mul3A_713 : vector<16xf32> to vector<1x16xf32>
        tpu.vector_store %arg11[%swap3A_714, %swap3A_715], %swap3A_718 {strides = array<i32>} : memref<80x128xf32, #tpu.memory_space<vmem>>, vector<1x16xf32>,
        %get3A_719 = arith.index_cast %add3A_668 : i32 to index
        %get3A_720 = arith.constant 80 : index
        %get3A_721 = tpu.vector_load %arg11[%get3A_719, %get3A_720] {strides = array<i32>} : memref<80x128xf32, #tpu.memory_space<vmem>>, vector<1x16xf32>,
        %get3A_722 = vector.shape_cast %get3A_721 : vector<1x16xf32> to vector<16xf32>
        %mul3A_723 = arith.mulf %gather3A_664, %get3A_722 : vector<16xf32>
        %swap3A_724 = arith.index_cast %add3A_668 : i32 to index
        %swap3A_725 = arith.constant 80 : index
        %swap3A_726 = tpu.vector_load %arg11[%swap3A_724, %swap3A_725] {strides = array<i32>} : memref<80x128xf32, #tpu.memory_space<vmem>>, vector<1x16xf32>,
        %swap3A_727 = vector.shape_cast %swap3A_726 : vector<1x16xf32> to vector<16xf32>
        %swap3A_728 = vector.shape_cast %mul3A_723 : vector<16xf32> to vector<1x16xf32>
        tpu.vector_store %arg11[%swap3A_724, %swap3A_725], %swap3A_728 {strides = array<i32>} : memref<80x128xf32, #tpu.memory_space<vmem>>, vector<1x16xf32>,
        %get3A_729 = arith.index_cast %add3A_668 : i32 to index
        %get3A_730 = arith.constant 96 : index
        %get3A_731 = tpu.vector_load %arg11[%get3A_729, %get3A_730] {strides = array<i32>} : memref<80x128xf32, #tpu.memory_space<vmem>>, vector<1x16xf32>,
        %get3A_732 = vector.shape_cast %get3A_731 : vector<1x16xf32> to vector<16xf32>
        %mul3A_733 = arith.mulf %gather3A_664, %get3A_732 : vector<16xf32>
        %swap3A_734 = arith.index_cast %add3A_668 : i32 to index
        %swap3A_735 = arith.constant 96 : index
        %swap3A_736 = tpu.vector_load %arg11[%swap3A_734, %swap3A_735] {strides = array<i32>} : memref<80x128xf32, #tpu.memory_space<vmem>>, vector<1x16xf32>,
        %swap3A_737 = vector.shape_cast %swap3A_736 : vector<1x16xf32> to vector<16xf32>
        %swap3A_738 = vector.shape_cast %mul3A_733 : vector<16xf32> to vector<1x16xf32>
        tpu.vector_store %arg11[%swap3A_734, %swap3A_735], %swap3A_738 {strides = array<i32>} : memref<80x128xf32, #tpu.memory_space<vmem>>, vector<1x16xf32>,
        %get3A_739 = arith.index_cast %add3A_668 : i32 to index
        %get3A_740 = arith.constant 112 : index
        %get3A_741 = tpu.vector_load %arg11[%get3A_739, %get3A_740] {strides = array<i32>} : memref<80x128xf32, #tpu.memory_space<vmem>>, vector<1x16xf32>,
        %get3A_742 = vector.shape_cast %get3A_741 : vector<1x16xf32> to vector<16xf32>
        %mul3A_743 = arith.mulf %gather3A_664, %get3A_742 : vector<16xf32>
        %swap3A_744 = arith.index_cast %add3A_668 : i32 to index
        %swap3A_745 = arith.constant 112 : index
        %swap3A_746 = tpu.vector_load %arg11[%swap3A_744, %swap3A_745] {strides = array<i32>} : memref<80x128xf32, #tpu.memory_space<vmem>>, vector<1x16xf32>,
        %swap3A_747 = vector.shape_cast %swap3A_746 : vector<1x16xf32> to vector<16xf32>
        %swap3A_748 = vector.shape_cast %mul3A_743 : vector<16xf32> to vector<1x16xf32>
        tpu.vector_store %arg11[%swap3A_744, %swap3A_745], %swap3A_748 {strides = array<i32>} : memref<80x128xf32, #tpu.memory_space<vmem>>, vector<1x16xf32>,
        %broadcast_in_dim3A_749 = arith.constant 7 : i32
        %broadcast_in_dim3A_750 = vector.broadcast %broadcast_in_dim3A_749 : i32 to vector<16x1xi32>
        %gather3A_751 = vector.shape_cast %broadcast_in_dim3A_750 : vector<16x1xi32> to vector<16xi32>
        %gather3A_752 = tpu.dynamic_gather %get3A_135[%gather3A_751] in [0] : vector<16xf32>, vector<16xi32> -> vector<16xf32>
        %mul3A_753 = arith.constant 16 : i32
        %mul3A_754 = arith.muli %scan3A_131, %mul3A_753 : i32
        %add3A_755 = arith.constant 7 : i32
        %add3A_756 = arith.addi %mul3A_754, %add3A_755 : i32
        %get3A_757 = arith.index_cast %add3A_756 : i32 to index
        %get3A_758 = arith.constant 0 : index
        %get3A_759 = tpu.vector_load %arg11[%get3A_757, %get3A_758] {strides = array<i32>} : memref<80x128xf32, #tpu.memory_space<vmem>>, vector<1x16xf32>,
        %get3A_760 = vector.shape_cast %get3A_759 : vector<1x16xf32> to vector<16xf32>
        %mul3A_761 = arith.mulf %gather3A_752, %get3A_760 : vector<16xf32>
        %swap3A_762 = arith.index_cast %add3A_756 : i32 to index
        %swap3A_763 = arith.constant 0 : index
        %swap3A_764 = tpu.vector_load %arg11[%swap3A_762, %swap3A_763] {strides = array<i32>} : memref<80x128xf32, #tpu.memory_space<vmem>>, vector<1x16xf32>,
        %swap3A_765 = vector.shape_cast %swap3A_764 : vector<1x16xf32> to vector<16xf32>
        %swap3A_766 = vector.shape_cast %mul3A_761 : vector<16xf32> to vector<1x16xf32>
        tpu.vector_store %arg11[%swap3A_762, %swap3A_763], %swap3A_766 {strides = array<i32>} : memref<80x128xf32, #tpu.memory_space<vmem>>, vector<1x16xf32>,
        %get3A_767 = arith.index_cast %add3A_756 : i32 to index
        %get3A_768 = arith.constant 16 : index
        %get3A_769 = tpu.vector_load %arg11[%get3A_767, %get3A_768] {strides = array<i32>} : memref<80x128xf32, #tpu.memory_space<vmem>>, vector<1x16xf32>,
        %get3A_770 = vector.shape_cast %get3A_769 : vector<1x16xf32> to vector<16xf32>
        %mul3A_771 = arith.mulf %gather3A_752, %get3A_770 : vector<16xf32>
        %swap3A_772 = arith.index_cast %add3A_756 : i32 to index
        %swap3A_773 = arith.constant 16 : index
        %swap3A_774 = tpu.vector_load %arg11[%swap3A_772, %swap3A_773] {strides = array<i32>} : memref<80x128xf32, #tpu.memory_space<vmem>>, vector<1x16xf32>,
        %swap3A_775 = vector.shape_cast %swap3A_774 : vector<1x16xf32> to vector<16xf32>
        %swap3A_776 = vector.shape_cast %mul3A_771 : vector<16xf32> to vector<1x16xf32>
        tpu.vector_store %arg11[%swap3A_772, %swap3A_773], %swap3A_776 {strides = array<i32>} : memref<80x128xf32, #tpu.memory_space<vmem>>, vector<1x16xf32>,
        %get3A_777 = arith.index_cast %add3A_756 : i32 to index
        %get3A_778 = arith.constant 32 : index
        %get3A_779 = tpu.vector_load %arg11[%get3A_777, %get3A_778] {strides = array<i32>} : memref<80x128xf32, #tpu.memory_space<vmem>>, vector<1x16xf32>,
        %get3A_780 = vector.shape_cast %get3A_779 : vector<1x16xf32> to vector<16xf32>
        %mul3A_781 = arith.mulf %gather3A_752, %get3A_780 : vector<16xf32>
        %swap3A_782 = arith.index_cast %add3A_756 : i32 to index
        %swap3A_783 = arith.constant 32 : index
        %swap3A_784 = tpu.vector_load %arg11[%swap3A_782, %swap3A_783] {strides = array<i32>} : memref<80x128xf32, #tpu.memory_space<vmem>>, vector<1x16xf32>,
        %swap3A_785 = vector.shape_cast %swap3A_784 : vector<1x16xf32> to vector<16xf32>
        %swap3A_786 = vector.shape_cast %mul3A_781 : vector<16xf32> to vector<1x16xf32>
        tpu.vector_store %arg11[%swap3A_782, %swap3A_783], %swap3A_786 {strides = array<i32>} : memref<80x128xf32, #tpu.memory_space<vmem>>, vector<1x16xf32>,
        %get3A_787 = arith.index_cast %add3A_756 : i32 to index
        %get3A_788 = arith.constant 48 : index
        %get3A_789 = tpu.vector_load %arg11[%get3A_787, %get3A_788] {strides = array<i32>} : memref<80x128xf32, #tpu.memory_space<vmem>>, vector<1x16xf32>,
        %get3A_790 = vector.shape_cast %get3A_789 : vector<1x16xf32> to vector<16xf32>
        %mul3A_791 = arith.mulf %gather3A_752, %get3A_790 : vector<16xf32>
        %swap3A_792 = arith.index_cast %add3A_756 : i32 to index
        %swap3A_793 = arith.constant 48 : index
        %swap3A_794 = tpu.vector_load %arg11[%swap3A_792, %swap3A_793] {strides = array<i32>} : memref<80x128xf32, #tpu.memory_space<vmem>>, vector<1x16xf32>,
        %swap3A_795 = vector.shape_cast %swap3A_794 : vector<1x16xf32> to vector<16xf32>
        %swap3A_796 = vector.shape_cast %mul3A_791 : vector<16xf32> to vector<1x16xf32>
        tpu.vector_store %arg11[%swap3A_792, %swap3A_793], %swap3A_796 {strides = array<i32>} : memref<80x128xf32, #tpu.memory_space<vmem>>, vector<1x16xf32>,
        %get3A_797 = arith.index_cast %add3A_756 : i32 to index
        %get3A_798 = arith.constant 64 : index
        %get3A_799 = tpu.vector_load %arg11[%get3A_797, %get3A_798] {strides = array<i32>} : memref<80x128xf32, #tpu.memory_space<vmem>>, vector<1x16xf32>,
        %get3A_800 = vector.shape_cast %get3A_799 : vector<1x16xf32> to vector<16xf32>
        %mul3A_801 = arith.mulf %gather3A_752, %get3A_800 : vector<16xf32>
        %swap3A_802 = arith.index_cast %add3A_756 : i32 to index
        %swap3A_803 = arith.constant 64 : index
        %swap3A_804 = tpu.vector_load %arg11[%swap3A_802, %swap3A_803] {strides = array<i32>} : memref<80x128xf32, #tpu.memory_space<vmem>>, vector<1x16xf32>,
        %swap3A_805 = vector.shape_cast %swap3A_804 : vector<1x16xf32> to vector<16xf32>
        %swap3A_806 = vector.shape_cast %mul3A_801 : vector<16xf32> to vector<1x16xf32>
        tpu.vector_store %arg11[%swap3A_802, %swap3A_803], %swap3A_806 {strides = array<i32>} : memref<80x128xf32, #tpu.memory_space<vmem>>, vector<1x16xf32>,
        %get3A_807 = arith.index_cast %add3A_756 : i32 to index
        %get3A_808 = arith.constant 80 : index
        %get3A_809 = tpu.vector_load %arg11[%get3A_807, %get3A_808] {strides = array<i32>} : memref<80x128xf32, #tpu.memory_space<vmem>>, vector<1x16xf32>,
        %get3A_810 = vector.shape_cast %get3A_809 : vector<1x16xf32> to vector<16xf32>
        %mul3A_811 = arith.mulf %gather3A_752, %get3A_810 : vector<16xf32>
        %swap3A_812 = arith.index_cast %add3A_756 : i32 to index
        %swap3A_813 = arith.constant 80 : index
        %swap3A_814 = tpu.vector_load %arg11[%swap3A_812, %swap3A_813] {strides = array<i32>} : memref<80x128xf32, #tpu.memory_space<vmem>>, vector<1x16xf32>,
        %swap3A_815 = vector.shape_cast %swap3A_814 : vector<1x16xf32> to vector<16xf32>
        %swap3A_816 = vector.shape_cast %mul3A_811 : vector<16xf32> to vector<1x16xf32>
        tpu.vector_store %arg11[%swap3A_812, %swap3A_813], %swap3A_816 {strides = array<i32>} : memref<80x128xf32, #tpu.memory_space<vmem>>, vector<1x16xf32>,
        %get3A_817 = arith.index_cast %add3A_756 : i32 to index
        %get3A_818 = arith.constant 96 : index
        %get3A_819 = tpu.vector_load %arg11[%get3A_817, %get3A_818] {strides = array<i32>} : memref<80x128xf32, #tpu.memory_space<vmem>>, vector<1x16xf32>,
        %get3A_820 = vector.shape_cast %get3A_819 : vector<1x16xf32> to vector<16xf32>
        %mul3A_821 = arith.mulf %gather3A_752, %get3A_820 : vector<16xf32>
        %swap3A_822 = arith.index_cast %add3A_756 : i32 to index
        %swap3A_823 = arith.constant 96 : index
        %swap3A_824 = tpu.vector_load %arg11[%swap3A_822, %swap3A_823] {strides = array<i32>} : memref<80x128xf32, #tpu.memory_space<vmem>>, vector<1x16xf32>,
        %swap3A_825 = vector.shape_cast %swap3A_824 : vector<1x16xf32> to vector<16xf32>
        %swap3A_826 = vector.shape_cast %mul3A_821 : vector<16xf32> to vector<1x16xf32>
        tpu.vector_store %arg11[%swap3A_822, %swap3A_823], %swap3A_826 {strides = array<i32>} : memref<80x128xf32, #tpu.memory_space<vmem>>, vector<1x16xf32>,
        %get3A_827 = arith.index_cast %add3A_756 : i32 to index
        %get3A_828 = arith.constant 112 : index
        %get3A_829 = tpu.vector_load %arg11[%get3A_827, %get3A_828] {strides = array<i32>} : memref<80x128xf32, #tpu.memory_space<vmem>>, vector<1x16xf32>,
        %get3A_830 = vector.shape_cast %get3A_829 : vector<1x16xf32> to vector<16xf32>
        %mul3A_831 = arith.mulf %gather3A_752, %get3A_830 : vector<16xf32>
        %swap3A_832 = arith.index_cast %add3A_756 : i32 to index
        %swap3A_833 = arith.constant 112 : index
        %swap3A_834 = tpu.vector_load %arg11[%swap3A_832, %swap3A_833] {strides = array<i32>} : memref<80x128xf32, #tpu.memory_space<vmem>>, vector<1x16xf32>,
        %swap3A_835 = vector.shape_cast %swap3A_834 : vector<1x16xf32> to vector<16xf32>
        %swap3A_836 = vector.shape_cast %mul3A_831 : vector<16xf32> to vector<1x16xf32>
        tpu.vector_store %arg11[%swap3A_832, %swap3A_833], %swap3A_836 {strides = array<i32>} : memref<80x128xf32, #tpu.memory_space<vmem>>, vector<1x16xf32>,
        %broadcast_in_dim3A_837 = arith.constant 8 : i32
        %broadcast_in_dim3A_838 = vector.broadcast %broadcast_in_dim3A_837 : i32 to vector<16x1xi32>
        %gather3A_839 = vector.shape_cast %broadcast_in_dim3A_838 : vector<16x1xi32> to vector<16xi32>
        %gather3A_840 = tpu.dynamic_gather %get3A_135[%gather3A_839] in [0] : vector<16xf32>, vector<16xi32> -> vector<16xf32>
        %mul3A_841 = arith.constant 16 : i32
        %mul3A_842 = arith.muli %scan3A_131, %mul3A_841 : i32
        %add3A_843 = arith.constant 8 : i32
        %add3A_844 = arith.addi %mul3A_842, %add3A_843 : i32
        %get3A_845 = arith.index_cast %add3A_844 : i32 to index
        %get3A_846 = arith.constant 0 : index
        %get3A_847 = tpu.vector_load %arg11[%get3A_845, %get3A_846] {strides = array<i32>} : memref<80x128xf32, #tpu.memory_space<vmem>>, vector<1x16xf32>,
        %get3A_848 = vector.shape_cast %get3A_847 : vector<1x16xf32> to vector<16xf32>
        %mul3A_849 = arith.mulf %gather3A_840, %get3A_848 : vector<16xf32>
        %swap3A_850 = arith.index_cast %add3A_844 : i32 to index
        %swap3A_851 = arith.constant 0 : index
        %swap3A_852 = tpu.vector_load %arg11[%swap3A_850, %swap3A_851] {strides = array<i32>} : memref<80x128xf32, #tpu.memory_space<vmem>>, vector<1x16xf32>,
        %swap3A_853 = vector.shape_cast %swap3A_852 : vector<1x16xf32> to vector<16xf32>
        %swap3A_854 = vector.shape_cast %mul3A_849 : vector<16xf32> to vector<1x16xf32>
        tpu.vector_store %arg11[%swap3A_850, %swap3A_851], %swap3A_854 {strides = array<i32>} : memref<80x128xf32, #tpu.memory_space<vmem>>, vector<1x16xf32>,
        %get3A_855 = arith.index_cast %add3A_844 : i32 to index
        %get3A_856 = arith.constant 16 : index
        %get3A_857 = tpu.vector_load %arg11[%get3A_855, %get3A_856] {strides = array<i32>} : memref<80x128xf32, #tpu.memory_space<vmem>>, vector<1x16xf32>,
        %get3A_858 = vector.shape_cast %get3A_857 : vector<1x16xf32> to vector<16xf32>
        %mul3A_859 = arith.mulf %gather3A_840, %get3A_858 : vector<16xf32>
        %swap3A_860 = arith.index_cast %add3A_844 : i32 to index
        %swap3A_861 = arith.constant 16 : index
        %swap3A_862 = tpu.vector_load %arg11[%swap3A_860, %swap3A_861] {strides = array<i32>} : memref<80x128xf32, #tpu.memory_space<vmem>>, vector<1x16xf32>,
        %swap3A_863 = vector.shape_cast %swap3A_862 : vector<1x16xf32> to vector<16xf32>
        %swap3A_864 = vector.shape_cast %mul3A_859 : vector<16xf32> to vector<1x16xf32>
        tpu.vector_store %arg11[%swap3A_860, %swap3A_861], %swap3A_864 {strides = array<i32>} : memref<80x128xf32, #tpu.memory_space<vmem>>, vector<1x16xf32>,
        %get3A_865 = arith.index_cast %add3A_844 : i32 to index
        %get3A_866 = arith.constant 32 : index
        %get3A_867 = tpu.vector_load %arg11[%get3A_865, %get3A_866] {strides = array<i32>} : memref<80x128xf32, #tpu.memory_space<vmem>>, vector<1x16xf32>,
        %get3A_868 = vector.shape_cast %get3A_867 : vector<1x16xf32> to vector<16xf32>
        %mul3A_869 = arith.mulf %gather3A_840, %get3A_868 : vector<16xf32>
        %swap3A_870 = arith.index_cast %add3A_844 : i32 to index
        %swap3A_871 = arith.constant 32 : index
        %swap3A_872 = tpu.vector_load %arg11[%swap3A_870, %swap3A_871] {strides = array<i32>} : memref<80x128xf32, #tpu.memory_space<vmem>>, vector<1x16xf32>,
        %swap3A_873 = vector.shape_cast %swap3A_872 : vector<1x16xf32> to vector<16xf32>
        %swap3A_874 = vector.shape_cast %mul3A_869 : vector<16xf32> to vector<1x16xf32>
        tpu.vector_store %arg11[%swap3A_870, %swap3A_871], %swap3A_874 {strides = array<i32>} : memref<80x128xf32, #tpu.memory_space<vmem>>, vector<1x16xf32>,
        %get3A_875 = arith.index_cast %add3A_844 : i32 to index
        %get3A_876 = arith.constant 48 : index
        %get3A_877 = tpu.vector_load %arg11[%get3A_875, %get3A_876] {strides = array<i32>} : memref<80x128xf32, #tpu.memory_space<vmem>>, vector<1x16xf32>,
        %get3A_878 = vector.shape_cast %get3A_877 : vector<1x16xf32> to vector<16xf32>
        %mul3A_879 = arith.mulf %gather3A_840, %get3A_878 : vector<16xf32>
        %swap3A_880 = arith.index_cast %add3A_844 : i32 to index
        %swap3A_881 = arith.constant 48 : index
        %swap3A_882 = tpu.vector_load %arg11[%swap3A_880, %swap3A_881] {strides = array<i32>} : memref<80x128xf32, #tpu.memory_space<vmem>>, vector<1x16xf32>,
        %swap3A_883 = vector.shape_cast %swap3A_882 : vector<1x16xf32> to vector<16xf32>
        %swap3A_884 = vector.shape_cast %mul3A_879 : vector<16xf32> to vector<1x16xf32>
        tpu.vector_store %arg11[%swap3A_880, %swap3A_881], %swap3A_884 {strides = array<i32>} : memref<80x128xf32, #tpu.memory_space<vmem>>, vector<1x16xf32>,
        %get3A_885 = arith.index_cast %add3A_844 : i32 to index
        %get3A_886 = arith.constant 64 : index
        %get3A_887 = tpu.vector_load %arg11[%get3A_885, %get3A_886] {strides = array<i32>} : memref<80x128xf32, #tpu.memory_space<vmem>>, vector<1x16xf32>,
        %get3A_888 = vector.shape_cast %get3A_887 : vector<1x16xf32> to vector<16xf32>
        %mul3A_889 = arith.mulf %gather3A_840, %get3A_888 : vector<16xf32>
        %swap3A_890 = arith.index_cast %add3A_844 : i32 to index
        %swap3A_891 = arith.constant 64 : index
        %swap3A_892 = tpu.vector_load %arg11[%swap3A_890, %swap3A_891] {strides = array<i32>} : memref<80x128xf32, #tpu.memory_space<vmem>>, vector<1x16xf32>,
        %swap3A_893 = vector.shape_cast %swap3A_892 : vector<1x16xf32> to vector<16xf32>
        %swap3A_894 = vector.shape_cast %mul3A_889 : vector<16xf32> to vector<1x16xf32>
        tpu.vector_store %arg11[%swap3A_890, %swap3A_891], %swap3A_894 {strides = array<i32>} : memref<80x128xf32, #tpu.memory_space<vmem>>, vector<1x16xf32>,
        %get3A_895 = arith.index_cast %add3A_844 : i32 to index
        %get3A_896 = arith.constant 80 : index
        %get3A_897 = tpu.vector_load %arg11[%get3A_895, %get3A_896] {strides = array<i32>} : memref<80x128xf32, #tpu.memory_space<vmem>>, vector<1x16xf32>,
        %get3A_898 = vector.shape_cast %get3A_897 : vector<1x16xf32> to vector<16xf32>
        %mul3A_899 = arith.mulf %gather3A_840, %get3A_898 : vector<16xf32>
        %swap3A_900 = arith.index_cast %add3A_844 : i32 to index
        %swap3A_901 = arith.constant 80 : index
        %swap3A_902 = tpu.vector_load %arg11[%swap3A_900, %swap3A_901] {strides = array<i32>} : memref<80x128xf32, #tpu.memory_space<vmem>>, vector<1x16xf32>,
        %swap3A_903 = vector.shape_cast %swap3A_902 : vector<1x16xf32> to vector<16xf32>
        %swap3A_904 = vector.shape_cast %mul3A_899 : vector<16xf32> to vector<1x16xf32>
        tpu.vector_store %arg11[%swap3A_900, %swap3A_901], %swap3A_904 {strides = array<i32>} : memref<80x128xf32, #tpu.memory_space<vmem>>, vector<1x16xf32>,
        %get3A_905 = arith.index_cast %add3A_844 : i32 to index
        %get3A_906 = arith.constant 96 : index
        %get3A_907 = tpu.vector_load %arg11[%get3A_905, %get3A_906] {strides = array<i32>} : memref<80x128xf32, #tpu.memory_space<vmem>>, vector<1x16xf32>,
        %get3A_908 = vector.shape_cast %get3A_907 : vector<1x16xf32> to vector<16xf32>
        %mul3A_909 = arith.mulf %gather3A_840, %get3A_908 : vector<16xf32>
        %swap3A_910 = arith.index_cast %add3A_844 : i32 to index
        %swap3A_911 = arith.constant 96 : index
        %swap3A_912 = tpu.vector_load %arg11[%swap3A_910, %swap3A_911] {strides = array<i32>} : memref<80x128xf32, #tpu.memory_space<vmem>>, vector<1x16xf32>,
        %swap3A_913 = vector.shape_cast %swap3A_912 : vector<1x16xf32> to vector<16xf32>
        %swap3A_914 = vector.shape_cast %mul3A_909 : vector<16xf32> to vector<1x16xf32>
        tpu.vector_store %arg11[%swap3A_910, %swap3A_911], %swap3A_914 {strides = array<i32>} : memref<80x128xf32, #tpu.memory_space<vmem>>, vector<1x16xf32>,
        %get3A_915 = arith.index_cast %add3A_844 : i32 to index
        %get3A_916 = arith.constant 112 : index
        %get3A_917 = tpu.vector_load %arg11[%get3A_915, %get3A_916] {strides = array<i32>} : memref<80x128xf32, #tpu.memory_space<vmem>>, vector<1x16xf32>,
        %get3A_918 = vector.shape_cast %get3A_917 : vector<1x16xf32> to vector<16xf32>
        %mul3A_919 = arith.mulf %gather3A_840, %get3A_918 : vector<16xf32>
        %swap3A_920 = arith.index_cast %add3A_844 : i32 to index
        %swap3A_921 = arith.constant 112 : index
        %swap3A_922 = tpu.vector_load %arg11[%swap3A_920, %swap3A_921] {strides = array<i32>} : memref<80x128xf32, #tpu.memory_space<vmem>>, vector<1x16xf32>,
        %swap3A_923 = vector.shape_cast %swap3A_922 : vector<1x16xf32> to vector<16xf32>
        %swap3A_924 = vector.shape_cast %mul3A_919 : vector<16xf32> to vector<1x16xf32>
        tpu.vector_store %arg11[%swap3A_920, %swap3A_921], %swap3A_924 {strides = array<i32>} : memref<80x128xf32, #tpu.memory_space<vmem>>, vector<1x16xf32>,
        %broadcast_in_dim3A_925 = arith.constant 9 : i32
        %broadcast_in_dim3A_926 = vector.broadcast %broadcast_in_dim3A_925 : i32 to vector<16x1xi32>
        %gather3A_927 = vector.shape_cast %broadcast_in_dim3A_926 : vector<16x1xi32> to vector<16xi32>
        %gather3A_928 = tpu.dynamic_gather %get3A_135[%gather3A_927] in [0] : vector<16xf32>, vector<16xi32> -> vector<16xf32>
        %mul3A_929 = arith.constant 16 : i32
        %mul3A_930 = arith.muli %scan3A_131, %mul3A_929 : i32
        %add3A_931 = arith.constant 9 : i32
        %add3A_932 = arith.addi %mul3A_930, %add3A_931 : i32
        %get3A_933 = arith.index_cast %add3A_932 : i32 to index
        %get3A_934 = arith.constant 0 : index
        %get3A_935 = tpu.vector_load %arg11[%get3A_933, %get3A_934] {strides = array<i32>} : memref<80x128xf32, #tpu.memory_space<vmem>>, vector<1x16xf32>,
        %get3A_936 = vector.shape_cast %get3A_935 : vector<1x16xf32> to vector<16xf32>
        %mul3A_937 = arith.mulf %gather3A_928, %get3A_936 : vector<16xf32>
        %swap3A_938 = arith.index_cast %add3A_932 : i32 to index
        %swap3A_939 = arith.constant 0 : index
        %swap3A_940 = tpu.vector_load %arg11[%swap3A_938, %swap3A_939] {strides = array<i32>} : memref<80x128xf32, #tpu.memory_space<vmem>>, vector<1x16xf32>,
        %swap3A_941 = vector.shape_cast %swap3A_940 : vector<1x16xf32> to vector<16xf32>
        %swap3A_942 = vector.shape_cast %mul3A_937 : vector<16xf32> to vector<1x16xf32>
        tpu.vector_store %arg11[%swap3A_938, %swap3A_939], %swap3A_942 {strides = array<i32>} : memref<80x128xf32, #tpu.memory_space<vmem>>, vector<1x16xf32>,
        %get3A_943 = arith.index_cast %add3A_932 : i32 to index
        %get3A_944 = arith.constant 16 : index
        %get3A_945 = tpu.vector_load %arg11[%get3A_943, %get3A_944] {strides = array<i32>} : memref<80x128xf32, #tpu.memory_space<vmem>>, vector<1x16xf32>,
        %get3A_946 = vector.shape_cast %get3A_945 : vector<1x16xf32> to vector<16xf32>
        %mul3A_947 = arith.mulf %gather3A_928, %get3A_946 : vector<16xf32>
        %swap3A_948 = arith.index_cast %add3A_932 : i32 to index
        %swap3A_949 = arith.constant 16 : index
        %swap3A_950 = tpu.vector_load %arg11[%swap3A_948, %swap3A_949] {strides = array<i32>} : memref<80x128xf32, #tpu.memory_space<vmem>>, vector<1x16xf32>,
        %swap3A_951 = vector.shape_cast %swap3A_950 : vector<1x16xf32> to vector<16xf32>
        %swap3A_952 = vector.shape_cast %mul3A_947 : vector<16xf32> to vector<1x16xf32>
        tpu.vector_store %arg11[%swap3A_948, %swap3A_949], %swap3A_952 {strides = array<i32>} : memref<80x128xf32, #tpu.memory_space<vmem>>, vector<1x16xf32>,
        %get3A_953 = arith.index_cast %add3A_932 : i32 to index
        %get3A_954 = arith.constant 32 : index
        %get3A_955 = tpu.vector_load %arg11[%get3A_953, %get3A_954] {strides = array<i32>} : memref<80x128xf32, #tpu.memory_space<vmem>>, vector<1x16xf32>,
        %get3A_956 = vector.shape_cast %get3A_955 : vector<1x16xf32> to vector<16xf32>
        %mul3A_957 = arith.mulf %gather3A_928, %get3A_956 : vector<16xf32>
        %swap3A_958 = arith.index_cast %add3A_932 : i32 to index
        %swap3A_959 = arith.constant 32 : index
        %swap3A_960 = tpu.vector_load %arg11[%swap3A_958, %swap3A_959] {strides = array<i32>} : memref<80x128xf32, #tpu.memory_space<vmem>>, vector<1x16xf32>,
        %swap3A_961 = vector.shape_cast %swap3A_960 : vector<1x16xf32> to vector<16xf32>
        %swap3A_962 = vector.shape_cast %mul3A_957 : vector<16xf32> to vector<1x16xf32>
        tpu.vector_store %arg11[%swap3A_958, %swap3A_959], %swap3A_962 {strides = array<i32>} : memref<80x128xf32, #tpu.memory_space<vmem>>, vector<1x16xf32>,
        %get3A_963 = arith.index_cast %add3A_932 : i32 to index
        %get3A_964 = arith.constant 48 : index
        %get3A_965 = tpu.vector_load %arg11[%get3A_963, %get3A_964] {strides = array<i32>} : memref<80x128xf32, #tpu.memory_space<vmem>>, vector<1x16xf32>,
        %get3A_966 = vector.shape_cast %get3A_965 : vector<1x16xf32> to vector<16xf32>
        %mul3A_967 = arith.mulf %gather3A_928, %get3A_966 : vector<16xf32>
        %swap3A_968 = arith.index_cast %add3A_932 : i32 to index
        %swap3A_969 = arith.constant 48 : index
        %swap3A_970 = tpu.vector_load %arg11[%swap3A_968, %swap3A_969] {strides = array<i32>} : memref<80x128xf32, #tpu.memory_space<vmem>>, vector<1x16xf32>,
        %swap3A_971 = vector.shape_cast %swap3A_970 : vector<1x16xf32> to vector<16xf32>
        %swap3A_972 = vector.shape_cast %mul3A_967 : vector<16xf32> to vector<1x16xf32>
        tpu.vector_store %arg11[%swap3A_968, %swap3A_969], %swap3A_972 {strides = array<i32>} : memref<80x128xf32, #tpu.memory_space<vmem>>, vector<1x16xf32>,
        %get3A_973 = arith.index_cast %add3A_932 : i32 to index
        %get3A_974 = arith.constant 64 : index
        %get3A_975 = tpu.vector_load %arg11[%get3A_973, %get3A_974] {strides = array<i32>} : memref<80x128xf32, #tpu.memory_space<vmem>>, vector<1x16xf32>,
        %get3A_976 = vector.shape_cast %get3A_975 : vector<1x16xf32> to vector<16xf32>
        %mul3A_977 = arith.mulf %gather3A_928, %get3A_976 : vector<16xf32>
        %swap3A_978 = arith.index_cast %add3A_932 : i32 to index
        %swap3A_979 = arith.constant 64 : index
        %swap3A_980 = tpu.vector_load %arg11[%swap3A_978, %swap3A_979] {strides = array<i32>} : memref<80x128xf32, #tpu.memory_space<vmem>>, vector<1x16xf32>,
        %swap3A_981 = vector.shape_cast %swap3A_980 : vector<1x16xf32> to vector<16xf32>
        %swap3A_982 = vector.shape_cast %mul3A_977 : vector<16xf32> to vector<1x16xf32>
        tpu.vector_store %arg11[%swap3A_978, %swap3A_979], %swap3A_982 {strides = array<i32>} : memref<80x128xf32, #tpu.memory_space<vmem>>, vector<1x16xf32>,
        %get3A_983 = arith.index_cast %add3A_932 : i32 to index
        %get3A_984 = arith.constant 80 : index
        %get3A_985 = tpu.vector_load %arg11[%get3A_983, %get3A_984] {strides = array<i32>} : memref<80x128xf32, #tpu.memory_space<vmem>>, vector<1x16xf32>,
        %get3A_986 = vector.shape_cast %get3A_985 : vector<1x16xf32> to vector<16xf32>
        %mul3A_987 = arith.mulf %gather3A_928, %get3A_986 : vector<16xf32>
        %swap3A_988 = arith.index_cast %add3A_932 : i32 to index
        %swap3A_989 = arith.constant 80 : index
        %swap3A_990 = tpu.vector_load %arg11[%swap3A_988, %swap3A_989] {strides = array<i32>} : memref<80x128xf32, #tpu.memory_space<vmem>>, vector<1x16xf32>,
        %swap3A_991 = vector.shape_cast %swap3A_990 : vector<1x16xf32> to vector<16xf32>
        %swap3A_992 = vector.shape_cast %mul3A_987 : vector<16xf32> to vector<1x16xf32>
        tpu.vector_store %arg11[%swap3A_988, %swap3A_989], %swap3A_992 {strides = array<i32>} : memref<80x128xf32, #tpu.memory_space<vmem>>, vector<1x16xf32>,
        %get3A_993 = arith.index_cast %add3A_932 : i32 to index
        %get3A_994 = arith.constant 96 : index
        %get3A_995 = tpu.vector_load %arg11[%get3A_993, %get3A_994] {strides = array<i32>} : memref<80x128xf32, #tpu.memory_space<vmem>>, vector<1x16xf32>,
        %get3A_996 = vector.shape_cast %get3A_995 : vector<1x16xf32> to vector<16xf32>
        %mul3A_997 = arith.mulf %gather3A_928, %get3A_996 : vector<16xf32>
        %swap3A_998 = arith.index_cast %add3A_932 : i32 to index
        %swap3A_999 = arith.constant 96 : index
        %swap3A_1000 = tpu.vector_load %arg11[%swap3A_998, %swap3A_999] {strides = array<i32>} : memref<80x128xf32, #tpu.memory_space<vmem>>, vector<1x16xf32>,
        %swap3A_1001 = vector.shape_cast %swap3A_1000 : vector<1x16xf32> to vector<16xf32>
        %swap3A_1002 = vector.shape_cast %mul3A_997 : vector<16xf32> to vector<1x16xf32>
        tpu.vector_store %arg11[%swap3A_998, %swap3A_999], %swap3A_1002 {strides = array<i32>} : memref<80x128xf32, #tpu.memory_space<vmem>>, vector<1x16xf32>,
        %get3A_1003 = arith.index_cast %add3A_932 : i32 to index
        %get3A_1004 = arith.constant 112 : index
        %get3A_1005 = tpu.vector_load %arg11[%get3A_1003, %get3A_1004] {strides = array<i32>} : memref<80x128xf32, #tpu.memory_space<vmem>>, vector<1x16xf32>,
        %get3A_1006 = vector.shape_cast %get3A_1005 : vector<1x16xf32> to vector<16xf32>
        %mul3A_1007 = arith.mulf %gather3A_928, %get3A_1006 : vector<16xf32>
        %swap3A_1008 = arith.index_cast %add3A_932 : i32 to index
        %swap3A_1009 = arith.constant 112 : index
        %swap3A_1010 = tpu.vector_load %arg11[%swap3A_1008, %swap3A_1009] {strides = array<i32>} : memref<80x128xf32, #tpu.memory_space<vmem>>, vector<1x16xf32>,
        %swap3A_1011 = vector.shape_cast %swap3A_1010 : vector<1x16xf32> to vector<16xf32>
        %swap3A_1012 = vector.shape_cast %mul3A_1007 : vector<16xf32> to vector<1x16xf32>
        tpu.vector_store %arg11[%swap3A_1008, %swap3A_1009], %swap3A_1012 {strides = array<i32>} : memref<80x128xf32, #tpu.memory_space<vmem>>, vector<1x16xf32>,
        %broadcast_in_dim3A_1013 = arith.constant 10 : i32
        %broadcast_in_dim3A_1014 = vector.broadcast %broadcast_in_dim3A_1013 : i32 to vector<16x1xi32>
        %gather3A_1015 = vector.shape_cast %broadcast_in_dim3A_1014 : vector<16x1xi32> to vector<16xi32>
        %gather3A_1016 = tpu.dynamic_gather %get3A_135[%gather3A_1015] in [0] : vector<16xf32>, vector<16xi32> -> vector<16xf32>
        %mul3A_1017 = arith.constant 16 : i32
        %mul3A_1018 = arith.muli %scan3A_131, %mul3A_1017 : i32
        %add3A_1019 = arith.constant 10 : i32
        %add3A_1020 = arith.addi %mul3A_1018, %add3A_1019 : i32
        %get3A_1021 = arith.index_cast %add3A_1020 : i32 to index
        %get3A_1022 = arith.constant 0 : index
        %get3A_1023 = tpu.vector_load %arg11[%get3A_1021, %get3A_1022] {strides = array<i32>} : memref<80x128xf32, #tpu.memory_space<vmem>>, vector<1x16xf32>,
        %get3A_1024 = vector.shape_cast %get3A_1023 : vector<1x16xf32> to vector<16xf32>
        %mul3A_1025 = arith.mulf %gather3A_1016, %get3A_1024 : vector<16xf32>
        %swap3A_1026 = arith.index_cast %add3A_1020 : i32 to index
        %swap3A_1027 = arith.constant 0 : index
        %swap3A_1028 = tpu.vector_load %arg11[%swap3A_1026, %swap3A_1027] {strides = array<i32>} : memref<80x128xf32, #tpu.memory_space<vmem>>, vector<1x16xf32>,
        %swap3A_1029 = vector.shape_cast %swap3A_1028 : vector<1x16xf32> to vector<16xf32>
        %swap3A_1030 = vector.shape_cast %mul3A_1025 : vector<16xf32> to vector<1x16xf32>
        tpu.vector_store %arg11[%swap3A_1026, %swap3A_1027], %swap3A_1030 {strides = array<i32>} : memref<80x128xf32, #tpu.memory_space<vmem>>, vector<1x16xf32>,
        %get3A_1031 = arith.index_cast %add3A_1020 : i32 to index
        %get3A_1032 = arith.constant 16 : index
        %get3A_1033 = tpu.vector_load %arg11[%get3A_1031, %get3A_1032] {strides = array<i32>} : memref<80x128xf32, #tpu.memory_space<vmem>>, vector<1x16xf32>,
        %get3A_1034 = vector.shape_cast %get3A_1033 : vector<1x16xf32> to vector<16xf32>
        %mul3A_1035 = arith.mulf %gather3A_1016, %get3A_1034 : vector<16xf32>
        %swap3A_1036 = arith.index_cast %add3A_1020 : i32 to index
        %swap3A_1037 = arith.constant 16 : index
        %swap3A_1038 = tpu.vector_load %arg11[%swap3A_1036, %swap3A_1037] {strides = array<i32>} : memref<80x128xf32, #tpu.memory_space<vmem>>, vector<1x16xf32>,
        %swap3A_1039 = vector.shape_cast %swap3A_1038 : vector<1x16xf32> to vector<16xf32>
        %swap3A_1040 = vector.shape_cast %mul3A_1035 : vector<16xf32> to vector<1x16xf32>
        tpu.vector_store %arg11[%swap3A_1036, %swap3A_1037], %swap3A_1040 {strides = array<i32>} : memref<80x128xf32, #tpu.memory_space<vmem>>, vector<1x16xf32>,
        %get3A_1041 = arith.index_cast %add3A_1020 : i32 to index
        %get3A_1042 = arith.constant 32 : index
        %get3A_1043 = tpu.vector_load %arg11[%get3A_1041, %get3A_1042] {strides = array<i32>} : memref<80x128xf32, #tpu.memory_space<vmem>>, vector<1x16xf32>,
        %get3A_1044 = vector.shape_cast %get3A_1043 : vector<1x16xf32> to vector<16xf32>
        %mul3A_1045 = arith.mulf %gather3A_1016, %get3A_1044 : vector<16xf32>
        %swap3A_1046 = arith.index_cast %add3A_1020 : i32 to index
        %swap3A_1047 = arith.constant 32 : index
        %swap3A_1048 = tpu.vector_load %arg11[%swap3A_1046, %swap3A_1047] {strides = array<i32>} : memref<80x128xf32, #tpu.memory_space<vmem>>, vector<1x16xf32>,
        %swap3A_1049 = vector.shape_cast %swap3A_1048 : vector<1x16xf32> to vector<16xf32>
        %swap3A_1050 = vector.shape_cast %mul3A_1045 : vector<16xf32> to vector<1x16xf32>
        tpu.vector_store %arg11[%swap3A_1046, %swap3A_1047], %swap3A_1050 {strides = array<i32>} : memref<80x128xf32, #tpu.memory_space<vmem>>, vector<1x16xf32>,
        %get3A_1051 = arith.index_cast %add3A_1020 : i32 to index
        %get3A_1052 = arith.constant 48 : index
        %get3A_1053 = tpu.vector_load %arg11[%get3A_1051, %get3A_1052] {strides = array<i32>} : memref<80x128xf32, #tpu.memory_space<vmem>>, vector<1x16xf32>,
        %get3A_1054 = vector.shape_cast %get3A_1053 : vector<1x16xf32> to vector<16xf32>
        %mul3A_1055 = arith.mulf %gather3A_1016, %get3A_1054 : vector<16xf32>
        %swap3A_1056 = arith.index_cast %add3A_1020 : i32 to index
        %swap3A_1057 = arith.constant 48 : index
        %swap3A_1058 = tpu.vector_load %arg11[%swap3A_1056, %swap3A_1057] {strides = array<i32>} : memref<80x128xf32, #tpu.memory_space<vmem>>, vector<1x16xf32>,
        %swap3A_1059 = vector.shape_cast %swap3A_1058 : vector<1x16xf32> to vector<16xf32>
        %swap3A_1060 = vector.shape_cast %mul3A_1055 : vector<16xf32> to vector<1x16xf32>
        tpu.vector_store %arg11[%swap3A_1056, %swap3A_1057], %swap3A_1060 {strides = array<i32>} : memref<80x128xf32, #tpu.memory_space<vmem>>, vector<1x16xf32>,
        %get3A_1061 = arith.index_cast %add3A_1020 : i32 to index
        %get3A_1062 = arith.constant 64 : index
        %get3A_1063 = tpu.vector_load %arg11[%get3A_1061, %get3A_1062] {strides = array<i32>} : memref<80x128xf32, #tpu.memory_space<vmem>>, vector<1x16xf32>,
        %get3A_1064 = vector.shape_cast %get3A_1063 : vector<1x16xf32> to vector<16xf32>
        %mul3A_1065 = arith.mulf %gather3A_1016, %get3A_1064 : vector<16xf32>
        %swap3A_1066 = arith.index_cast %add3A_1020 : i32 to index
        %swap3A_1067 = arith.constant 64 : index
        %swap3A_1068 = tpu.vector_load %arg11[%swap3A_1066, %swap3A_1067] {strides = array<i32>} : memref<80x128xf32, #tpu.memory_space<vmem>>, vector<1x16xf32>,
        %swap3A_1069 = vector.shape_cast %swap3A_1068 : vector<1x16xf32> to vector<16xf32>
        %swap3A_1070 = vector.shape_cast %mul3A_1065 : vector<16xf32> to vector<1x16xf32>
        tpu.vector_store %arg11[%swap3A_1066, %swap3A_1067], %swap3A_1070 {strides = array<i32>} : memref<80x128xf32, #tpu.memory_space<vmem>>, vector<1x16xf32>,
        %get3A_1071 = arith.index_cast %add3A_1020 : i32 to index
        %get3A_1072 = arith.constant 80 : index
        %get3A_1073 = tpu.vector_load %arg11[%get3A_1071, %get3A_1072] {strides = array<i32>} : memref<80x128xf32, #tpu.memory_space<vmem>>, vector<1x16xf32>,
        %get3A_1074 = vector.shape_cast %get3A_1073 : vector<1x16xf32> to vector<16xf32>
        %mul3A_1075 = arith.mulf %gather3A_1016, %get3A_1074 : vector<16xf32>
        %swap3A_1076 = arith.index_cast %add3A_1020 : i32 to index
        %swap3A_1077 = arith.constant 80 : index
        %swap3A_1078 = tpu.vector_load %arg11[%swap3A_1076, %swap3A_1077] {strides = array<i32>} : memref<80x128xf32, #tpu.memory_space<vmem>>, vector<1x16xf32>,
        %swap3A_1079 = vector.shape_cast %swap3A_1078 : vector<1x16xf32> to vector<16xf32>
        %swap3A_1080 = vector.shape_cast %mul3A_1075 : vector<16xf32> to vector<1x16xf32>
        tpu.vector_store %arg11[%swap3A_1076, %swap3A_1077], %swap3A_1080 {strides = array<i32>} : memref<80x128xf32, #tpu.memory_space<vmem>>, vector<1x16xf32>,
        %get3A_1081 = arith.index_cast %add3A_1020 : i32 to index
        %get3A_1082 = arith.constant 96 : index
        %get3A_1083 = tpu.vector_load %arg11[%get3A_1081, %get3A_1082] {strides = array<i32>} : memref<80x128xf32, #tpu.memory_space<vmem>>, vector<1x16xf32>,
        %get3A_1084 = vector.shape_cast %get3A_1083 : vector<1x16xf32> to vector<16xf32>
        %mul3A_1085 = arith.mulf %gather3A_1016, %get3A_1084 : vector<16xf32>
        %swap3A_1086 = arith.index_cast %add3A_1020 : i32 to index
        %swap3A_1087 = arith.constant 96 : index
        %swap3A_1088 = tpu.vector_load %arg11[%swap3A_1086, %swap3A_1087] {strides = array<i32>} : memref<80x128xf32, #tpu.memory_space<vmem>>, vector<1x16xf32>,
        %swap3A_1089 = vector.shape_cast %swap3A_1088 : vector<1x16xf32> to vector<16xf32>
        %swap3A_1090 = vector.shape_cast %mul3A_1085 : vector<16xf32> to vector<1x16xf32>
        tpu.vector_store %arg11[%swap3A_1086, %swap3A_1087], %swap3A_1090 {strides = array<i32>} : memref<80x128xf32, #tpu.memory_space<vmem>>, vector<1x16xf32>,
        %get3A_1091 = arith.index_cast %add3A_1020 : i32 to index
        %get3A_1092 = arith.constant 112 : index
        %get3A_1093 = tpu.vector_load %arg11[%get3A_1091, %get3A_1092] {strides = array<i32>} : memref<80x128xf32, #tpu.memory_space<vmem>>, vector<1x16xf32>,
        %get3A_1094 = vector.shape_cast %get3A_1093 : vector<1x16xf32> to vector<16xf32>
        %mul3A_1095 = arith.mulf %gather3A_1016, %get3A_1094 : vector<16xf32>
        %swap3A_1096 = arith.index_cast %add3A_1020 : i32 to index
        %swap3A_1097 = arith.constant 112 : index
        %swap3A_1098 = tpu.vector_load %arg11[%swap3A_1096, %swap3A_1097] {strides = array<i32>} : memref<80x128xf32, #tpu.memory_space<vmem>>, vector<1x16xf32>,
        %swap3A_1099 = vector.shape_cast %swap3A_1098 : vector<1x16xf32> to vector<16xf32>
        %swap3A_1100 = vector.shape_cast %mul3A_1095 : vector<16xf32> to vector<1x16xf32>
        tpu.vector_store %arg11[%swap3A_1096, %swap3A_1097], %swap3A_1100 {strides = array<i32>} : memref<80x128xf32, #tpu.memory_space<vmem>>, vector<1x16xf32>,
        %broadcast_in_dim3A_1101 = arith.constant 11 : i32
        %broadcast_in_dim3A_1102 = vector.broadcast %broadcast_in_dim3A_1101 : i32 to vector<16x1xi32>
        %gather3A_1103 = vector.shape_cast %broadcast_in_dim3A_1102 : vector<16x1xi32> to vector<16xi32>
        %gather3A_1104 = tpu.dynamic_gather %get3A_135[%gather3A_1103] in [0] : vector<16xf32>, vector<16xi32> -> vector<16xf32>
        %mul3A_1105 = arith.constant 16 : i32
        %mul3A_1106 = arith.muli %scan3A_131, %mul3A_1105 : i32
        %add3A_1107 = arith.constant 11 : i32
        %add3A_1108 = arith.addi %mul3A_1106, %add3A_1107 : i32
        %get3A_1109 = arith.index_cast %add3A_1108 : i32 to index
        %get3A_1110 = arith.constant 0 : index
        %get3A_1111 = tpu.vector_load %arg11[%get3A_1109, %get3A_1110] {strides = array<i32>} : memref<80x128xf32, #tpu.memory_space<vmem>>, vector<1x16xf32>,
        %get3A_1112 = vector.shape_cast %get3A_1111 : vector<1x16xf32> to vector<16xf32>
        %mul3A_1113 = arith.mulf %gather3A_1104, %get3A_1112 : vector<16xf32>
        %swap3A_1114 = arith.index_cast %add3A_1108 : i32 to index
        %swap3A_1115 = arith.constant 0 : index
        %swap3A_1116 = tpu.vector_load %arg11[%swap3A_1114, %swap3A_1115] {strides = array<i32>} : memref<80x128xf32, #tpu.memory_space<vmem>>, vector<1x16xf32>,
        %swap3A_1117 = vector.shape_cast %swap3A_1116 : vector<1x16xf32> to vector<16xf32>
        %swap3A_1118 = vector.shape_cast %mul3A_1113 : vector<16xf32> to vector<1x16xf32>
        tpu.vector_store %arg11[%swap3A_1114, %swap3A_1115], %swap3A_1118 {strides = array<i32>} : memref<80x128xf32, #tpu.memory_space<vmem>>, vector<1x16xf32>,
        %get3A_1119 = arith.index_cast %add3A_1108 : i32 to index
        %get3A_1120 = arith.constant 16 : index
        %get3A_1121 = tpu.vector_load %arg11[%get3A_1119, %get3A_1120] {strides = array<i32>} : memref<80x128xf32, #tpu.memory_space<vmem>>, vector<1x16xf32>,
        %get3A_1122 = vector.shape_cast %get3A_1121 : vector<1x16xf32> to vector<16xf32>
        %mul3A_1123 = arith.mulf %gather3A_1104, %get3A_1122 : vector<16xf32>
        %swap3A_1124 = arith.index_cast %add3A_1108 : i32 to index
        %swap3A_1125 = arith.constant 16 : index
        %swap3A_1126 = tpu.vector_load %arg11[%swap3A_1124, %swap3A_1125] {strides = array<i32>} : memref<80x128xf32, #tpu.memory_space<vmem>>, vector<1x16xf32>,
        %swap3A_1127 = vector.shape_cast %swap3A_1126 : vector<1x16xf32> to vector<16xf32>
        %swap3A_1128 = vector.shape_cast %mul3A_1123 : vector<16xf32> to vector<1x16xf32>
        tpu.vector_store %arg11[%swap3A_1124, %swap3A_1125], %swap3A_1128 {strides = array<i32>} : memref<80x128xf32, #tpu.memory_space<vmem>>, vector<1x16xf32>,
        %get3A_1129 = arith.index_cast %add3A_1108 : i32 to index
        %get3A_1130 = arith.constant 32 : index
        %get3A_1131 = tpu.vector_load %arg11[%get3A_1129, %get3A_1130] {strides = array<i32>} : memref<80x128xf32, #tpu.memory_space<vmem>>, vector<1x16xf32>,
        %get3A_1132 = vector.shape_cast %get3A_1131 : vector<1x16xf32> to vector<16xf32>
        %mul3A_1133 = arith.mulf %gather3A_1104, %get3A_1132 : vector<16xf32>
        %swap3A_1134 = arith.index_cast %add3A_1108 : i32 to index
        %swap3A_1135 = arith.constant 32 : index
        %swap3A_1136 = tpu.vector_load %arg11[%swap3A_1134, %swap3A_1135] {strides = array<i32>} : memref<80x128xf32, #tpu.memory_space<vmem>>, vector<1x16xf32>,
        %swap3A_1137 = vector.shape_cast %swap3A_1136 : vector<1x16xf32> to vector<16xf32>
        %swap3A_1138 = vector.shape_cast %mul3A_1133 : vector<16xf32> to vector<1x16xf32>
        tpu.vector_store %arg11[%swap3A_1134, %swap3A_1135], %swap3A_1138 {strides = array<i32>} : memref<80x128xf32, #tpu.memory_space<vmem>>, vector<1x16xf32>,
        %get3A_1139 = arith.index_cast %add3A_1108 : i32 to index
        %get3A_1140 = arith.constant 48 : index
        %get3A_1141 = tpu.vector_load %arg11[%get3A_1139, %get3A_1140] {strides = array<i32>} : memref<80x128xf32, #tpu.memory_space<vmem>>, vector<1x16xf32>,
        %get3A_1142 = vector.shape_cast %get3A_1141 : vector<1x16xf32> to vector<16xf32>
        %mul3A_1143 = arith.mulf %gather3A_1104, %get3A_1142 : vector<16xf32>
        %swap3A_1144 = arith.index_cast %add3A_1108 : i32 to index
        %swap3A_1145 = arith.constant 48 : index
        %swap3A_1146 = tpu.vector_load %arg11[%swap3A_1144, %swap3A_1145] {strides = array<i32>} : memref<80x128xf32, #tpu.memory_space<vmem>>, vector<1x16xf32>,
        %swap3A_1147 = vector.shape_cast %swap3A_1146 : vector<1x16xf32> to vector<16xf32>
        %swap3A_1148 = vector.shape_cast %mul3A_1143 : vector<16xf32> to vector<1x16xf32>
        tpu.vector_store %arg11[%swap3A_1144, %swap3A_1145], %swap3A_1148 {strides = array<i32>} : memref<80x128xf32, #tpu.memory_space<vmem>>, vector<1x16xf32>,
        %get3A_1149 = arith.index_cast %add3A_1108 : i32 to index
        %get3A_1150 = arith.constant 64 : index
        %get3A_1151 = tpu.vector_load %arg11[%get3A_1149, %get3A_1150] {strides = array<i32>} : memref<80x128xf32, #tpu.memory_space<vmem>>, vector<1x16xf32>,
        %get3A_1152 = vector.shape_cast %get3A_1151 : vector<1x16xf32> to vector<16xf32>
        %mul3A_1153 = arith.mulf %gather3A_1104, %get3A_1152 : vector<16xf32>
        %swap3A_1154 = arith.index_cast %add3A_1108 : i32 to index
        %swap3A_1155 = arith.constant 64 : index
        %swap3A_1156 = tpu.vector_load %arg11[%swap3A_1154, %swap3A_1155] {strides = array<i32>} : memref<80x128xf32, #tpu.memory_space<vmem>>, vector<1x16xf32>,
        %swap3A_1157 = vector.shape_cast %swap3A_1156 : vector<1x16xf32> to vector<16xf32>
        %swap3A_1158 = vector.shape_cast %mul3A_1153 : vector<16xf32> to vector<1x16xf32>
        tpu.vector_store %arg11[%swap3A_1154, %swap3A_1155], %swap3A_1158 {strides = array<i32>} : memref<80x128xf32, #tpu.memory_space<vmem>>, vector<1x16xf32>,
        %get3A_1159 = arith.index_cast %add3A_1108 : i32 to index
        %get3A_1160 = arith.constant 80 : index
        %get3A_1161 = tpu.vector_load %arg11[%get3A_1159, %get3A_1160] {strides = array<i32>} : memref<80x128xf32, #tpu.memory_space<vmem>>, vector<1x16xf32>,
        %get3A_1162 = vector.shape_cast %get3A_1161 : vector<1x16xf32> to vector<16xf32>
        %mul3A_1163 = arith.mulf %gather3A_1104, %get3A_1162 : vector<16xf32>
        %swap3A_1164 = arith.index_cast %add3A_1108 : i32 to index
        %swap3A_1165 = arith.constant 80 : index
        %swap3A_1166 = tpu.vector_load %arg11[%swap3A_1164, %swap3A_1165] {strides = array<i32>} : memref<80x128xf32, #tpu.memory_space<vmem>>, vector<1x16xf32>,
        %swap3A_1167 = vector.shape_cast %swap3A_1166 : vector<1x16xf32> to vector<16xf32>
        %swap3A_1168 = vector.shape_cast %mul3A_1163 : vector<16xf32> to vector<1x16xf32>
        tpu.vector_store %arg11[%swap3A_1164, %swap3A_1165], %swap3A_1168 {strides = array<i32>} : memref<80x128xf32, #tpu.memory_space<vmem>>, vector<1x16xf32>,
        %get3A_1169 = arith.index_cast %add3A_1108 : i32 to index
        %get3A_1170 = arith.constant 96 : index
        %get3A_1171 = tpu.vector_load %arg11[%get3A_1169, %get3A_1170] {strides = array<i32>} : memref<80x128xf32, #tpu.memory_space<vmem>>, vector<1x16xf32>,
        %get3A_1172 = vector.shape_cast %get3A_1171 : vector<1x16xf32> to vector<16xf32>
        %mul3A_1173 = arith.mulf %gather3A_1104, %get3A_1172 : vector<16xf32>
        %swap3A_1174 = arith.index_cast %add3A_1108 : i32 to index
        %swap3A_1175 = arith.constant 96 : index
        %swap3A_1176 = tpu.vector_load %arg11[%swap3A_1174, %swap3A_1175] {strides = array<i32>} : memref<80x128xf32, #tpu.memory_space<vmem>>, vector<1x16xf32>,
        %swap3A_1177 = vector.shape_cast %swap3A_1176 : vector<1x16xf32> to vector<16xf32>
        %swap3A_1178 = vector.shape_cast %mul3A_1173 : vector<16xf32> to vector<1x16xf32>
        tpu.vector_store %arg11[%swap3A_1174, %swap3A_1175], %swap3A_1178 {strides = array<i32>} : memref<80x128xf32, #tpu.memory_space<vmem>>, vector<1x16xf32>,
        %get3A_1179 = arith.index_cast %add3A_1108 : i32 to index
        %get3A_1180 = arith.constant 112 : index
        %get3A_1181 = tpu.vector_load %arg11[%get3A_1179, %get3A_1180] {strides = array<i32>} : memref<80x128xf32, #tpu.memory_space<vmem>>, vector<1x16xf32>,
        %get3A_1182 = vector.shape_cast %get3A_1181 : vector<1x16xf32> to vector<16xf32>
        %mul3A_1183 = arith.mulf %gather3A_1104, %get3A_1182 : vector<16xf32>
        %swap3A_1184 = arith.index_cast %add3A_1108 : i32 to index
        %swap3A_1185 = arith.constant 112 : index
        %swap3A_1186 = tpu.vector_load %arg11[%swap3A_1184, %swap3A_1185] {strides = array<i32>} : memref<80x128xf32, #tpu.memory_space<vmem>>, vector<1x16xf32>,
        %swap3A_1187 = vector.shape_cast %swap3A_1186 : vector<1x16xf32> to vector<16xf32>
        %swap3A_1188 = vector.shape_cast %mul3A_1183 : vector<16xf32> to vector<1x16xf32>
        tpu.vector_store %arg11[%swap3A_1184, %swap3A_1185], %swap3A_1188 {strides = array<i32>} : memref<80x128xf32, #tpu.memory_space<vmem>>, vector<1x16xf32>,
        %broadcast_in_dim3A_1189 = arith.constant 12 : i32
        %broadcast_in_dim3A_1190 = vector.broadcast %broadcast_in_dim3A_1189 : i32 to vector<16x1xi32>
        %gather3A_1191 = vector.shape_cast %broadcast_in_dim3A_1190 : vector<16x1xi32> to vector<16xi32>
        %gather3A_1192 = tpu.dynamic_gather %get3A_135[%gather3A_1191] in [0] : vector<16xf32>, vector<16xi32> -> vector<16xf32>
        %mul3A_1193 = arith.constant 16 : i32
        %mul3A_1194 = arith.muli %scan3A_131, %mul3A_1193 : i32
        %add3A_1195 = arith.constant 12 : i32
        %add3A_1196 = arith.addi %mul3A_1194, %add3A_1195 : i32
        %get3A_1197 = arith.index_cast %add3A_1196 : i32 to index
        %get3A_1198 = arith.constant 0 : index
        %get3A_1199 = tpu.vector_load %arg11[%get3A_1197, %get3A_1198] {strides = array<i32>} : memref<80x128xf32, #tpu.memory_space<vmem>>, vector<1x16xf32>,
        %get3A_1200 = vector.shape_cast %get3A_1199 : vector<1x16xf32> to vector<16xf32>
        %mul3A_1201 = arith.mulf %gather3A_1192, %get3A_1200 : vector<16xf32>
        %swap3A_1202 = arith.index_cast %add3A_1196 : i32 to index
        %swap3A_1203 = arith.constant 0 : index
        %swap3A_1204 = tpu.vector_load %arg11[%swap3A_1202, %swap3A_1203] {strides = array<i32>} : memref<80x128xf32, #tpu.memory_space<vmem>>, vector<1x16xf32>,
        %swap3A_1205 = vector.shape_cast %swap3A_1204 : vector<1x16xf32> to vector<16xf32>
        %swap3A_1206 = vector.shape_cast %mul3A_1201 : vector<16xf32> to vector<1x16xf32>
        tpu.vector_store %arg11[%swap3A_1202, %swap3A_1203], %swap3A_1206 {strides = array<i32>} : memref<80x128xf32, #tpu.memory_space<vmem>>, vector<1x16xf32>,
        %get3A_1207 = arith.index_cast %add3A_1196 : i32 to index
        %get3A_1208 = arith.constant 16 : index
        %get3A_1209 = tpu.vector_load %arg11[%get3A_1207, %get3A_1208] {strides = array<i32>} : memref<80x128xf32, #tpu.memory_space<vmem>>, vector<1x16xf32>,
        %get3A_1210 = vector.shape_cast %get3A_1209 : vector<1x16xf32> to vector<16xf32>
        %mul3A_1211 = arith.mulf %gather3A_1192, %get3A_1210 : vector<16xf32>
        %swap3A_1212 = arith.index_cast %add3A_1196 : i32 to index
        %swap3A_1213 = arith.constant 16 : index
        %swap3A_1214 = tpu.vector_load %arg11[%swap3A_1212, %swap3A_1213] {strides = array<i32>} : memref<80x128xf32, #tpu.memory_space<vmem>>, vector<1x16xf32>,
        %swap3A_1215 = vector.shape_cast %swap3A_1214 : vector<1x16xf32> to vector<16xf32>
        %swap3A_1216 = vector.shape_cast %mul3A_1211 : vector<16xf32> to vector<1x16xf32>
        tpu.vector_store %arg11[%swap3A_1212, %swap3A_1213], %swap3A_1216 {strides = array<i32>} : memref<80x128xf32, #tpu.memory_space<vmem>>, vector<1x16xf32>,
        %get3A_1217 = arith.index_cast %add3A_1196 : i32 to index
        %get3A_1218 = arith.constant 32 : index
        %get3A_1219 = tpu.vector_load %arg11[%get3A_1217, %get3A_1218] {strides = array<i32>} : memref<80x128xf32, #tpu.memory_space<vmem>>, vector<1x16xf32>,
        %get3A_1220 = vector.shape_cast %get3A_1219 : vector<1x16xf32> to vector<16xf32>
        %mul3A_1221 = arith.mulf %gather3A_1192, %get3A_1220 : vector<16xf32>
        %swap3A_1222 = arith.index_cast %add3A_1196 : i32 to index
        %swap3A_1223 = arith.constant 32 : index
        %swap3A_1224 = tpu.vector_load %arg11[%swap3A_1222, %swap3A_1223] {strides = array<i32>} : memref<80x128xf32, #tpu.memory_space<vmem>>, vector<1x16xf32>,
        %swap3A_1225 = vector.shape_cast %swap3A_1224 : vector<1x16xf32> to vector<16xf32>
        %swap3A_1226 = vector.shape_cast %mul3A_1221 : vector<16xf32> to vector<1x16xf32>
        tpu.vector_store %arg11[%swap3A_1222, %swap3A_1223], %swap3A_1226 {strides = array<i32>} : memref<80x128xf32, #tpu.memory_space<vmem>>, vector<1x16xf32>,
        %get3A_1227 = arith.index_cast %add3A_1196 : i32 to index
        %get3A_1228 = arith.constant 48 : index
        %get3A_1229 = tpu.vector_load %arg11[%get3A_1227, %get3A_1228] {strides = array<i32>} : memref<80x128xf32, #tpu.memory_space<vmem>>, vector<1x16xf32>,
        %get3A_1230 = vector.shape_cast %get3A_1229 : vector<1x16xf32> to vector<16xf32>
        %mul3A_1231 = arith.mulf %gather3A_1192, %get3A_1230 : vector<16xf32>
        %swap3A_1232 = arith.index_cast %add3A_1196 : i32 to index
        %swap3A_1233 = arith.constant 48 : index
        %swap3A_1234 = tpu.vector_load %arg11[%swap3A_1232, %swap3A_1233] {strides = array<i32>} : memref<80x128xf32, #tpu.memory_space<vmem>>, vector<1x16xf32>,
        %swap3A_1235 = vector.shape_cast %swap3A_1234 : vector<1x16xf32> to vector<16xf32>
        %swap3A_1236 = vector.shape_cast %mul3A_1231 : vector<16xf32> to vector<1x16xf32>
        tpu.vector_store %arg11[%swap3A_1232, %swap3A_1233], %swap3A_1236 {strides = array<i32>} : memref<80x128xf32, #tpu.memory_space<vmem>>, vector<1x16xf32>,
        %get3A_1237 = arith.index_cast %add3A_1196 : i32 to index
        %get3A_1238 = arith.constant 64 : index
        %get3A_1239 = tpu.vector_load %arg11[%get3A_1237, %get3A_1238] {strides = array<i32>} : memref<80x128xf32, #tpu.memory_space<vmem>>, vector<1x16xf32>,
        %get3A_1240 = vector.shape_cast %get3A_1239 : vector<1x16xf32> to vector<16xf32>
        %mul3A_1241 = arith.mulf %gather3A_1192, %get3A_1240 : vector<16xf32>
        %swap3A_1242 = arith.index_cast %add3A_1196 : i32 to index
        %swap3A_1243 = arith.constant 64 : index
        %swap3A_1244 = tpu.vector_load %arg11[%swap3A_1242, %swap3A_1243] {strides = array<i32>} : memref<80x128xf32, #tpu.memory_space<vmem>>, vector<1x16xf32>,
        %swap3A_1245 = vector.shape_cast %swap3A_1244 : vector<1x16xf32> to vector<16xf32>
        %swap3A_1246 = vector.shape_cast %mul3A_1241 : vector<16xf32> to vector<1x16xf32>
        tpu.vector_store %arg11[%swap3A_1242, %swap3A_1243], %swap3A_1246 {strides = array<i32>} : memref<80x128xf32, #tpu.memory_space<vmem>>, vector<1x16xf32>,
        %get3A_1247 = arith.index_cast %add3A_1196 : i32 to index
        %get3A_1248 = arith.constant 80 : index
        %get3A_1249 = tpu.vector_load %arg11[%get3A_1247, %get3A_1248] {strides = array<i32>} : memref<80x128xf32, #tpu.memory_space<vmem>>, vector<1x16xf32>,
        %get3A_1250 = vector.shape_cast %get3A_1249 : vector<1x16xf32> to vector<16xf32>
        %mul3A_1251 = arith.mulf %gather3A_1192, %get3A_1250 : vector<16xf32>
        %swap3A_1252 = arith.index_cast %add3A_1196 : i32 to index
        %swap3A_1253 = arith.constant 80 : index
        %swap3A_1254 = tpu.vector_load %arg11[%swap3A_1252, %swap3A_1253] {strides = array<i32>} : memref<80x128xf32, #tpu.memory_space<vmem>>, vector<1x16xf32>,
        %swap3A_1255 = vector.shape_cast %swap3A_1254 : vector<1x16xf32> to vector<16xf32>
        %swap3A_1256 = vector.shape_cast %mul3A_1251 : vector<16xf32> to vector<1x16xf32>
        tpu.vector_store %arg11[%swap3A_1252, %swap3A_1253], %swap3A_1256 {strides = array<i32>} : memref<80x128xf32, #tpu.memory_space<vmem>>, vector<1x16xf32>,
        %get3A_1257 = arith.index_cast %add3A_1196 : i32 to index
        %get3A_1258 = arith.constant 96 : index
        %get3A_1259 = tpu.vector_load %arg11[%get3A_1257, %get3A_1258] {strides = array<i32>} : memref<80x128xf32, #tpu.memory_space<vmem>>, vector<1x16xf32>,
        %get3A_1260 = vector.shape_cast %get3A_1259 : vector<1x16xf32> to vector<16xf32>
        %mul3A_1261 = arith.mulf %gather3A_1192, %get3A_1260 : vector<16xf32>
        %swap3A_1262 = arith.index_cast %add3A_1196 : i32 to index
        %swap3A_1263 = arith.constant 96 : index
        %swap3A_1264 = tpu.vector_load %arg11[%swap3A_1262, %swap3A_1263] {strides = array<i32>} : memref<80x128xf32, #tpu.memory_space<vmem>>, vector<1x16xf32>,
        %swap3A_1265 = vector.shape_cast %swap3A_1264 : vector<1x16xf32> to vector<16xf32>
        %swap3A_1266 = vector.shape_cast %mul3A_1261 : vector<16xf32> to vector<1x16xf32>
        tpu.vector_store %arg11[%swap3A_1262, %swap3A_1263], %swap3A_1266 {strides = array<i32>} : memref<80x128xf32, #tpu.memory_space<vmem>>, vector<1x16xf32>,
        %get3A_1267 = arith.index_cast %add3A_1196 : i32 to index
        %get3A_1268 = arith.constant 112 : index
        %get3A_1269 = tpu.vector_load %arg11[%get3A_1267, %get3A_1268] {strides = array<i32>} : memref<80x128xf32, #tpu.memory_space<vmem>>, vector<1x16xf32>,
        %get3A_1270 = vector.shape_cast %get3A_1269 : vector<1x16xf32> to vector<16xf32>
        %mul3A_1271 = arith.mulf %gather3A_1192, %get3A_1270 : vector<16xf32>
        %swap3A_1272 = arith.index_cast %add3A_1196 : i32 to index
        %swap3A_1273 = arith.constant 112 : index
        %swap3A_1274 = tpu.vector_load %arg11[%swap3A_1272, %swap3A_1273] {strides = array<i32>} : memref<80x128xf32, #tpu.memory_space<vmem>>, vector<1x16xf32>,
        %swap3A_1275 = vector.shape_cast %swap3A_1274 : vector<1x16xf32> to vector<16xf32>
        %swap3A_1276 = vector.shape_cast %mul3A_1271 : vector<16xf32> to vector<1x16xf32>
        tpu.vector_store %arg11[%swap3A_1272, %swap3A_1273], %swap3A_1276 {strides = array<i32>} : memref<80x128xf32, #tpu.memory_space<vmem>>, vector<1x16xf32>,
        %broadcast_in_dim3A_1277 = arith.constant 13 : i32
        %broadcast_in_dim3A_1278 = vector.broadcast %broadcast_in_dim3A_1277 : i32 to vector<16x1xi32>
        %gather3A_1279 = vector.shape_cast %broadcast_in_dim3A_1278 : vector<16x1xi32> to vector<16xi32>
        %gather3A_1280 = tpu.dynamic_gather %get3A_135[%gather3A_1279] in [0] : vector<16xf32>, vector<16xi32> -> vector<16xf32>
        %mul3A_1281 = arith.constant 16 : i32
        %mul3A_1282 = arith.muli %scan3A_131, %mul3A_1281 : i32
        %add3A_1283 = arith.constant 13 : i32
        %add3A_1284 = arith.addi %mul3A_1282, %add3A_1283 : i32
        %get3A_1285 = arith.index_cast %add3A_1284 : i32 to index
        %get3A_1286 = arith.constant 0 : index
        %get3A_1287 = tpu.vector_load %arg11[%get3A_1285, %get3A_1286] {strides = array<i32>} : memref<80x128xf32, #tpu.memory_space<vmem>>, vector<1x16xf32>,
        %get3A_1288 = vector.shape_cast %get3A_1287 : vector<1x16xf32> to vector<16xf32>
        %mul3A_1289 = arith.mulf %gather3A_1280, %get3A_1288 : vector<16xf32>
        %swap3A_1290 = arith.index_cast %add3A_1284 : i32 to index
        %swap3A_1291 = arith.constant 0 : index
        %swap3A_1292 = tpu.vector_load %arg11[%swap3A_1290, %swap3A_1291] {strides = array<i32>} : memref<80x128xf32, #tpu.memory_space<vmem>>, vector<1x16xf32>,
        %swap3A_1293 = vector.shape_cast %swap3A_1292 : vector<1x16xf32> to vector<16xf32>
        %swap3A_1294 = vector.shape_cast %mul3A_1289 : vector<16xf32> to vector<1x16xf32>
        tpu.vector_store %arg11[%swap3A_1290, %swap3A_1291], %swap3A_1294 {strides = array<i32>} : memref<80x128xf32, #tpu.memory_space<vmem>>, vector<1x16xf32>,
        %get3A_1295 = arith.index_cast %add3A_1284 : i32 to index
        %get3A_1296 = arith.constant 16 : index
        %get3A_1297 = tpu.vector_load %arg11[%get3A_1295, %get3A_1296] {strides = array<i32>} : memref<80x128xf32, #tpu.memory_space<vmem>>, vector<1x16xf32>,
        %get3A_1298 = vector.shape_cast %get3A_1297 : vector<1x16xf32> to vector<16xf32>
        %mul3A_1299 = arith.mulf %gather3A_1280, %get3A_1298 : vector<16xf32>
        %swap3A_1300 = arith.index_cast %add3A_1284 : i32 to index
        %swap3A_1301 = arith.constant 16 : index
        %swap3A_1302 = tpu.vector_load %arg11[%swap3A_1300, %swap3A_1301] {strides = array<i32>} : memref<80x128xf32, #tpu.memory_space<vmem>>, vector<1x16xf32>,
        %swap3A_1303 = vector.shape_cast %swap3A_1302 : vector<1x16xf32> to vector<16xf32>
        %swap3A_1304 = vector.shape_cast %mul3A_1299 : vector<16xf32> to vector<1x16xf32>
        tpu.vector_store %arg11[%swap3A_1300, %swap3A_1301], %swap3A_1304 {strides = array<i32>} : memref<80x128xf32, #tpu.memory_space<vmem>>, vector<1x16xf32>,
        %get3A_1305 = arith.index_cast %add3A_1284 : i32 to index
        %get3A_1306 = arith.constant 32 : index
        %get3A_1307 = tpu.vector_load %arg11[%get3A_1305, %get3A_1306] {strides = array<i32>} : memref<80x128xf32, #tpu.memory_space<vmem>>, vector<1x16xf32>,
        %get3A_1308 = vector.shape_cast %get3A_1307 : vector<1x16xf32> to vector<16xf32>
        %mul3A_1309 = arith.mulf %gather3A_1280, %get3A_1308 : vector<16xf32>
        %swap3A_1310 = arith.index_cast %add3A_1284 : i32 to index
        %swap3A_1311 = arith.constant 32 : index
        %swap3A_1312 = tpu.vector_load %arg11[%swap3A_1310, %swap3A_1311] {strides = array<i32>} : memref<80x128xf32, #tpu.memory_space<vmem>>, vector<1x16xf32>,
        %swap3A_1313 = vector.shape_cast %swap3A_1312 : vector<1x16xf32> to vector<16xf32>
        %swap3A_1314 = vector.shape_cast %mul3A_1309 : vector<16xf32> to vector<1x16xf32>
        tpu.vector_store %arg11[%swap3A_1310, %swap3A_1311], %swap3A_1314 {strides = array<i32>} : memref<80x128xf32, #tpu.memory_space<vmem>>, vector<1x16xf32>,
        %get3A_1315 = arith.index_cast %add3A_1284 : i32 to index
        %get3A_1316 = arith.constant 48 : index
        %get3A_1317 = tpu.vector_load %arg11[%get3A_1315, %get3A_1316] {strides = array<i32>} : memref<80x128xf32, #tpu.memory_space<vmem>>, vector<1x16xf32>,
        %get3A_1318 = vector.shape_cast %get3A_1317 : vector<1x16xf32> to vector<16xf32>
        %mul3A_1319 = arith.mulf %gather3A_1280, %get3A_1318 : vector<16xf32>
        %swap3A_1320 = arith.index_cast %add3A_1284 : i32 to index
        %swap3A_1321 = arith.constant 48 : index
        %swap3A_1322 = tpu.vector_load %arg11[%swap3A_1320, %swap3A_1321] {strides = array<i32>} : memref<80x128xf32, #tpu.memory_space<vmem>>, vector<1x16xf32>,
        %swap3A_1323 = vector.shape_cast %swap3A_1322 : vector<1x16xf32> to vector<16xf32>
        %swap3A_1324 = vector.shape_cast %mul3A_1319 : vector<16xf32> to vector<1x16xf32>
        tpu.vector_store %arg11[%swap3A_1320, %swap3A_1321], %swap3A_1324 {strides = array<i32>} : memref<80x128xf32, #tpu.memory_space<vmem>>, vector<1x16xf32>,
        %get3A_1325 = arith.index_cast %add3A_1284 : i32 to index
        %get3A_1326 = arith.constant 64 : index
        %get3A_1327 = tpu.vector_load %arg11[%get3A_1325, %get3A_1326] {strides = array<i32>} : memref<80x128xf32, #tpu.memory_space<vmem>>, vector<1x16xf32>,
        %get3A_1328 = vector.shape_cast %get3A_1327 : vector<1x16xf32> to vector<16xf32>
        %mul3A_1329 = arith.mulf %gather3A_1280, %get3A_1328 : vector<16xf32>
        %swap3A_1330 = arith.index_cast %add3A_1284 : i32 to index
        %swap3A_1331 = arith.constant 64 : index
        %swap3A_1332 = tpu.vector_load %arg11[%swap3A_1330, %swap3A_1331] {strides = array<i32>} : memref<80x128xf32, #tpu.memory_space<vmem>>, vector<1x16xf32>,
        %swap3A_1333 = vector.shape_cast %swap3A_1332 : vector<1x16xf32> to vector<16xf32>
        %swap3A_1334 = vector.shape_cast %mul3A_1329 : vector<16xf32> to vector<1x16xf32>
        tpu.vector_store %arg11[%swap3A_1330, %swap3A_1331], %swap3A_1334 {strides = array<i32>} : memref<80x128xf32, #tpu.memory_space<vmem>>, vector<1x16xf32>,
        %get3A_1335 = arith.index_cast %add3A_1284 : i32 to index
        %get3A_1336 = arith.constant 80 : index
        %get3A_1337 = tpu.vector_load %arg11[%get3A_1335, %get3A_1336] {strides = array<i32>} : memref<80x128xf32, #tpu.memory_space<vmem>>, vector<1x16xf32>,
        %get3A_1338 = vector.shape_cast %get3A_1337 : vector<1x16xf32> to vector<16xf32>
        %mul3A_1339 = arith.mulf %gather3A_1280, %get3A_1338 : vector<16xf32>
        %swap3A_1340 = arith.index_cast %add3A_1284 : i32 to index
        %swap3A_1341 = arith.constant 80 : index
        %swap3A_1342 = tpu.vector_load %arg11[%swap3A_1340, %swap3A_1341] {strides = array<i32>} : memref<80x128xf32, #tpu.memory_space<vmem>>, vector<1x16xf32>,
        %swap3A_1343 = vector.shape_cast %swap3A_1342 : vector<1x16xf32> to vector<16xf32>
        %swap3A_1344 = vector.shape_cast %mul3A_1339 : vector<16xf32> to vector<1x16xf32>
        tpu.vector_store %arg11[%swap3A_1340, %swap3A_1341], %swap3A_1344 {strides = array<i32>} : memref<80x128xf32, #tpu.memory_space<vmem>>, vector<1x16xf32>,
        %get3A_1345 = arith.index_cast %add3A_1284 : i32 to index
        %get3A_1346 = arith.constant 96 : index
        %get3A_1347 = tpu.vector_load %arg11[%get3A_1345, %get3A_1346] {strides = array<i32>} : memref<80x128xf32, #tpu.memory_space<vmem>>, vector<1x16xf32>,
        %get3A_1348 = vector.shape_cast %get3A_1347 : vector<1x16xf32> to vector<16xf32>
        %mul3A_1349 = arith.mulf %gather3A_1280, %get3A_1348 : vector<16xf32>
        %swap3A_1350 = arith.index_cast %add3A_1284 : i32 to index
        %swap3A_1351 = arith.constant 96 : index
        %swap3A_1352 = tpu.vector_load %arg11[%swap3A_1350, %swap3A_1351] {strides = array<i32>} : memref<80x128xf32, #tpu.memory_space<vmem>>, vector<1x16xf32>,
        %swap3A_1353 = vector.shape_cast %swap3A_1352 : vector<1x16xf32> to vector<16xf32>
        %swap3A_1354 = vector.shape_cast %mul3A_1349 : vector<16xf32> to vector<1x16xf32>
        tpu.vector_store %arg11[%swap3A_1350, %swap3A_1351], %swap3A_1354 {strides = array<i32>} : memref<80x128xf32, #tpu.memory_space<vmem>>, vector<1x16xf32>,
        %get3A_1355 = arith.index_cast %add3A_1284 : i32 to index
        %get3A_1356 = arith.constant 112 : index
        %get3A_1357 = tpu.vector_load %arg11[%get3A_1355, %get3A_1356] {strides = array<i32>} : memref<80x128xf32, #tpu.memory_space<vmem>>, vector<1x16xf32>,
        %get3A_1358 = vector.shape_cast %get3A_1357 : vector<1x16xf32> to vector<16xf32>
        %mul3A_1359 = arith.mulf %gather3A_1280, %get3A_1358 : vector<16xf32>
        %swap3A_1360 = arith.index_cast %add3A_1284 : i32 to index
        %swap3A_1361 = arith.constant 112 : index
        %swap3A_1362 = tpu.vector_load %arg11[%swap3A_1360, %swap3A_1361] {strides = array<i32>} : memref<80x128xf32, #tpu.memory_space<vmem>>, vector<1x16xf32>,
        %swap3A_1363 = vector.shape_cast %swap3A_1362 : vector<1x16xf32> to vector<16xf32>
        %swap3A_1364 = vector.shape_cast %mul3A_1359 : vector<16xf32> to vector<1x16xf32>
        tpu.vector_store %arg11[%swap3A_1360, %swap3A_1361], %swap3A_1364 {strides = array<i32>} : memref<80x128xf32, #tpu.memory_space<vmem>>, vector<1x16xf32>,
        %broadcast_in_dim3A_1365 = arith.constant 14 : i32
        %broadcast_in_dim3A_1366 = vector.broadcast %broadcast_in_dim3A_1365 : i32 to vector<16x1xi32>
        %gather3A_1367 = vector.shape_cast %broadcast_in_dim3A_1366 : vector<16x1xi32> to vector<16xi32>
        %gather3A_1368 = tpu.dynamic_gather %get3A_135[%gather3A_1367] in [0] : vector<16xf32>, vector<16xi32> -> vector<16xf32>
        %mul3A_1369 = arith.constant 16 : i32
        %mul3A_1370 = arith.muli %scan3A_131, %mul3A_1369 : i32
        %add3A_1371 = arith.constant 14 : i32
        %add3A_1372 = arith.addi %mul3A_1370, %add3A_1371 : i32
        %get3A_1373 = arith.index_cast %add3A_1372 : i32 to index
        %get3A_1374 = arith.constant 0 : index
        %get3A_1375 = tpu.vector_load %arg11[%get3A_1373, %get3A_1374] {strides = array<i32>} : memref<80x128xf32, #tpu.memory_space<vmem>>, vector<1x16xf32>,
        %get3A_1376 = vector.shape_cast %get3A_1375 : vector<1x16xf32> to vector<16xf32>
        %mul3A_1377 = arith.mulf %gather3A_1368, %get3A_1376 : vector<16xf32>
        %swap3A_1378 = arith.index_cast %add3A_1372 : i32 to index
        %swap3A_1379 = arith.constant 0 : index
        %swap3A_1380 = tpu.vector_load %arg11[%swap3A_1378, %swap3A_1379] {strides = array<i32>} : memref<80x128xf32, #tpu.memory_space<vmem>>, vector<1x16xf32>,
        %swap3A_1381 = vector.shape_cast %swap3A_1380 : vector<1x16xf32> to vector<16xf32>
        %swap3A_1382 = vector.shape_cast %mul3A_1377 : vector<16xf32> to vector<1x16xf32>
        tpu.vector_store %arg11[%swap3A_1378, %swap3A_1379], %swap3A_1382 {strides = array<i32>} : memref<80x128xf32, #tpu.memory_space<vmem>>, vector<1x16xf32>,
        %get3A_1383 = arith.index_cast %add3A_1372 : i32 to index
        %get3A_1384 = arith.constant 16 : index
        %get3A_1385 = tpu.vector_load %arg11[%get3A_1383, %get3A_1384] {strides = array<i32>} : memref<80x128xf32, #tpu.memory_space<vmem>>, vector<1x16xf32>,
        %get3A_1386 = vector.shape_cast %get3A_1385 : vector<1x16xf32> to vector<16xf32>
        %mul3A_1387 = arith.mulf %gather3A_1368, %get3A_1386 : vector<16xf32>
        %swap3A_1388 = arith.index_cast %add3A_1372 : i32 to index
        %swap3A_1389 = arith.constant 16 : index
        %swap3A_1390 = tpu.vector_load %arg11[%swap3A_1388, %swap3A_1389] {strides = array<i32>} : memref<80x128xf32, #tpu.memory_space<vmem>>, vector<1x16xf32>,
        %swap3A_1391 = vector.shape_cast %swap3A_1390 : vector<1x16xf32> to vector<16xf32>
        %swap3A_1392 = vector.shape_cast %mul3A_1387 : vector<16xf32> to vector<1x16xf32>
        tpu.vector_store %arg11[%swap3A_1388, %swap3A_1389], %swap3A_1392 {strides = array<i32>} : memref<80x128xf32, #tpu.memory_space<vmem>>, vector<1x16xf32>,
        %get3A_1393 = arith.index_cast %add3A_1372 : i32 to index
        %get3A_1394 = arith.constant 32 : index
        %get3A_1395 = tpu.vector_load %arg11[%get3A_1393, %get3A_1394] {strides = array<i32>} : memref<80x128xf32, #tpu.memory_space<vmem>>, vector<1x16xf32>,
        %get3A_1396 = vector.shape_cast %get3A_1395 : vector<1x16xf32> to vector<16xf32>
        %mul3A_1397 = arith.mulf %gather3A_1368, %get3A_1396 : vector<16xf32>
        %swap3A_1398 = arith.index_cast %add3A_1372 : i32 to index
        %swap3A_1399 = arith.constant 32 : index
        %swap3A_1400 = tpu.vector_load %arg11[%swap3A_1398, %swap3A_1399] {strides = array<i32>} : memref<80x128xf32, #tpu.memory_space<vmem>>, vector<1x16xf32>,
        %swap3A_1401 = vector.shape_cast %swap3A_1400 : vector<1x16xf32> to vector<16xf32>
        %swap3A_1402 = vector.shape_cast %mul3A_1397 : vector<16xf32> to vector<1x16xf32>
        tpu.vector_store %arg11[%swap3A_1398, %swap3A_1399], %swap3A_1402 {strides = array<i32>} : memref<80x128xf32, #tpu.memory_space<vmem>>, vector<1x16xf32>,
        %get3A_1403 = arith.index_cast %add3A_1372 : i32 to index
        %get3A_1404 = arith.constant 48 : index
        %get3A_1405 = tpu.vector_load %arg11[%get3A_1403, %get3A_1404] {strides = array<i32>} : memref<80x128xf32, #tpu.memory_space<vmem>>, vector<1x16xf32>,
        %get3A_1406 = vector.shape_cast %get3A_1405 : vector<1x16xf32> to vector<16xf32>
        %mul3A_1407 = arith.mulf %gather3A_1368, %get3A_1406 : vector<16xf32>
        %swap3A_1408 = arith.index_cast %add3A_1372 : i32 to index
        %swap3A_1409 = arith.constant 48 : index
        %swap3A_1410 = tpu.vector_load %arg11[%swap3A_1408, %swap3A_1409] {strides = array<i32>} : memref<80x128xf32, #tpu.memory_space<vmem>>, vector<1x16xf32>,
        %swap3A_1411 = vector.shape_cast %swap3A_1410 : vector<1x16xf32> to vector<16xf32>
        %swap3A_1412 = vector.shape_cast %mul3A_1407 : vector<16xf32> to vector<1x16xf32>
        tpu.vector_store %arg11[%swap3A_1408, %swap3A_1409], %swap3A_1412 {strides = array<i32>} : memref<80x128xf32, #tpu.memory_space<vmem>>, vector<1x16xf32>,
        %get3A_1413 = arith.index_cast %add3A_1372 : i32 to index
        %get3A_1414 = arith.constant 64 : index
        %get3A_1415 = tpu.vector_load %arg11[%get3A_1413, %get3A_1414] {strides = array<i32>} : memref<80x128xf32, #tpu.memory_space<vmem>>, vector<1x16xf32>,
        %get3A_1416 = vector.shape_cast %get3A_1415 : vector<1x16xf32> to vector<16xf32>
        %mul3A_1417 = arith.mulf %gather3A_1368, %get3A_1416 : vector<16xf32>
        %swap3A_1418 = arith.index_cast %add3A_1372 : i32 to index
        %swap3A_1419 = arith.constant 64 : index
        %swap3A_1420 = tpu.vector_load %arg11[%swap3A_1418, %swap3A_1419] {strides = array<i32>} : memref<80x128xf32, #tpu.memory_space<vmem>>, vector<1x16xf32>,
        %swap3A_1421 = vector.shape_cast %swap3A_1420 : vector<1x16xf32> to vector<16xf32>
        %swap3A_1422 = vector.shape_cast %mul3A_1417 : vector<16xf32> to vector<1x16xf32>
        tpu.vector_store %arg11[%swap3A_1418, %swap3A_1419], %swap3A_1422 {strides = array<i32>} : memref<80x128xf32, #tpu.memory_space<vmem>>, vector<1x16xf32>,
        %get3A_1423 = arith.index_cast %add3A_1372 : i32 to index
        %get3A_1424 = arith.constant 80 : index
        %get3A_1425 = tpu.vector_load %arg11[%get3A_1423, %get3A_1424] {strides = array<i32>} : memref<80x128xf32, #tpu.memory_space<vmem>>, vector<1x16xf32>,
        %get3A_1426 = vector.shape_cast %get3A_1425 : vector<1x16xf32> to vector<16xf32>
        %mul3A_1427 = arith.mulf %gather3A_1368, %get3A_1426 : vector<16xf32>
        %swap3A_1428 = arith.index_cast %add3A_1372 : i32 to index
        %swap3A_1429 = arith.constant 80 : index
        %swap3A_1430 = tpu.vector_load %arg11[%swap3A_1428, %swap3A_1429] {strides = array<i32>} : memref<80x128xf32, #tpu.memory_space<vmem>>, vector<1x16xf32>,
        %swap3A_1431 = vector.shape_cast %swap3A_1430 : vector<1x16xf32> to vector<16xf32>
        %swap3A_1432 = vector.shape_cast %mul3A_1427 : vector<16xf32> to vector<1x16xf32>
        tpu.vector_store %arg11[%swap3A_1428, %swap3A_1429], %swap3A_1432 {strides = array<i32>} : memref<80x128xf32, #tpu.memory_space<vmem>>, vector<1x16xf32>,
        %get3A_1433 = arith.index_cast %add3A_1372 : i32 to index
        %get3A_1434 = arith.constant 96 : index
        %get3A_1435 = tpu.vector_load %arg11[%get3A_1433, %get3A_1434] {strides = array<i32>} : memref<80x128xf32, #tpu.memory_space<vmem>>, vector<1x16xf32>,
        %get3A_1436 = vector.shape_cast %get3A_1435 : vector<1x16xf32> to vector<16xf32>
        %mul3A_1437 = arith.mulf %gather3A_1368, %get3A_1436 : vector<16xf32>
        %swap3A_1438 = arith.index_cast %add3A_1372 : i32 to index
        %swap3A_1439 = arith.constant 96 : index
        %swap3A_1440 = tpu.vector_load %arg11[%swap3A_1438, %swap3A_1439] {strides = array<i32>} : memref<80x128xf32, #tpu.memory_space<vmem>>, vector<1x16xf32>,
        %swap3A_1441 = vector.shape_cast %swap3A_1440 : vector<1x16xf32> to vector<16xf32>
        %swap3A_1442 = vector.shape_cast %mul3A_1437 : vector<16xf32> to vector<1x16xf32>
        tpu.vector_store %arg11[%swap3A_1438, %swap3A_1439], %swap3A_1442 {strides = array<i32>} : memref<80x128xf32, #tpu.memory_space<vmem>>, vector<1x16xf32>,
        %get3A_1443 = arith.index_cast %add3A_1372 : i32 to index
        %get3A_1444 = arith.constant 112 : index
        %get3A_1445 = tpu.vector_load %arg11[%get3A_1443, %get3A_1444] {strides = array<i32>} : memref<80x128xf32, #tpu.memory_space<vmem>>, vector<1x16xf32>,
        %get3A_1446 = vector.shape_cast %get3A_1445 : vector<1x16xf32> to vector<16xf32>
        %mul3A_1447 = arith.mulf %gather3A_1368, %get3A_1446 : vector<16xf32>
        %swap3A_1448 = arith.index_cast %add3A_1372 : i32 to index
        %swap3A_1449 = arith.constant 112 : index
        %swap3A_1450 = tpu.vector_load %arg11[%swap3A_1448, %swap3A_1449] {strides = array<i32>} : memref<80x128xf32, #tpu.memory_space<vmem>>, vector<1x16xf32>,
        %swap3A_1451 = vector.shape_cast %swap3A_1450 : vector<1x16xf32> to vector<16xf32>
        %swap3A_1452 = vector.shape_cast %mul3A_1447 : vector<16xf32> to vector<1x16xf32>
        tpu.vector_store %arg11[%swap3A_1448, %swap3A_1449], %swap3A_1452 {strides = array<i32>} : memref<80x128xf32, #tpu.memory_space<vmem>>, vector<1x16xf32>,
        %broadcast_in_dim3A_1453 = arith.constant 15 : i32
        %broadcast_in_dim3A_1454 = vector.broadcast %broadcast_in_dim3A_1453 : i32 to vector<16x1xi32>
        %gather3A_1455 = vector.shape_cast %broadcast_in_dim3A_1454 : vector<16x1xi32> to vector<16xi32>
        %gather3A_1456 = tpu.dynamic_gather %get3A_135[%gather3A_1455] in [0] : vector<16xf32>, vector<16xi32> -> vector<16xf32>
        %mul3A_1457 = arith.constant 16 : i32
        %mul3A_1458 = arith.muli %scan3A_131, %mul3A_1457 : i32
        %add3A_1459 = arith.constant 15 : i32
        %add3A_1460 = arith.addi %mul3A_1458, %add3A_1459 : i32
        %get3A_1461 = arith.index_cast %add3A_1460 : i32 to index
        %get3A_1462 = arith.constant 0 : index
        %get3A_1463 = tpu.vector_load %arg11[%get3A_1461, %get3A_1462] {strides = array<i32>} : memref<80x128xf32, #tpu.memory_space<vmem>>, vector<1x16xf32>,
        %get3A_1464 = vector.shape_cast %get3A_1463 : vector<1x16xf32> to vector<16xf32>
        %mul3A_1465 = arith.mulf %gather3A_1456, %get3A_1464 : vector<16xf32>
        %swap3A_1466 = arith.index_cast %add3A_1460 : i32 to index
        %swap3A_1467 = arith.constant 0 : index
        %swap3A_1468 = tpu.vector_load %arg11[%swap3A_1466, %swap3A_1467] {strides = array<i32>} : memref<80x128xf32, #tpu.memory_space<vmem>>, vector<1x16xf32>,
        %swap3A_1469 = vector.shape_cast %swap3A_1468 : vector<1x16xf32> to vector<16xf32>
        %swap3A_1470 = vector.shape_cast %mul3A_1465 : vector<16xf32> to vector<1x16xf32>
        tpu.vector_store %arg11[%swap3A_1466, %swap3A_1467], %swap3A_1470 {strides = array<i32>} : memref<80x128xf32, #tpu.memory_space<vmem>>, vector<1x16xf32>,
        %get3A_1471 = arith.index_cast %add3A_1460 : i32 to index
        %get3A_1472 = arith.constant 16 : index
        %get3A_1473 = tpu.vector_load %arg11[%get3A_1471, %get3A_1472] {strides = array<i32>} : memref<80x128xf32, #tpu.memory_space<vmem>>, vector<1x16xf32>,
        %get3A_1474 = vector.shape_cast %get3A_1473 : vector<1x16xf32> to vector<16xf32>
        %mul3A_1475 = arith.mulf %gather3A_1456, %get3A_1474 : vector<16xf32>
        %swap3A_1476 = arith.index_cast %add3A_1460 : i32 to index
        %swap3A_1477 = arith.constant 16 : index
        %swap3A_1478 = tpu.vector_load %arg11[%swap3A_1476, %swap3A_1477] {strides = array<i32>} : memref<80x128xf32, #tpu.memory_space<vmem>>, vector<1x16xf32>,
        %swap3A_1479 = vector.shape_cast %swap3A_1478 : vector<1x16xf32> to vector<16xf32>
        %swap3A_1480 = vector.shape_cast %mul3A_1475 : vector<16xf32> to vector<1x16xf32>
        tpu.vector_store %arg11[%swap3A_1476, %swap3A_1477], %swap3A_1480 {strides = array<i32>} : memref<80x128xf32, #tpu.memory_space<vmem>>, vector<1x16xf32>,
        %get3A_1481 = arith.index_cast %add3A_1460 : i32 to index
        %get3A_1482 = arith.constant 32 : index
        %get3A_1483 = tpu.vector_load %arg11[%get3A_1481, %get3A_1482] {strides = array<i32>} : memref<80x128xf32, #tpu.memory_space<vmem>>, vector<1x16xf32>,
        %get3A_1484 = vector.shape_cast %get3A_1483 : vector<1x16xf32> to vector<16xf32>
        %mul3A_1485 = arith.mulf %gather3A_1456, %get3A_1484 : vector<16xf32>
        %swap3A_1486 = arith.index_cast %add3A_1460 : i32 to index
        %swap3A_1487 = arith.constant 32 : index
        %swap3A_1488 = tpu.vector_load %arg11[%swap3A_1486, %swap3A_1487] {strides = array<i32>} : memref<80x128xf32, #tpu.memory_space<vmem>>, vector<1x16xf32>,
        %swap3A_1489 = vector.shape_cast %swap3A_1488 : vector<1x16xf32> to vector<16xf32>
        %swap3A_1490 = vector.shape_cast %mul3A_1485 : vector<16xf32> to vector<1x16xf32>
        tpu.vector_store %arg11[%swap3A_1486, %swap3A_1487], %swap3A_1490 {strides = array<i32>} : memref<80x128xf32, #tpu.memory_space<vmem>>, vector<1x16xf32>,
        %get3A_1491 = arith.index_cast %add3A_1460 : i32 to index
        %get3A_1492 = arith.constant 48 : index
        %get3A_1493 = tpu.vector_load %arg11[%get3A_1491, %get3A_1492] {strides = array<i32>} : memref<80x128xf32, #tpu.memory_space<vmem>>, vector<1x16xf32>,
        %get3A_1494 = vector.shape_cast %get3A_1493 : vector<1x16xf32> to vector<16xf32>
        %mul3A_1495 = arith.mulf %gather3A_1456, %get3A_1494 : vector<16xf32>
        %swap3A_1496 = arith.index_cast %add3A_1460 : i32 to index
        %swap3A_1497 = arith.constant 48 : index
        %swap3A_1498 = tpu.vector_load %arg11[%swap3A_1496, %swap3A_1497] {strides = array<i32>} : memref<80x128xf32, #tpu.memory_space<vmem>>, vector<1x16xf32>,
        %swap3A_1499 = vector.shape_cast %swap3A_1498 : vector<1x16xf32> to vector<16xf32>
        %swap3A_1500 = vector.shape_cast %mul3A_1495 : vector<16xf32> to vector<1x16xf32>
        tpu.vector_store %arg11[%swap3A_1496, %swap3A_1497], %swap3A_1500 {strides = array<i32>} : memref<80x128xf32, #tpu.memory_space<vmem>>, vector<1x16xf32>,
        %get3A_1501 = arith.index_cast %add3A_1460 : i32 to index
        %get3A_1502 = arith.constant 64 : index
        %get3A_1503 = tpu.vector_load %arg11[%get3A_1501, %get3A_1502] {strides = array<i32>} : memref<80x128xf32, #tpu.memory_space<vmem>>, vector<1x16xf32>,
        %get3A_1504 = vector.shape_cast %get3A_1503 : vector<1x16xf32> to vector<16xf32>
        %mul3A_1505 = arith.mulf %gather3A_1456, %get3A_1504 : vector<16xf32>
        %swap3A_1506 = arith.index_cast %add3A_1460 : i32 to index
        %swap3A_1507 = arith.constant 64 : index
        %swap3A_1508 = tpu.vector_load %arg11[%swap3A_1506, %swap3A_1507] {strides = array<i32>} : memref<80x128xf32, #tpu.memory_space<vmem>>, vector<1x16xf32>,
        %swap3A_1509 = vector.shape_cast %swap3A_1508 : vector<1x16xf32> to vector<16xf32>
        %swap3A_1510 = vector.shape_cast %mul3A_1505 : vector<16xf32> to vector<1x16xf32>
        tpu.vector_store %arg11[%swap3A_1506, %swap3A_1507], %swap3A_1510 {strides = array<i32>} : memref<80x128xf32, #tpu.memory_space<vmem>>, vector<1x16xf32>,
        %get3A_1511 = arith.index_cast %add3A_1460 : i32 to index
        %get3A_1512 = arith.constant 80 : index
        %get3A_1513 = tpu.vector_load %arg11[%get3A_1511, %get3A_1512] {strides = array<i32>} : memref<80x128xf32, #tpu.memory_space<vmem>>, vector<1x16xf32>,
        %get3A_1514 = vector.shape_cast %get3A_1513 : vector<1x16xf32> to vector<16xf32>
        %mul3A_1515 = arith.mulf %gather3A_1456, %get3A_1514 : vector<16xf32>
        %swap3A_1516 = arith.index_cast %add3A_1460 : i32 to index
        %swap3A_1517 = arith.constant 80 : index
        %swap3A_1518 = tpu.vector_load %arg11[%swap3A_1516, %swap3A_1517] {strides = array<i32>} : memref<80x128xf32, #tpu.memory_space<vmem>>, vector<1x16xf32>,
        %swap3A_1519 = vector.shape_cast %swap3A_1518 : vector<1x16xf32> to vector<16xf32>
        %swap3A_1520 = vector.shape_cast %mul3A_1515 : vector<16xf32> to vector<1x16xf32>
        tpu.vector_store %arg11[%swap3A_1516, %swap3A_1517], %swap3A_1520 {strides = array<i32>} : memref<80x128xf32, #tpu.memory_space<vmem>>, vector<1x16xf32>,
        %get3A_1521 = arith.index_cast %add3A_1460 : i32 to index
        %get3A_1522 = arith.constant 96 : index
        %get3A_1523 = tpu.vector_load %arg11[%get3A_1521, %get3A_1522] {strides = array<i32>} : memref<80x128xf32, #tpu.memory_space<vmem>>, vector<1x16xf32>,
        %get3A_1524 = vector.shape_cast %get3A_1523 : vector<1x16xf32> to vector<16xf32>
        %mul3A_1525 = arith.mulf %gather3A_1456, %get3A_1524 : vector<16xf32>
        %swap3A_1526 = arith.index_cast %add3A_1460 : i32 to index
        %swap3A_1527 = arith.constant 96 : index
        %swap3A_1528 = tpu.vector_load %arg11[%swap3A_1526, %swap3A_1527] {strides = array<i32>} : memref<80x128xf32, #tpu.memory_space<vmem>>, vector<1x16xf32>,
        %swap3A_1529 = vector.shape_cast %swap3A_1528 : vector<1x16xf32> to vector<16xf32>
        %swap3A_1530 = vector.shape_cast %mul3A_1525 : vector<16xf32> to vector<1x16xf32>
        tpu.vector_store %arg11[%swap3A_1526, %swap3A_1527], %swap3A_1530 {strides = array<i32>} : memref<80x128xf32, #tpu.memory_space<vmem>>, vector<1x16xf32>,
        %get3A_1531 = arith.index_cast %add3A_1460 : i32 to index
        %get3A_1532 = arith.constant 112 : index
        %get3A_1533 = tpu.vector_load %arg11[%get3A_1531, %get3A_1532] {strides = array<i32>} : memref<80x128xf32, #tpu.memory_space<vmem>>, vector<1x16xf32>,
        %get3A_1534 = vector.shape_cast %get3A_1533 : vector<1x16xf32> to vector<16xf32>
        %mul3A_1535 = arith.mulf %gather3A_1456, %get3A_1534 : vector<16xf32>
        %swap3A_1536 = arith.index_cast %add3A_1460 : i32 to index
        %swap3A_1537 = arith.constant 112 : index
        %swap3A_1538 = tpu.vector_load %arg11[%swap3A_1536, %swap3A_1537] {strides = array<i32>} : memref<80x128xf32, #tpu.memory_space<vmem>>, vector<1x16xf32>,
        %swap3A_1539 = vector.shape_cast %swap3A_1538 : vector<1x16xf32> to vector<16xf32>
        %swap3A_1540 = vector.shape_cast %mul3A_1535 : vector<16xf32> to vector<1x16xf32>
        tpu.vector_store %arg11[%swap3A_1536, %swap3A_1537], %swap3A_1540 {strides = array<i32>} : memref<80x128xf32, #tpu.memory_space<vmem>>, vector<1x16xf32>,
      }
      %scan3A_130 = arith.constant 5 : i32
      "tpu.region"() ({
        %run_scoped3A = tpu.sem_alloc : memref<!tpu.dma_semaphore, #tpu.memory_space<semaphore_mem>>
        %dma_start3A_131 = arith.constant 0 : i32
        %dma_start3A_132 = arith.constant 0 : i32
        %dma_start3A_133 = tpu.memref_slice %arg7[%dma_start3A_131, %dma_start3A_132] : memref<10000x128xf32, #tpu.memory_space<vmem_shared>> -> memref<10000x128xf32, #tpu.memory_space<vmem_shared>>
        tpu.enqueue_indirect_dma source(%arg11 : memref<80x128xf32, #tpu.memory_space<vmem>>) target(%dma_start3A_133 : memref<10000x128xf32, #tpu.memory_space<vmem_shared>>) offsets(%arg9 : memref<80xi32, #tpu.memory_space<vmem>>) semaphore(%run_scoped3A : memref<!tpu.dma_semaphore, #tpu.memory_space<semaphore_mem>>) {add = true}
        %dma_wait3A_134 = arith.constant 0 : i32
        %dma_wait3A_135 = arith.constant 0 : i32
        %dma_wait3A_136 = tpu.memref_slice %arg7[%dma_wait3A_134, %dma_wait3A_135] : memref<10000x128xf32, #tpu.memory_space<vmem_shared>> -> memref<10000x128xf32, #tpu.memory_space<vmem_shared>>
        tpu.wait_indirect_dma semaphore(%run_scoped3A : memref<!tpu.dma_semaphore, #tpu.memory_space<semaphore_mem>>) src(%arg11 : memref<80x128xf32, #tpu.memory_space<vmem>>) dst(%dma_wait3A_136 : memref<10000x128xf32, #tpu.memory_space<vmem_shared>>)
        tpu.yield
      }) : () -> ()
    }
    %scan3A_45 = arith.constant 125 : i32
    %barrier3A_46 = arith.constant 0 : index
    tpu.barrier barrier_id(%barrier3A_46)
    %add3A_47 = arith.constant 0 : i32
    %add3A_48 = arith.addi %add3A_47, %arg1 : i32
    %mul3A_49 = arith.constant 80 : i32
    %mul3A_50 = arith.muli %add3A_48, %mul3A_49 : i32
    "tpu.region"() ({
      %run_scoped3A = tpu.sem_alloc : memref<!tpu.dma_semaphore, #tpu.memory_space<semaphore_mem>>
      %dma_start3A = arith.constant 0 : i32
      %dma_start3A_117 = tpu.memref_slice %arg7[%mul3A_50, %dma_start3A] : memref<10000x128xf32, #tpu.memory_space<vmem_shared>> -> memref<80x128xf32, #tpu.memory_space<vmem_shared>>
      %dma_start3A_118 = arith.constant 0 : i32
      %dma_start3A_119 = tpu.memref_slice %arg7[%mul3A_50, %dma_start3A_118] : memref<10000x128xf32, #tpu.memory_space<vmem_shared>> -> memref<80x128xf32, #tpu.memory_space<vmem_shared>>
      tpu.enqueue_dma source(%dma_start3A_119 : memref<80x128xf32, #tpu.memory_space<vmem_shared>>) target(%arg11 : memref<80x128xf32, #tpu.memory_space<vmem>>) target_semaphore(%run_scoped3A : memref<!tpu.dma_semaphore, #tpu.memory_space<semaphore_mem>>)
      %dma_wait3A = arith.constant 0 : i32
      %dma_wait3A_120 = tpu.memref_slice %arg7[%mul3A_50, %dma_wait3A] : memref<10000x128xf32, #tpu.memory_space<vmem_shared>> -> memref<80x128xf32, #tpu.memory_space<vmem_shared>>
      %dma_wait3A_121 = arith.constant 0 : i32
      %dma_wait3A_122 = tpu.memref_slice %arg7[%mul3A_50, %dma_wait3A_121] : memref<10000x128xf32, #tpu.memory_space<vmem_shared>> -> memref<80x128xf32, #tpu.memory_space<vmem_shared>>
      tpu.wait_dma2 semaphore(%run_scoped3A : memref<!tpu.dma_semaphore, #tpu.memory_space<semaphore_mem>>) src(%dma_wait3A_122 : memref<80x128xf32, #tpu.memory_space<vmem_shared>>) dst(%arg11 : memref<80x128xf32, #tpu.memory_space<vmem>>)
      tpu.yield
    }) : () -> ()
    %mul3A_51 = arith.constant 10000 : i32
    %mul3A_52 = arith.muli %arg0, %mul3A_51 : i32
    %mul3A_53 = arith.constant 80 : i32
    %mul3A_54 = arith.muli %add3A_48, %mul3A_53 : i32
    %add3A_55 = arith.addi %mul3A_52, %mul3A_54 : i32
    "tpu.region"() ({
      %run_scoped3A = tpu.sem_alloc : memref<!tpu.dma_semaphore, #tpu.memory_space<semaphore_mem>>
      %dma_start3A = arith.constant 0 : i32
      %dma_start3A_117 = tpu.memref_slice %arg6[%add3A_55, %dma_start3A] : memref<20000x128xf32, #tpu.memory_space<hbm>> -> memref<80x128xf32, #tpu.memory_space<hbm>>
      %dma_start3A_118 = arith.constant 0 : i32
      %dma_start3A_119 = tpu.memref_slice %arg6[%add3A_55, %dma_start3A_118] : memref<20000x128xf32, #tpu.memory_space<hbm>> -> memref<80x128xf32, #tpu.memory_space<hbm>>
      tpu.enqueue_dma source(%arg11 : memref<80x128xf32, #tpu.memory_space<vmem>>) target(%dma_start3A_119 : memref<80x128xf32, #tpu.memory_space<hbm>>) target_semaphore(%run_scoped3A : memref<!tpu.dma_semaphore, #tpu.memory_space<semaphore_mem>>)
      %dma_wait3A = arith.constant 0 : i32
      %dma_wait3A_120 = tpu.memref_slice %arg6[%add3A_55, %dma_wait3A] : memref<20000x128xf32, #tpu.memory_space<hbm>> -> memref<80x128xf32, #tpu.memory_space<hbm>>
      %dma_wait3A_121 = arith.constant 0 : i32
      %dma_wait3A_122 = tpu.memref_slice %arg6[%add3A_55, %dma_wait3A_121] : memref<20000x128xf32, #tpu.memory_space<hbm>> -> memref<80x128xf32, #tpu.memory_space<hbm>>
      tpu.wait_dma2 semaphore(%run_scoped3A : memref<!tpu.dma_semaphore, #tpu.memory_space<semaphore_mem>>) src(%arg11 : memref<80x128xf32, #tpu.memory_space<vmem>>) dst(%dma_wait3A_122 : memref<80x128xf32, #tpu.memory_space<hbm>>)
      tpu.yield
    }) : () -> ()
    %add3A_56 = arith.constant 16 : i32
    %add3A_57 = arith.addi %add3A_56, %arg1 : i32
    %mul3A_58 = arith.constant 80 : i32
    %mul3A_59 = arith.muli %add3A_57, %mul3A_58 : i32
    "tpu.region"() ({
      %run_scoped3A = tpu.sem_alloc : memref<!tpu.dma_semaphore, #tpu.memory_space<semaphore_mem>>
      %dma_start3A = arith.constant 0 : i32
      %dma_start3A_117 = tpu.memref_slice %arg7[%mul3A_59, %dma_start3A] : memref<10000x128xf32, #tpu.memory_space<vmem_shared>> -> memref<80x128xf32, #tpu.memory_space<vmem_shared>>
      %dma_start3A_118 = arith.constant 0 : i32
      %dma_start3A_119 = tpu.memref_slice %arg7[%mul3A_59, %dma_start3A_118] : memref<10000x128xf32, #tpu.memory_space<vmem_shared>> -> memref<80x128xf32, #tpu.memory_space<vmem_shared>>
      tpu.enqueue_dma source(%dma_start3A_119 : memref<80x128xf32, #tpu.memory_space<vmem_shared>>) target(%arg11 : memref<80x128xf32, #tpu.memory_space<vmem>>) target_semaphore(%run_scoped3A : memref<!tpu.dma_semaphore, #tpu.memory_space<semaphore_mem>>)
      %dma_wait3A = arith.constant 0 : i32
      %dma_wait3A_120 = tpu.memref_slice %arg7[%mul3A_59, %dma_wait3A] : memref<10000x128xf32, #tpu.memory_space<vmem_shared>> -> memref<80x128xf32, #tpu.memory_space<vmem_shared>>
      %dma_wait3A_121 = arith.constant 0 : i32
      %dma_wait3A_122 = tpu.memref_slice %arg7[%mul3A_59, %dma_wait3A_121] : memref<10000x128xf32, #tpu.memory_space<vmem_shared>> -> memref<80x128xf32, #tpu.memory_space<vmem_shared>>
      tpu.wait_dma2 semaphore(%run_scoped3A : memref<!tpu.dma_semaphore, #tpu.memory_space<semaphore_mem>>) src(%dma_wait3A_122 : memref<80x128xf32, #tpu.memory_space<vmem_shared>>) dst(%arg11 : memref<80x128xf32, #tpu.memory_space<vmem>>)
      tpu.yield
    }) : () -> ()
    %mul3A_60 = arith.constant 10000 : i32
    %mul3A_61 = arith.muli %arg0, %mul3A_60 : i32
    %mul3A_62 = arith.constant 80 : i32
    %mul3A_63 = arith.muli %add3A_57, %mul3A_62 : i32
    %add3A_64 = arith.addi %mul3A_61, %mul3A_63 : i32
    "tpu.region"() ({
      %run_scoped3A = tpu.sem_alloc : memref<!tpu.dma_semaphore, #tpu.memory_space<semaphore_mem>>
      %dma_start3A = arith.constant 0 : i32
      %dma_start3A_117 = tpu.memref_slice %arg6[%add3A_64, %dma_start3A] : memref<20000x128xf32, #tpu.memory_space<hbm>> -> memref<80x128xf32, #tpu.memory_space<hbm>>
      %dma_start3A_118 = arith.constant 0 : i32
      %dma_start3A_119 = tpu.memref_slice %arg6[%add3A_64, %dma_start3A_118] : memref<20000x128xf32, #tpu.memory_space<hbm>> -> memref<80x128xf32, #tpu.memory_space<hbm>>
      tpu.enqueue_dma source(%arg11 : memref<80x128xf32, #tpu.memory_space<vmem>>) target(%dma_start3A_119 : memref<80x128xf32, #tpu.memory_space<hbm>>) target_semaphore(%run_scoped3A : memref<!tpu.dma_semaphore, #tpu.memory_space<semaphore_mem>>)
      %dma_wait3A = arith.constant 0 : i32
      %dma_wait3A_120 = tpu.memref_slice %arg6[%add3A_64, %dma_wait3A] : memref<20000x128xf32, #tpu.memory_space<hbm>> -> memref<80x128xf32, #tpu.memory_space<hbm>>
      %dma_wait3A_121 = arith.constant 0 : i32
      %dma_wait3A_122 = tpu.memref_slice %arg6[%add3A_64, %dma_wait3A_121] : memref<20000x128xf32, #tpu.memory_space<hbm>> -> memref<80x128xf32, #tpu.memory_space<hbm>>
      tpu.wait_dma2 semaphore(%run_scoped3A : memref<!tpu.dma_semaphore, #tpu.memory_space<semaphore_mem>>) src(%arg11 : memref<80x128xf32, #tpu.memory_space<vmem>>) dst(%dma_wait3A_122 : memref<80x128xf32, #tpu.memory_space<hbm>>)
      tpu.yield
    }) : () -> ()
    %add3A_65 = arith.constant 32 : i32
    %add3A_66 = arith.addi %add3A_65, %arg1 : i32
    %mul3A_67 = arith.constant 80 : i32
    %mul3A_68 = arith.muli %add3A_66, %mul3A_67 : i32
    "tpu.region"() ({
      %run_scoped3A = tpu.sem_alloc : memref<!tpu.dma_semaphore, #tpu.memory_space<semaphore_mem>>
      %dma_start3A = arith.constant 0 : i32
      %dma_start3A_117 = tpu.memref_slice %arg7[%mul3A_68, %dma_start3A] : memref<10000x128xf32, #tpu.memory_space<vmem_shared>> -> memref<80x128xf32, #tpu.memory_space<vmem_shared>>
      %dma_start3A_118 = arith.constant 0 : i32
      %dma_start3A_119 = tpu.memref_slice %arg7[%mul3A_68, %dma_start3A_118] : memref<10000x128xf32, #tpu.memory_space<vmem_shared>> -> memref<80x128xf32, #tpu.memory_space<vmem_shared>>
      tpu.enqueue_dma source(%dma_start3A_119 : memref<80x128xf32, #tpu.memory_space<vmem_shared>>) target(%arg11 : memref<80x128xf32, #tpu.memory_space<vmem>>) target_semaphore(%run_scoped3A : memref<!tpu.dma_semaphore, #tpu.memory_space<semaphore_mem>>)
      %dma_wait3A = arith.constant 0 : i32
      %dma_wait3A_120 = tpu.memref_slice %arg7[%mul3A_68, %dma_wait3A] : memref<10000x128xf32, #tpu.memory_space<vmem_shared>> -> memref<80x128xf32, #tpu.memory_space<vmem_shared>>
      %dma_wait3A_121 = arith.constant 0 : i32
      %dma_wait3A_122 = tpu.memref_slice %arg7[%mul3A_68, %dma_wait3A_121] : memref<10000x128xf32, #tpu.memory_space<vmem_shared>> -> memref<80x128xf32, #tpu.memory_space<vmem_shared>>
      tpu.wait_dma2 semaphore(%run_scoped3A : memref<!tpu.dma_semaphore, #tpu.memory_space<semaphore_mem>>) src(%dma_wait3A_122 : memref<80x128xf32, #tpu.memory_space<vmem_shared>>) dst(%arg11 : memref<80x128xf32, #tpu.memory_space<vmem>>)
      tpu.yield
    }) : () -> ()
    %mul3A_69 = arith.constant 10000 : i32
    %mul3A_70 = arith.muli %arg0, %mul3A_69 : i32
    %mul3A_71 = arith.constant 80 : i32
    %mul3A_72 = arith.muli %add3A_66, %mul3A_71 : i32
    %add3A_73 = arith.addi %mul3A_70, %mul3A_72 : i32
    "tpu.region"() ({
      %run_scoped3A = tpu.sem_alloc : memref<!tpu.dma_semaphore, #tpu.memory_space<semaphore_mem>>
      %dma_start3A = arith.constant 0 : i32
      %dma_start3A_117 = tpu.memref_slice %arg6[%add3A_73, %dma_start3A] : memref<20000x128xf32, #tpu.memory_space<hbm>> -> memref<80x128xf32, #tpu.memory_space<hbm>>
      %dma_start3A_118 = arith.constant 0 : i32
      %dma_start3A_119 = tpu.memref_slice %arg6[%add3A_73, %dma_start3A_118] : memref<20000x128xf32, #tpu.memory_space<hbm>> -> memref<80x128xf32, #tpu.memory_space<hbm>>
      tpu.enqueue_dma source(%arg11 : memref<80x128xf32, #tpu.memory_space<vmem>>) target(%dma_start3A_119 : memref<80x128xf32, #tpu.memory_space<hbm>>) target_semaphore(%run_scoped3A : memref<!tpu.dma_semaphore, #tpu.memory_space<semaphore_mem>>)
      %dma_wait3A = arith.constant 0 : i32
      %dma_wait3A_120 = tpu.memref_slice %arg6[%add3A_73, %dma_wait3A] : memref<20000x128xf32, #tpu.memory_space<hbm>> -> memref<80x128xf32, #tpu.memory_space<hbm>>
      %dma_wait3A_121 = arith.constant 0 : i32
      %dma_wait3A_122 = tpu.memref_slice %arg6[%add3A_73, %dma_wait3A_121] : memref<20000x128xf32, #tpu.memory_space<hbm>> -> memref<80x128xf32, #tpu.memory_space<hbm>>
      tpu.wait_dma2 semaphore(%run_scoped3A : memref<!tpu.dma_semaphore, #tpu.memory_space<semaphore_mem>>) src(%arg11 : memref<80x128xf32, #tpu.memory_space<vmem>>) dst(%dma_wait3A_122 : memref<80x128xf32, #tpu.memory_space<hbm>>)
      tpu.yield
    }) : () -> ()
    %add3A_74 = arith.constant 48 : i32
    %add3A_75 = arith.addi %add3A_74, %arg1 : i32
    %mul3A_76 = arith.constant 80 : i32
    %mul3A_77 = arith.muli %add3A_75, %mul3A_76 : i32
    "tpu.region"() ({
      %run_scoped3A = tpu.sem_alloc : memref<!tpu.dma_semaphore, #tpu.memory_space<semaphore_mem>>
      %dma_start3A = arith.constant 0 : i32
      %dma_start3A_117 = tpu.memref_slice %arg7[%mul3A_77, %dma_start3A] : memref<10000x128xf32, #tpu.memory_space<vmem_shared>> -> memref<80x128xf32, #tpu.memory_space<vmem_shared>>
      %dma_start3A_118 = arith.constant 0 : i32
      %dma_start3A_119 = tpu.memref_slice %arg7[%mul3A_77, %dma_start3A_118] : memref<10000x128xf32, #tpu.memory_space<vmem_shared>> -> memref<80x128xf32, #tpu.memory_space<vmem_shared>>
      tpu.enqueue_dma source(%dma_start3A_119 : memref<80x128xf32, #tpu.memory_space<vmem_shared>>) target(%arg11 : memref<80x128xf32, #tpu.memory_space<vmem>>) target_semaphore(%run_scoped3A : memref<!tpu.dma_semaphore, #tpu.memory_space<semaphore_mem>>)
      %dma_wait3A = arith.constant 0 : i32
      %dma_wait3A_120 = tpu.memref_slice %arg7[%mul3A_77, %dma_wait3A] : memref<10000x128xf32, #tpu.memory_space<vmem_shared>> -> memref<80x128xf32, #tpu.memory_space<vmem_shared>>
      %dma_wait3A_121 = arith.constant 0 : i32
      %dma_wait3A_122 = tpu.memref_slice %arg7[%mul3A_77, %dma_wait3A_121] : memref<10000x128xf32, #tpu.memory_space<vmem_shared>> -> memref<80x128xf32, #tpu.memory_space<vmem_shared>>
      tpu.wait_dma2 semaphore(%run_scoped3A : memref<!tpu.dma_semaphore, #tpu.memory_space<semaphore_mem>>) src(%dma_wait3A_122 : memref<80x128xf32, #tpu.memory_space<vmem_shared>>) dst(%arg11 : memref<80x128xf32, #tpu.memory_space<vmem>>)
      tpu.yield
    }) : () -> ()
    %mul3A_78 = arith.constant 10000 : i32
    %mul3A_79 = arith.muli %arg0, %mul3A_78 : i32
    %mul3A_80 = arith.constant 80 : i32
    %mul3A_81 = arith.muli %add3A_75, %mul3A_80 : i32
    %add3A_82 = arith.addi %mul3A_79, %mul3A_81 : i32
    "tpu.region"() ({
      %run_scoped3A = tpu.sem_alloc : memref<!tpu.dma_semaphore, #tpu.memory_space<semaphore_mem>>
      %dma_start3A = arith.constant 0 : i32
      %dma_start3A_117 = tpu.memref_slice %arg6[%add3A_82, %dma_start3A] : memref<20000x128xf32, #tpu.memory_space<hbm>> -> memref<80x128xf32, #tpu.memory_space<hbm>>
      %dma_start3A_118 = arith.constant 0 : i32
      %dma_start3A_119 = tpu.memref_slice %arg6[%add3A_82, %dma_start3A_118] : memref<20000x128xf32, #tpu.memory_space<hbm>> -> memref<80x128xf32, #tpu.memory_space<hbm>>
      tpu.enqueue_dma source(%arg11 : memref<80x128xf32, #tpu.memory_space<vmem>>) target(%dma_start3A_119 : memref<80x128xf32, #tpu.memory_space<hbm>>) target_semaphore(%run_scoped3A : memref<!tpu.dma_semaphore, #tpu.memory_space<semaphore_mem>>)
      %dma_wait3A = arith.constant 0 : i32
      %dma_wait3A_120 = tpu.memref_slice %arg6[%add3A_82, %dma_wait3A] : memref<20000x128xf32, #tpu.memory_space<hbm>> -> memref<80x128xf32, #tpu.memory_space<hbm>>
      %dma_wait3A_121 = arith.constant 0 : i32
      %dma_wait3A_122 = tpu.memref_slice %arg6[%add3A_82, %dma_wait3A_121] : memref<20000x128xf32, #tpu.memory_space<hbm>> -> memref<80x128xf32, #tpu.memory_space<hbm>>
      tpu.wait_dma2 semaphore(%run_scoped3A : memref<!tpu.dma_semaphore, #tpu.memory_space<semaphore_mem>>) src(%arg11 : memref<80x128xf32, #tpu.memory_space<vmem>>) dst(%dma_wait3A_122 : memref<80x128xf32, #tpu.memory_space<hbm>>)
      tpu.yield
    }) : () -> ()
    %add3A_83 = arith.constant 64 : i32
    %add3A_84 = arith.addi %add3A_83, %arg1 : i32
    %mul3A_85 = arith.constant 80 : i32
    %mul3A_86 = arith.muli %add3A_84, %mul3A_85 : i32
    "tpu.region"() ({
      %run_scoped3A = tpu.sem_alloc : memref<!tpu.dma_semaphore, #tpu.memory_space<semaphore_mem>>
      %dma_start3A = arith.constant 0 : i32
      %dma_start3A_117 = tpu.memref_slice %arg7[%mul3A_86, %dma_start3A] : memref<10000x128xf32, #tpu.memory_space<vmem_shared>> -> memref<80x128xf32, #tpu.memory_space<vmem_shared>>
      %dma_start3A_118 = arith.constant 0 : i32
      %dma_start3A_119 = tpu.memref_slice %arg7[%mul3A_86, %dma_start3A_118] : memref<10000x128xf32, #tpu.memory_space<vmem_shared>> -> memref<80x128xf32, #tpu.memory_space<vmem_shared>>
      tpu.enqueue_dma source(%dma_start3A_119 : memref<80x128xf32, #tpu.memory_space<vmem_shared>>) target(%arg11 : memref<80x128xf32, #tpu.memory_space<vmem>>) target_semaphore(%run_scoped3A : memref<!tpu.dma_semaphore, #tpu.memory_space<semaphore_mem>>)
      %dma_wait3A = arith.constant 0 : i32
      %dma_wait3A_120 = tpu.memref_slice %arg7[%mul3A_86, %dma_wait3A] : memref<10000x128xf32, #tpu.memory_space<vmem_shared>> -> memref<80x128xf32, #tpu.memory_space<vmem_shared>>
      %dma_wait3A_121 = arith.constant 0 : i32
      %dma_wait3A_122 = tpu.memref_slice %arg7[%mul3A_86, %dma_wait3A_121] : memref<10000x128xf32, #tpu.memory_space<vmem_shared>> -> memref<80x128xf32, #tpu.memory_space<vmem_shared>>
      tpu.wait_dma2 semaphore(%run_scoped3A : memref<!tpu.dma_semaphore, #tpu.memory_space<semaphore_mem>>) src(%dma_wait3A_122 : memref<80x128xf32, #tpu.memory_space<vmem_shared>>) dst(%arg11 : memref<80x128xf32, #tpu.memory_space<vmem>>)
      tpu.yield
    }) : () -> ()
    %mul3A_87 = arith.constant 10000 : i32
    %mul3A_88 = arith.muli %arg0, %mul3A_87 : i32
    %mul3A_89 = arith.constant 80 : i32
    %mul3A_90 = arith.muli %add3A_84, %mul3A_89 : i32
    %add3A_91 = arith.addi %mul3A_88, %mul3A_90 : i32
    "tpu.region"() ({
      %run_scoped3A = tpu.sem_alloc : memref<!tpu.dma_semaphore, #tpu.memory_space<semaphore_mem>>
      %dma_start3A = arith.constant 0 : i32
      %dma_start3A_117 = tpu.memref_slice %arg6[%add3A_91, %dma_start3A] : memref<20000x128xf32, #tpu.memory_space<hbm>> -> memref<80x128xf32, #tpu.memory_space<hbm>>
      %dma_start3A_118 = arith.constant 0 : i32
      %dma_start3A_119 = tpu.memref_slice %arg6[%add3A_91, %dma_start3A_118] : memref<20000x128xf32, #tpu.memory_space<hbm>> -> memref<80x128xf32, #tpu.memory_space<hbm>>
      tpu.enqueue_dma source(%arg11 : memref<80x128xf32, #tpu.memory_space<vmem>>) target(%dma_start3A_119 : memref<80x128xf32, #tpu.memory_space<hbm>>) target_semaphore(%run_scoped3A : memref<!tpu.dma_semaphore, #tpu.memory_space<semaphore_mem>>)
      %dma_wait3A = arith.constant 0 : i32
      %dma_wait3A_120 = tpu.memref_slice %arg6[%add3A_91, %dma_wait3A] : memref<20000x128xf32, #tpu.memory_space<hbm>> -> memref<80x128xf32, #tpu.memory_space<hbm>>
      %dma_wait3A_121 = arith.constant 0 : i32
      %dma_wait3A_122 = tpu.memref_slice %arg6[%add3A_91, %dma_wait3A_121] : memref<20000x128xf32, #tpu.memory_space<hbm>> -> memref<80x128xf32, #tpu.memory_space<hbm>>
      tpu.wait_dma2 semaphore(%run_scoped3A : memref<!tpu.dma_semaphore, #tpu.memory_space<semaphore_mem>>) src(%arg11 : memref<80x128xf32, #tpu.memory_space<vmem>>) dst(%dma_wait3A_122 : memref<80x128xf32, #tpu.memory_space<hbm>>)
      tpu.yield
    }) : () -> ()
    %add3A_92 = arith.constant 80 : i32
    %add3A_93 = arith.addi %add3A_92, %arg1 : i32
    %mul3A_94 = arith.constant 80 : i32
    %mul3A_95 = arith.muli %add3A_93, %mul3A_94 : i32
    "tpu.region"() ({
      %run_scoped3A = tpu.sem_alloc : memref<!tpu.dma_semaphore, #tpu.memory_space<semaphore_mem>>
      %dma_start3A = arith.constant 0 : i32
      %dma_start3A_117 = tpu.memref_slice %arg7[%mul3A_95, %dma_start3A] : memref<10000x128xf32, #tpu.memory_space<vmem_shared>> -> memref<80x128xf32, #tpu.memory_space<vmem_shared>>
      %dma_start3A_118 = arith.constant 0 : i32
      %dma_start3A_119 = tpu.memref_slice %arg7[%mul3A_95, %dma_start3A_118] : memref<10000x128xf32, #tpu.memory_space<vmem_shared>> -> memref<80x128xf32, #tpu.memory_space<vmem_shared>>
      tpu.enqueue_dma source(%dma_start3A_119 : memref<80x128xf32, #tpu.memory_space<vmem_shared>>) target(%arg11 : memref<80x128xf32, #tpu.memory_space<vmem>>) target_semaphore(%run_scoped3A : memref<!tpu.dma_semaphore, #tpu.memory_space<semaphore_mem>>)
      %dma_wait3A = arith.constant 0 : i32
      %dma_wait3A_120 = tpu.memref_slice %arg7[%mul3A_95, %dma_wait3A] : memref<10000x128xf32, #tpu.memory_space<vmem_shared>> -> memref<80x128xf32, #tpu.memory_space<vmem_shared>>
      %dma_wait3A_121 = arith.constant 0 : i32
      %dma_wait3A_122 = tpu.memref_slice %arg7[%mul3A_95, %dma_wait3A_121] : memref<10000x128xf32, #tpu.memory_space<vmem_shared>> -> memref<80x128xf32, #tpu.memory_space<vmem_shared>>
      tpu.wait_dma2 semaphore(%run_scoped3A : memref<!tpu.dma_semaphore, #tpu.memory_space<semaphore_mem>>) src(%dma_wait3A_122 : memref<80x128xf32, #tpu.memory_space<vmem_shared>>) dst(%arg11 : memref<80x128xf32, #tpu.memory_space<vmem>>)
      tpu.yield
    }) : () -> ()
    %mul3A_96 = arith.constant 10000 : i32
    %mul3A_97 = arith.muli %arg0, %mul3A_96 : i32
    %mul3A_98 = arith.constant 80 : i32
    %mul3A_99 = arith.muli %add3A_93, %mul3A_98 : i32
    %add3A_100 = arith.addi %mul3A_97, %mul3A_99 : i32
    "tpu.region"() ({
      %run_scoped3A = tpu.sem_alloc : memref<!tpu.dma_semaphore, #tpu.memory_space<semaphore_mem>>
      %dma_start3A = arith.constant 0 : i32
      %dma_start3A_117 = tpu.memref_slice %arg6[%add3A_100, %dma_start3A] : memref<20000x128xf32, #tpu.memory_space<hbm>> -> memref<80x128xf32, #tpu.memory_space<hbm>>
      %dma_start3A_118 = arith.constant 0 : i32
      %dma_start3A_119 = tpu.memref_slice %arg6[%add3A_100, %dma_start3A_118] : memref<20000x128xf32, #tpu.memory_space<hbm>> -> memref<80x128xf32, #tpu.memory_space<hbm>>
      tpu.enqueue_dma source(%arg11 : memref<80x128xf32, #tpu.memory_space<vmem>>) target(%dma_start3A_119 : memref<80x128xf32, #tpu.memory_space<hbm>>) target_semaphore(%run_scoped3A : memref<!tpu.dma_semaphore, #tpu.memory_space<semaphore_mem>>)
      %dma_wait3A = arith.constant 0 : i32
      %dma_wait3A_120 = tpu.memref_slice %arg6[%add3A_100, %dma_wait3A] : memref<20000x128xf32, #tpu.memory_space<hbm>> -> memref<80x128xf32, #tpu.memory_space<hbm>>
      %dma_wait3A_121 = arith.constant 0 : i32
      %dma_wait3A_122 = tpu.memref_slice %arg6[%add3A_100, %dma_wait3A_121] : memref<20000x128xf32, #tpu.memory_space<hbm>> -> memref<80x128xf32, #tpu.memory_space<hbm>>
      tpu.wait_dma2 semaphore(%run_scoped3A : memref<!tpu.dma_semaphore, #tpu.memory_space<semaphore_mem>>) src(%arg11 : memref<80x128xf32, #tpu.memory_space<vmem>>) dst(%dma_wait3A_122 : memref<80x128xf32, #tpu.memory_space<hbm>>)
      tpu.yield
    }) : () -> ()
    %add3A_101 = arith.constant 96 : i32
    %add3A_102 = arith.addi %add3A_101, %arg1 : i32
    %mul3A_103 = arith.constant 80 : i32
    %mul3A_104 = arith.muli %add3A_102, %mul3A_103 : i32
    "tpu.region"() ({
      %run_scoped3A = tpu.sem_alloc : memref<!tpu.dma_semaphore, #tpu.memory_space<semaphore_mem>>
      %dma_start3A = arith.constant 0 : i32
      %dma_start3A_117 = tpu.memref_slice %arg7[%mul3A_104, %dma_start3A] : memref<10000x128xf32, #tpu.memory_space<vmem_shared>> -> memref<80x128xf32, #tpu.memory_space<vmem_shared>>
      %dma_start3A_118 = arith.constant 0 : i32
      %dma_start3A_119 = tpu.memref_slice %arg7[%mul3A_104, %dma_start3A_118] : memref<10000x128xf32, #tpu.memory_space<vmem_shared>> -> memref<80x128xf32, #tpu.memory_space<vmem_shared>>
      tpu.enqueue_dma source(%dma_start3A_119 : memref<80x128xf32, #tpu.memory_space<vmem_shared>>) target(%arg11 : memref<80x128xf32, #tpu.memory_space<vmem>>) target_semaphore(%run_scoped3A : memref<!tpu.dma_semaphore, #tpu.memory_space<semaphore_mem>>)
      %dma_wait3A = arith.constant 0 : i32
      %dma_wait3A_120 = tpu.memref_slice %arg7[%mul3A_104, %dma_wait3A] : memref<10000x128xf32, #tpu.memory_space<vmem_shared>> -> memref<80x128xf32, #tpu.memory_space<vmem_shared>>
      %dma_wait3A_121 = arith.constant 0 : i32
      %dma_wait3A_122 = tpu.memref_slice %arg7[%mul3A_104, %dma_wait3A_121] : memref<10000x128xf32, #tpu.memory_space<vmem_shared>> -> memref<80x128xf32, #tpu.memory_space<vmem_shared>>
      tpu.wait_dma2 semaphore(%run_scoped3A : memref<!tpu.dma_semaphore, #tpu.memory_space<semaphore_mem>>) src(%dma_wait3A_122 : memref<80x128xf32, #tpu.memory_space<vmem_shared>>) dst(%arg11 : memref<80x128xf32, #tpu.memory_space<vmem>>)
      tpu.yield
    }) : () -> ()
    %mul3A_105 = arith.constant 10000 : i32
    %mul3A_106 = arith.muli %arg0, %mul3A_105 : i32
    %mul3A_107 = arith.constant 80 : i32
    %mul3A_108 = arith.muli %add3A_102, %mul3A_107 : i32
    %add3A_109 = arith.addi %mul3A_106, %mul3A_108 : i32
    "tpu.region"() ({
      %run_scoped3A = tpu.sem_alloc : memref<!tpu.dma_semaphore, #tpu.memory_space<semaphore_mem>>
      %dma_start3A = arith.constant 0 : i32
      %dma_start3A_117 = tpu.memref_slice %arg6[%add3A_109, %dma_start3A] : memref<20000x128xf32, #tpu.memory_space<hbm>> -> memref<80x128xf32, #tpu.memory_space<hbm>>
      %dma_start3A_118 = arith.constant 0 : i32
      %dma_start3A_119 = tpu.memref_slice %arg6[%add3A_109, %dma_start3A_118] : memref<20000x128xf32, #tpu.memory_space<hbm>> -> memref<80x128xf32, #tpu.memory_space<hbm>>
      tpu.enqueue_dma source(%arg11 : memref<80x128xf32, #tpu.memory_space<vmem>>) target(%dma_start3A_119 : memref<80x128xf32, #tpu.memory_space<hbm>>) target_semaphore(%run_scoped3A : memref<!tpu.dma_semaphore, #tpu.memory_space<semaphore_mem>>)
      %dma_wait3A = arith.constant 0 : i32
      %dma_wait3A_120 = tpu.memref_slice %arg6[%add3A_109, %dma_wait3A] : memref<20000x128xf32, #tpu.memory_space<hbm>> -> memref<80x128xf32, #tpu.memory_space<hbm>>
      %dma_wait3A_121 = arith.constant 0 : i32
      %dma_wait3A_122 = tpu.memref_slice %arg6[%add3A_109, %dma_wait3A_121] : memref<20000x128xf32, #tpu.memory_space<hbm>> -> memref<80x128xf32, #tpu.memory_space<hbm>>
      tpu.wait_dma2 semaphore(%run_scoped3A : memref<!tpu.dma_semaphore, #tpu.memory_space<semaphore_mem>>) src(%arg11 : memref<80x128xf32, #tpu.memory_space<vmem>>) dst(%dma_wait3A_122 : memref<80x128xf32, #tpu.memory_space<hbm>>)
      tpu.yield
    }) : () -> ()
    %add3A_110 = arith.constant 112 : i32
    %add3A_111 = arith.addi %add3A_110, %arg1 : i32
    %lt3A_112 = arith.constant 125 : i32
    %lt3A_113 = arith.cmpi slt, %add3A_111, %lt3A_112 : i32
    %convert_element_type3A_114 = arith.extui %lt3A_113 : i1 to i32
    %cond3A_115 = arith.constant 0 : i32
    %cond3A_116 = arith.cmpi ne, %convert_element_type3A_114, %cond3A_115 : i32
    scf.if %cond3A_116 {
      %mul3A_117 = arith.constant 80 : i32
      %mul3A_118 = arith.muli %add3A_111, %mul3A_117 : i32
      "tpu.region"() ({
        %run_scoped3A = tpu.sem_alloc : memref<!tpu.dma_semaphore, #tpu.memory_space<semaphore_mem>>
        %dma_start3A = arith.constant 0 : i32
        %dma_start3A_124 = tpu.memref_slice %arg7[%mul3A_118, %dma_start3A] : memref<10000x128xf32, #tpu.memory_space<vmem_shared>> -> memref<80x128xf32, #tpu.memory_space<vmem_shared>>
        %dma_start3A_125 = arith.constant 0 : i32
        %dma_start3A_126 = tpu.memref_slice %arg7[%mul3A_118, %dma_start3A_125] : memref<10000x128xf32, #tpu.memory_space<vmem_shared>> -> memref<80x128xf32, #tpu.memory_space<vmem_shared>>
        tpu.enqueue_dma source(%dma_start3A_126 : memref<80x128xf32, #tpu.memory_space<vmem_shared>>) target(%arg11 : memref<80x128xf32, #tpu.memory_space<vmem>>) target_semaphore(%run_scoped3A : memref<!tpu.dma_semaphore, #tpu.memory_space<semaphore_mem>>)
        %dma_wait3A = arith.constant 0 : i32
        %dma_wait3A_127 = tpu.memref_slice %arg7[%mul3A_118, %dma_wait3A] : memref<10000x128xf32, #tpu.memory_space<vmem_shared>> -> memref<80x128xf32, #tpu.memory_space<vmem_shared>>
        %dma_wait3A_128 = arith.constant 0 : i32
        %dma_wait3A_129 = tpu.memref_slice %arg7[%mul3A_118, %dma_wait3A_128] : memref<10000x128xf32, #tpu.memory_space<vmem_shared>> -> memref<80x128xf32, #tpu.memory_space<vmem_shared>>
        tpu.wait_dma2 semaphore(%run_scoped3A : memref<!tpu.dma_semaphore, #tpu.memory_space<semaphore_mem>>) src(%dma_wait3A_129 : memref<80x128xf32, #tpu.memory_space<vmem_shared>>) dst(%arg11 : memref<80x128xf32, #tpu.memory_space<vmem>>)
        tpu.yield
      }) : () -> ()
      %mul3A_119 = arith.constant 10000 : i32
      %mul3A_120 = arith.muli %arg0, %mul3A_119 : i32
      %mul3A_121 = arith.constant 80 : i32
      %mul3A_122 = arith.muli %add3A_111, %mul3A_121 : i32
      %add3A_123 = arith.addi %mul3A_120, %mul3A_122 : i32
      "tpu.region"() ({
        %run_scoped3A = tpu.sem_alloc : memref<!tpu.dma_semaphore, #tpu.memory_space<semaphore_mem>>
        %dma_start3A = arith.constant 0 : i32
        %dma_start3A_124 = tpu.memref_slice %arg6[%add3A_123, %dma_start3A] : memref<20000x128xf32, #tpu.memory_space<hbm>> -> memref<80x128xf32, #tpu.memory_space<hbm>>
        %dma_start3A_125 = arith.constant 0 : i32
        %dma_start3A_126 = tpu.memref_slice %arg6[%add3A_123, %dma_start3A_125] : memref<20000x128xf32, #tpu.memory_space<hbm>> -> memref<80x128xf32, #tpu.memory_space<hbm>>
        tpu.enqueue_dma source(%arg11 : memref<80x128xf32, #tpu.memory_space<vmem>>) target(%dma_start3A_126 : memref<80x128xf32, #tpu.memory_space<hbm>>) target_semaphore(%run_scoped3A : memref<!tpu.dma_semaphore, #tpu.memory_space<semaphore_mem>>)
        %dma_wait3A = arith.constant 0 : i32
        %dma_wait3A_127 = tpu.memref_slice %arg6[%add3A_123, %dma_wait3A] : memref<20000x128xf32, #tpu.memory_space<hbm>> -> memref<80x128xf32, #tpu.memory_space<hbm>>
        %dma_wait3A_128 = arith.constant 0 : i32
        %dma_wait3A_129 = tpu.memref_slice %arg6[%add3A_123, %dma_wait3A_128] : memref<20000x128xf32, #tpu.memory_space<hbm>> -> memref<80x128xf32, #tpu.memory_space<hbm>>
        tpu.wait_dma2 semaphore(%run_scoped3A : memref<!tpu.dma_semaphore, #tpu.memory_space<semaphore_mem>>) src(%arg11 : memref<80x128xf32, #tpu.memory_space<vmem>>) dst(%dma_wait3A_129 : memref<80x128xf32, #tpu.memory_space<hbm>>)
        tpu.yield
      }) : () -> ()
    } else {
    }
    return
  }
}

module attributes {stable_mosaic.version = 14 : i64} {
  func.func @_dense_body(%arg0: i32, %arg1: memref<2x1000x128xf32, #tpu.memory_space<vmem>>, %arg2: memref<1000x128xf32, #tpu.memory_space<vmem>>, %arg3: memref<128x128xf32, #tpu.memory_space<vmem>>, %arg4: memref<128x128xf32, #tpu.memory_space<vmem>>, %arg5: memref<1x128xf32, #tpu.memory_space<vmem>>, %arg6: memref<1x128xf32, #tpu.memory_space<vmem>>, %arg7: memref<1000x128xf32, #tpu.memory_space<vmem>>) attributes {dimension_semantics = [#tpu.dimension_semantics<arbitrary>], iteration_bounds = array<i64: 10>, scalar_prefetch = 0 : i64, scratch_operands = 0 : i64, tpu.core_type = #tpu.core_type<tc>, window_params = [{transform_indices = @transform_0, window_bounds = array<i64: 2, 1000, 128>}, {transform_indices = @transform_1, window_bounds = array<i64: 1000, 128>}, {pipeline_mode = #tpu.pipeline_mode<synchronous>, transform_indices = @transform_2, window_bounds = array<i64: 128, 128>}, {pipeline_mode = #tpu.pipeline_mode<synchronous>, transform_indices = @transform_3, window_bounds = array<i64: 128, 128>}, {pipeline_mode = #tpu.pipeline_mode<synchronous>, transform_indices = @transform_4, window_bounds = array<i64: 1, 128>}, {pipeline_mode = #tpu.pipeline_mode<synchronous>, transform_indices = @transform_5, window_bounds = array<i64: 1, 128>}, {transform_indices = @transform_6, window_bounds = array<i64: 1000, 128>}]} {
    %get3A = arith.constant 0 : index
    %get3A_0 = arith.constant 0 : index
    %get3A_1 = arith.constant 0 : index
    %get3A_2 = vector.load %arg1[%get3A, %get3A_0, %get3A_1] : memref<2x1000x128xf32, #tpu.memory_space<vmem>>, vector<1x1000x128xf32>
    %get3A_3 = vector.shape_cast %get3A_2 : vector<1x1000x128xf32> to vector<1000x128xf32>
    %get3A_4 = arith.constant 1 : index
    %get3A_5 = arith.constant 0 : index
    %get3A_6 = arith.constant 0 : index
    %get3A_7 = vector.load %arg1[%get3A_4, %get3A_5, %get3A_6] : memref<2x1000x128xf32, #tpu.memory_space<vmem>>, vector<1x1000x128xf32>
    %get3A_8 = vector.shape_cast %get3A_7 : vector<1x1000x128xf32> to vector<1000x128xf32>
    %add3A = arith.addf %get3A_3, %get3A_8 : vector<1000x128xf32>
    %get3A_9 = arith.constant 0 : index
    %get3A_10 = arith.constant 0 : index
    %get3A_11 = vector.load %arg2[%get3A_9, %get3A_10] : memref<1000x128xf32, #tpu.memory_space<vmem>>, vector<1000x128xf32>
    %get3A_12 = arith.constant 0 : index
    %get3A_13 = arith.constant 0 : index
    %get3A_14 = vector.load %arg3[%get3A_12, %get3A_13] : memref<128x128xf32, #tpu.memory_space<vmem>>, vector<128x128xf32>
    %dot_general3A = arith.constant dense<0.000000e+00> : vector<1000x128xf32>
    %dot_general3A_15 = tpu.matmul %add3A, %get3A_14, %dot_general3A {dimension_numbers = #tpu.dot_dimension_numbers<[1], [0], [0], [1], [0, 0, 1, 1], [], []>, transpose_lhs_hint = false} : vector<1000x128xf32>, vector<128x128xf32>, vector<1000x128xf32> -> vector<1000x128xf32>
    %get3A_16 = arith.constant 0 : index
    %get3A_17 = arith.constant 0 : index
    %get3A_18 = vector.load %arg5[%get3A_16, %get3A_17] : memref<1x128xf32, #tpu.memory_space<vmem>>, vector<1x128xf32>
    %add3A_19 = vector.broadcast %get3A_18 : vector<1x128xf32> to vector<1000x128xf32>
    %add3A_20 = arith.addf %dot_general3A_15, %add3A_19 : vector<1000x128xf32>
    %mul3A = arith.mulf %add3A, %get3A_11 : vector<1000x128xf32>
    %get3A_21 = arith.constant 0 : index
    %get3A_22 = arith.constant 0 : index
    %get3A_23 = vector.load %arg4[%get3A_21, %get3A_22] : memref<128x128xf32, #tpu.memory_space<vmem>>, vector<128x128xf32>
    %dot_general3A_24 = arith.constant dense<0.000000e+00> : vector<1000x128xf32>
    %dot_general3A_25 = tpu.matmul %mul3A, %get3A_23, %dot_general3A_24 {dimension_numbers = #tpu.dot_dimension_numbers<[1], [0], [0], [1], [0, 0, 1, 1], [], []>, transpose_lhs_hint = false} : vector<1000x128xf32>, vector<128x128xf32>, vector<1000x128xf32> -> vector<1000x128xf32>
    %get3A_26 = arith.constant 0 : index
    %get3A_27 = arith.constant 0 : index
    %get3A_28 = vector.load %arg6[%get3A_26, %get3A_27] : memref<1x128xf32, #tpu.memory_space<vmem>>, vector<1x128xf32>
    %add3A_29 = vector.broadcast %get3A_28 : vector<1x128xf32> to vector<1000x128xf32>
    %add3A_30 = arith.addf %dot_general3A_25, %add3A_29 : vector<1000x128xf32>
    %ge3A = arith.constant 0.000000e+00 : f32
    %ge3A_31 = vector.broadcast %ge3A : f32 to vector<1000x128xf32>
    %ge3A_32 = arith.cmpf oge, %add3A_20, %ge3A_31 : vector<1000x128xf32>
    %mul3A_33 = arith.constant 2.000000e-01 : f32
    %mul3A_34 = vector.broadcast %mul3A_33 : f32 to vector<1000x128xf32>
    %mul3A_35 = arith.mulf %mul3A_34, %add3A_20 : vector<1000x128xf32>
    %select_n3A = arith.select %ge3A_32, %add3A_20, %mul3A_35 : vector<1000x128xi1>, vector<1000x128xf32>
    %ge3A_36 = arith.constant 0.000000e+00 : f32
    %ge3A_37 = vector.broadcast %ge3A_36 : f32 to vector<1000x128xf32>
    %ge3A_38 = arith.cmpf oge, %add3A_30, %ge3A_37 : vector<1000x128xf32>
    %mul3A_39 = arith.constant 2.000000e-01 : f32
    %mul3A_40 = vector.broadcast %mul3A_39 : f32 to vector<1000x128xf32>
    %mul3A_41 = arith.mulf %mul3A_40, %add3A_30 : vector<1000x128xf32>
    %select_n3A_42 = arith.select %ge3A_38, %add3A_30, %mul3A_41 : vector<1000x128xi1>, vector<1000x128xf32>
    %add3A_43 = arith.addf %select_n3A, %select_n3A_42 : vector<1000x128xf32>
    %swap3A = arith.constant 0 : index
    %swap3A_44 = arith.constant 0 : index
    %swap3A_45 = vector.load %arg7[%swap3A, %swap3A_44] : memref<1000x128xf32, #tpu.memory_space<vmem>>, vector<1000x128xf32>
    tpu.vector_store %arg7[%swap3A, %swap3A_44], %add3A_43 {strides = array<i32>} : memref<1000x128xf32, #tpu.memory_space<vmem>>, vector<1000x128xf32>,
    return
  }
  func.func @transform_0(%arg0: i32) -> (i32, i32, i32) {
    %c0_i32 = arith.constant 0 : i32
    %c0_i32_0 = arith.constant 0 : i32
    %c0_i32_1 = arith.constant 0 : i32
    return %c0_i32, %arg0, %c0_i32_0 : i32, i32, i32
  }
  func.func @transform_1(%arg0: i32) -> (i32, i32) {
    %c0_i32 = arith.constant 0 : i32
    %c0_i32_0 = arith.constant 0 : i32
    return %arg0, %c0_i32 : i32, i32
  }
  func.func @transform_2(%arg0: i32) -> (i32, i32) {
    %c0_i32 = arith.constant 0 : i32
    %c0_i32_0 = arith.constant 0 : i32
    %c0_i32_1 = arith.constant 0 : i32
    return %c0_i32, %c0_i32_0 : i32, i32
  }
  func.func @transform_3(%arg0: i32) -> (i32, i32) {
    %c0_i32 = arith.constant 0 : i32
    %c0_i32_0 = arith.constant 0 : i32
    %c0_i32_1 = arith.constant 0 : i32
    return %c0_i32, %c0_i32_0 : i32, i32
  }
  func.func @transform_4(%arg0: i32) -> (i32, i32) {
    %c0_i32 = arith.constant 0 : i32
    %c0_i32_0 = arith.constant 0 : i32
    %c0_i32_1 = arith.constant 0 : i32
    return %c0_i32, %c0_i32_0 : i32, i32
  }
  func.func @transform_5(%arg0: i32) -> (i32, i32) {
    %c0_i32 = arith.constant 0 : i32
    %c0_i32_0 = arith.constant 0 : i32
    %c0_i32_1 = arith.constant 0 : i32
    return %c0_i32, %c0_i32_0 : i32, i32
  }
  func.func @transform_6(%arg0: i32) -> (i32, i32) {
    %c0_i32 = arith.constant 0 : i32
    %c0_i32_0 = arith.constant 0 : i32
    return %arg0, %c0_i32 : i32, i32
  }
}

</mosaic_0001>

<sc_bundles>
// kernel: kernel.4.cloned.1.call-start
scs
__scs_entry_jumppad:
0x0: {  	(pc) =	sbr.rel $0x88, $3  }
0x1: {  	(tag) =	ssettag $0x0;
	lr =	simm.s32 $0x1  }
0x2: {  	[smem:$0x3F9A] =	sst lr;
	_ =	strace $0xD0000000  }
0x3: {  	_ = 	snop  }
0x4: {  	_ = 	snop  }
0x5: {  	_ = 	snop  }
0x6: {  	_ = 	snop  }
0x7: {  	_ = 	snop  }
__scs_overlays_trampoline_lowered:
0x8: {  	[smem:$0x3FA9] =	sst s0  }
0x9: {  	[smem:$0x3FAA] =	sst s1  }
0xa: {  	[smem:$0x3FAB] =	sst s2  }
0xb: {  	[smem:$0x3FAC] =	sst s3  }
0xc: {  	[smem:$0x3FAD] =	sst s4  }
0xd: {  	[smem:$0x3FAE] =	sst s5  }
0xe: {  	[smem:$0x3FAF] =	sst s6  }
0xf: {  	[smem:$0x3FB0] =	sst s7  }
0x10: {  	[smem:$0x3FB1] =	sst s8  }
0x11: {  	[smem:$0x3FB2] =	sst s9;
	s0 =	simm.s32 @!p0 $0x0  }
0x12: {  	s1 =	sld [smem:$0x3F98];
	s0 =	simm.s32 @p0 $0x1  }
0x13: {  	[smem:$0x3FB3] =	sst s0;
	s0 =	simm.s32 @!p1 $0x0  }
0x14: {  	s2 =	sld [smem:$0x3F97];
	s0 =	simm.s32 @p1 $0x1  }
0x15: {  	[smem:$0x3FB4] =	sst s0;
	s0 =	simm.s32 @!p2 $0x0  }
0x16: {  	s3 =	sld [smem:$0x3FDB];
	s0 =	simm.s32 @p2 $0x1  }
0x17: {  	s4 =	simm.s32 $0x1BF5;
	[smem:$0x3FB6] =	sst s0  }
0x18: {  	s0 =	sld [smem:$0x3F99];
	_ =	swait.ge [sflag:s4], $0x0  }
0x19: {  	s7 =	sld [smem:$0x3F9A]  }
0x1a: {  	s8 =	sadd.s32 $0xFFFFE003, lr  }
0x1b: {  	s9 =	sadd.s32 $0xFFFFFEF7, lr;
	s5 =	simm.s32 $0xFFFFFFFF;
	p2 =	slt.u32 s8, $0xFFFFF086  }
0x1c: {  	p1 =	slt.u32 s9, $0xF7A;
	s5 =	simm.s32 @!p2 $0x0  }
0x1d: {  	s5 =	simm.s32 @p1 $0x1;
	p0 =	seq.s32 s7, s2  }
0x1e: {  	s7 =	smul.u32 @!p0 $0xF7A, s2;
	p2 =	seq.s32 @!p0 s5, $0x0  }
0x1f: {  	s9 =	smul.u32 $0xF7A, s1;
	s8 =	simm.s32 @!p0 $0x1BF5;
	p2 =	por !p2, p0  }
0x20: {  	[sflag:s8] =	ssyncset.s32 @!p0 $0xFFFFF086;
	s6 =	sadd.s32 @!p0 s3, s7;
	s7 =	simm.s32 @!p0 $0x108  }
0x21: {  	s3 =	sadd.s32 s3, s9;
	s6 =	sadd.s32 @!p0 $0x88, s6;
	s7 =	simm.s32 @p2 $0x1082  }
0x22: {  	[simem:s7], [sflag:s8] =	dma.local @!p0 [hbm:s6], $0xF7A  }
0x23: {  	s9 =	sor.u32 $0xD0000000, s2;
	s6 =	simm.s32 $0x108;
	_ =	swait.ge @!p0 [sflag:s8], $0x0  }
0x24: {  	s3 =	sadd.s32 $0x88, s3;
	s6 =	simm.s32 @!p1 $0x1082;
	[sflag:s4] =	ssyncset.s32 $0xFFFFF086  }
0x25: {  	[simem:s6], [sflag:s4] =	dma.local [hbm:s3], $0xF7A  }
0x26: {  	[smem:$0x3F9A] =	sst s1;
	(tag) =	ssettag s2;
	_ =	strace s9  }
0x27: {  	s1 =	sld [smem:$0x3FAA]  }
0x28: {  	s2 =	sld [smem:$0x3FAB]  }
0x29: {  	s4 =	sld [smem:$0x3FAD]  }
0x2a: {  	p0 =	seq.s32 s5, $0x0;
	s5 =	sld [smem:$0x3FAE]  }
0x2b: {  	s6 =	sld [smem:$0x3FAF]  }
0x2c: {  	s7 =	sld [smem:$0x3FB0]  }
0x2d: {  	s3 =	simm.s32 $0x108;
	s8 =	sld [smem:$0x3FB1]  }
0x2e: {  	s3 =	simm.s32 @!p0 $0x1082;
	s9 =	sld [smem:$0x3FB2]  }
0x2f: {  	lr =	sadd.s32 s0, s3;
	s0 =	sld [smem:$0x3FA9]  }
0x30: {  	s3 =	sld [smem:$0x3FAC]  }
0x31: {  	[smem:$0x3FB5] =	sst s10  }
0x32: {  	s10 =	sld [smem:$0x3FB3];
	_ =	sdelay $0x3  }
0x33: {  	p0 =	seq.s32 s10, $0x1;
	s10 =	sld [smem:$0x3FB5];
	_ =	sdelay $0x3  }
0x34: {  	[smem:$0x3FB5] =	sst s10  }
0x35: {  	s10 =	sld [smem:$0x3FB4];
	_ =	sdelay $0x3  }
0x36: {  	p1 =	seq.s32 s10, $0x1;
	s10 =	sld [smem:$0x3FB5];
	_ =	sdelay $0x3  }
0x37: {  	[smem:$0x3FB5] =	sst s10  }
0x38: {  	s10 =	sld [smem:$0x3FB6]  }
0x39: {  	_ = 	snop;
	(pc) =	sbr.ind lr, $3  }
0x3a: {  	_ = 	snop  }
0x3b: {  	_ = 	snop  }
0x3c: {  	p2 =	seq.s32 s10, $0x1;
	s10 =	sld [smem:$0x3FB5]  }
0x3d: {  	_ =	shalt  }
0x3e: {  	_ =	shalt  }
0x3f: {  	_ =	shalt  }
0x40: {  	_ =	shalt  }
0x41: {  	_ =	shalt  }
0x42: {  	_ =	shalt  }
0x43: {  	_ =	shalt  }
0x44: {  	_ =	shalt  }
0x45: {  	_ =	shalt  }
0x46: {  	_ =	shalt  }
0x47: {  	_ =	shalt  }
0x48: {  	_ =	shalt  }
0x49: {  	_ =	shalt  }
0x4a: {  	_ =	shalt  }
0x4b: {  	_ =	shalt  }
0x4c: {  	_ =	shalt  }
0x4d: {  	_ =	shalt  }
0x4e: {  	_ =	shalt  }
0x4f: {  	_ =	shalt  }
0x50: {  	_ =	shalt  }
0x51: {  	_ =	shalt  }
0x52: {  	_ =	shalt  }
0x53: {  	_ =	shalt  }
0x54: {  	_ =	shalt  }
0x55: {  	_ =	shalt  }
0x56: {  	_ =	shalt  }
0x57: {  	_ =	shalt  }
0x58: {  	_ =	shalt  }
0x59: {  	_ =	shalt  }
0x5a: {  	_ =	shalt  }
0x5b: {  	_ =	shalt  }
0x5c: {  	_ =	shalt  }
0x5d: {  	_ =	shalt  }
0x5e: {  	_ =	shalt  }
0x5f: {  	_ =	shalt  }
0x60: {  	_ =	shalt  }
0x61: {  	_ =	shalt  }
0x62: {  	_ =	shalt  }
0x63: {  	_ =	shalt  }
0x64: {  	_ =	shalt  }
0x65: {  	_ =	shalt  }
0x66: {  	_ =	shalt  }
0x67: {  	_ =	shalt  }
0x68: {  	_ =	shalt  }
0x69: {  	_ =	shalt  }
0x6a: {  	_ =	shalt  }
0x6b: {  	_ =	shalt  }
0x6c: {  	_ =	shalt  }
0x6d: {  	_ =	shalt  }
0x6e: {  	_ =	shalt  }
0x6f: {  	_ =	shalt  }
0x70: {  	_ =	shalt  }
0x71: {  	_ =	shalt  }
0x72: {  	_ =	shalt  }
0x73: {  	_ =	shalt  }
0x74: {  	_ =	shalt  }
0x75: {  	_ =	shalt  }
0x76: {  	_ =	shalt  }
0x77: {  	_ =	shalt  }
0x78: {  	_ =	shalt  }
0x79: {  	_ =	shalt  }
0x7a: {  	_ =	shalt  }
0x7b: {  	_ =	shalt  }
0x7c: {  	_ =	shalt  }
0x7d: {  	_ =	shalt  }
0x7e: {  	_ =	shalt  }
0x7f: {  	_ =	shalt  }
0x80: {  	_ =	shalt  }
0x81: {  	_ =	shalt  }
0x82: {  	_ =	shalt  }
0x83: {  	_ =	shalt  }
0x84: {  	_ =	shalt  }
0x85: {  	_ =	shalt  }
0x86: {  	_ =	shalt  }
0x87: {  	_ =	shalt  }
.Lfunc_end0:
.L_simem_size_0:
called_computation_lowered:
.L_overlay_start_0:
0x88: {  	s2 =	sld [smem:$0x3FD9]  }
0x89: {  	s3 =	sld [smem:$0x3FFE];
	_ =	sdelay $0x1  }
0x8a: {  	s1 =	srdreg.scid  }
0x8b: {  	s0 =	sand.u32 $0x1, s1  }
0x8c: {  	s17 =	sshll.u32 s0, $0xA;
	s2 =	sadd.s32 s3, s2  }
0x8d: {  	s2 =	sadd.s32 s2, s17  }
0x8e: {  	[smem:$0x3FC1] =	sst s2  }
0x8f: {  	_ = 	snop  }
0x90: {  	s2 =	sld [smem:$0x3FC8]  }
0x91: {  	s18 =	sld [smem:$0x3FC7]  }
0x92: {  	s4 =	sld [smem:$0x3FD0];
	(tm) =	ssettm $0x1  }
0x93: {  	s5 =	sld [smem:$0x3FFB];
	_ =	sdelay $0x3  }
0x94: {  	_ =	strace s5  }
0x95: {  	s5 =	sld [smem:$0x3FFC];
	_ =	sdelay $0x3  }
0x96: {  	_ =	strace s5  }
0x97: {  	s5 =	sld [smem:$0x3FFD];
	_ =	sdelay $0x3  }
0x98: {  	_ =	strace s5  }
0x99: {  	_ =	strace $0x8FFFFFFF  }
0x9a: {  	s19 =	sld [smem:$0x3FDB];
	_ =	sdelay $0x1  }
0x9b: {  	s6 =	simm.s32 $_scs_section_size  }
0x9c: {  	s7 =	simm.s32 $_size__tile_overlayer_lowered;
	s8 =	simm.s32 $_tile_overlayer_lowered  }
0x9d: {  	s22 =	simm.s32 $0x1BFF;
	s21 =	sshll.u32 s8, $0x1;
	s5 =	sadd.s32 s6, s19  }
0x9e: {  	s9 =	simm.s32 $0x0;
	s20 =	sshll.u32 s7, $0x1;
	s7 =	sadd.s32 s21, s5  }
0x9f: {  	[timem:s9], [sflag:s22] =	dma.local [hbm:s7], s20  }
0xa0: {  	_ =	swait.ge [sflag:s22], s20  }
0xa1: {  	s6 =	ssub.s32 $0x0, s20;
	[sflag:s22] =	ssyncset.done $0x0  }
0xa2: {  	[sflag:s22] =	ssyncadd.s32 s6;
	_ =	sdelay $0x1  }
0xa3: {  	s23 =	simm.s32 $0x1B8B  }
0xa4: {  	_ =	swait.ge [sflag:s23], $0x1  }
0xa5: {  	[sflag:s23] =	ssyncset.done $0x0  }
0xa6: {  	s25 =	simm.s32 $0x1B8E;
	s24 =	sld [smem:$0x3FFE];
	[sflag:s23] =	ssyncadd.s32 $0xFFFFFFFF  }
0xa7: {  	s26 =	simm.s32 $execute0_lowered;
	[smem:$0x3FD2] =	sst s25  }
0xa8: {  	s7 =	sshll.u32 s26, $0x1;
	_ =	strace $0x80000046;
	[dreg:$0x1] =	wrdreg $0xFFFFFFFF  }
0xa9: {  	s28 =	simm.s32 $_size_execute0_lowered;
	s5 =	sadd.s32 s5, s7;
	[dreg:$0x0] =	wrdreg $0x0  }
0xaa: {  	s7 =	sshll.u32 s28, $0x1;
	[dreg:$0x2] =	wrdreg s5  }
0xab: {  	[dreg:$0x3] =	wrdreg s7  }
0xac: {  	[dreg:$0x4] =	wrdreg $0xC0  }
0xad: {  	_ =	task [dreg:s9], $0x5FFFF  }
0xae: {  	[dreg:$0x1] =	wrdreg $0xFFFFFFFF  }
0xaf: {  	[dreg:$0x0] =	wrdreg $0x60  }
0xb0: {  	[dreg:$0x2] =	wrdreg s24  }
0xb1: {  	[dreg:$0x3] =	wrdreg s4  }
0xb2: {  	[dreg:$0x4] =	wrdreg s2  }
0xb3: {  	[dreg:$0x5] =	wrdreg s18  }
0xb4: {  	[dreg:$0x6] =	wrdreg $0x0  }
0xb5: {  	[dreg:$0x7] =	wrdreg $0x9  }
0xb6: {  	_ =	task.clear_ibuf [dreg:s9], $0x8FFFF;
	_ =	strace $0x90000046  }
0xb7: {  	s29 =	simm.s32 $0x9;
	_ =	strace $0x80000048  }
0xb8: {  	_ =	swait.ge [sflag:s29], $0x1  }
0xb9: {  	[sflag:s29] =	ssyncadd.s32 $0xFFFFFFFF  }
0xba: {  	_ =	strace $0x90000048  }
0xbb: {  	_ =	sfence  }
0xbc: {  	s30 =	sld [smem:$0x0];
	_ =	sdelay $0x2  }
0xbd: {  	s31 =	sshll.u32 s1, $0xD;
	s1 =	sshrl.u32 s1, $0x2  }
0xbe: {  	s3 =	sand.u32 $0x4000, s31;
	s1 =	sadd.s32 s1, s30  }
0xbf: {  	s0 =	sor.u32 s3, s0;
	s1 =	sshll.u32 s1, $0x11  }
0xc0: {  	s0 =	sor.u32 s1, s0  }
0xc1: {  	s0 =	sadd.s32 $0x8F2B, s0  }
0xc2: {  	[sflag:s0] =	ssyncadd.remote.s32 $0x1  }
0xc3: {  	_ =	sfence.sel $0xFFFF  }
0xc4: {  	[dreg:$0x0] =	wrdreg $0xFFFFFFFF;
	(pc) =	sbr.abs _section_cstart, $3  }
0xc5: {  	[dreg:$0x1] =	wrdreg $0xFFFFFFFF  }
0xc6: {  	_ =	task.clear_ibuf [dreg:s9], $0x2FFFF;
	_ =	strace $0x9FFFFFFF  }
0xc7: {  	(tm) =	ssettm $0x7FFFFFFF  }
tec
execute0_lowered:
.L_overlay_start_1:
0x0: {  	(tag) =	ssettag $0x1  }
0x1: {  	s6 =	rddreg [dreg:$0x0]  }
0x2: {  	s0 =	rddreg [dreg:$0x1]  }
0x3: {  	s1 =	rddreg [dreg:$0x2]  }
0x4: {  	s2 =	rddreg [dreg:$0x3];
	s3 =	srdreg.scid  }
0x5: {  	s4 =	rddreg [dreg:$0x4];
	s5 =	simm.s32 $0x0;
	s26 =	stileid.u32  }
0x6: {  	s28 =	simm.s32 $0x2;
	s29 =	simm.s32 $0x13880;
	s30 =	simm.s32 $0x13900  }
0x7: {  	s31 =	simm.s32 $0x13980;
	s7 =	sand.u32 $0x1, s3;
	s9 =	smul.u32 $0x50, s26  }
0x8: {  	[smem:$0x7FF] =	sst s5;
	s23 =	sor.u32 $0x70, s26;
	s12 =	smul.u32 $0x2710, s7  }
0x9: {  	s10 =	sadd.s32 $0xAC00, s6;
	p0 =	sgt.u32 s26, $0xC;
	s17 =	smul.u32 $0x50, s23  }
0xa: {  	s3 =	ssub.s32 $0x2, s7;
	s23 =	smul.u32 $0xA000, s23;
	s7 =	sshll.u32 s7, $0x4  }
0xb: {  	s8 =	sshrl.u32 s3, $0x1;
	s11 =	sadd.s32 $0x500, s9;
	s18 =	sadd.s32 $0xA00, s9  }
0xc: {  	s19 =	sadd.s32 $0xF00, s9;
	s20 =	sadd.s32 $0x1400, s9;
	s21 =	sadd.s32 $0x1900, s9  }
0xd: {  	s22 =	sadd.s32 $0x1E00, s9;
	s7 =	sor.u32 s26, s7;
	s3 =	ssub.s32 s3, s8  }
0xe: {  	s8 =	smul.u32 $0xA000, s26;
	s9 =	sadd.s32 s9, s12;
	s13 =	sadd.s32 s12, s11  }
0xf: {  	s14 =	sadd.s32 s12, s18;
	s15 =	sadd.s32 s12, s19;
	s16 =	sadd.s32 s12, s20  }
0x10: {  	s18 =	sshll.u32 s18, $0x7;
	s19 =	sshll.u32 s19, $0x7;
	s20 =	sshll.u32 s20, $0x7  }
0x11: {  	s26 =	simm.s32 $0x13A00;
	s9 =	sshll.u32 s9, $0x4;
	s24 =	sshll.u32 s13, $0x4  }
0x12: {  	s25 =	sshll.u32 s14, $0x4;
	s18 =	sadd.s32 s18, s4;
	s19 =	sadd.s32 s19, s4  }
0x13: {  	s20 =	sadd.s32 s20, s4;
	s9 =	sadd.s32 s10, s9;
	s14 =	sadd.s32 s10, s25  }
0x14: {  	s25 =	sadd.s32 s12, s21;
	s8 =	sshrl.u32 s8, $0x2;
	[dreg:$0x6] =	wrdreg s9  }
0x15: {  	s21 =	sshll.u32 s21, $0x7;
	s9 =	sadd.s32 s10, s24;
	[dreg:$0x8] =	wrdreg s14  }
0x16: {  	s24 =	sshll.u32 s16, $0x4;
	s13 =	sshll.u32 s25, $0x4;
	s14 =	sadd.s32 s12, s17  }
0x17: {  	s17 =	sshll.u32 s11, $0x7;
	s21 =	sadd.s32 s21, s4;
	s25 =	sshrl.u32 s23, $0x2  }
0x18: {  	[dreg:$0x7] =	wrdreg s9;
	s9 =	sshll.u32 s15, $0x4;
	s15 =	sadd.s32 s12, s22  }
0x19: {  	s12 =	sadd.s32 s10, s13;
	s16 =	sshll.u32 s14, $0x4;
	s17 =	sadd.s32 s17, s4  }
0x1a: {  	v0 =	vimm.f32 $0.0e+00;
	v1 =	vimm.s32 $0x0;
	s23 =	sadd.s32 s25, s4;
	s25 =	smax.u32 s3, $0x1;
	s3 =	simm.s32 $0x1  }
0x1b: {  	v2 =	vimm.s32 $0x1;
	v3 =	vimm.s32 $0x2;
	v4 =	vimm.s32 $0x3;
	s9 =	sadd.s32 s10, s9;
	s15 =	sshll.u32 s15, $0x4;
	s14 =	sadd.s32 s10, s16  }
0x1c: {  	v5 =	vimm.s32 $0x4;
	v6 =	vimm.s32 $0x5;
	v7 =	vimm.s32 $0x6;
	s16 =	sadd.s32 s8, s4;
	[dreg:$0x9] =	wrdreg s9;
	s9 =	sadd.s32 s10, s24  }
0x1d: {  	v8 =	vimm.s32 $0x7;
	v9 =	vimm.s32 $0x8;
	v10 =	vimm.s32 $0x9;
	s13 =	sadd.s32 s10, s15;
	s15 =	sadd.s32 $0xE00, s6;
	s24 =	sshll.u32 s22, $0x7  }
0x1e: {  	v11 =	vimm.s32 $0xA;
	v12 =	vimm.s32 $0xB;
	v13 =	vimm.s32 $0xC;
	s10 =	simm.s32 $0x50;
	s6 =	simm.s32 $0x0;
	[dreg:$0xa] =	wrdreg s9  }
0x1f: {  	v14 =	vimm.s32 $0xD;
	v15 =	vimm.s32 $0xE;
	v16 =	vimm.s32 $0xF;
	s22 =	sadd.s32 s24, s4;
	s24 =	smul.u32 $0x2710, s7;
	_ =	strace $0x80000047  }
.LBB2_1:
0x20: {  	s7 =	simm.s32 $0x0;
	s8 =	simm.s32 $0x200  }
.LBB2_2:
0x21: {  	p1 =	sne.s32 s8, $0x9E00;
	[tilespmem:s7+$0x13A70] =	vst v0  }
0x22: {  	[tilespmem:s7+$0x13A00] =	vst v0  }
0x23: {  	[tilespmem:s7+$0x13A10] =	vst v0  }
.Ltmp0:
0x24: {  	[tilespmem:s7+$0x13A20] =	vst v0;
	(pc) =	sbr.rel @p1 .LBB2_2-.Ltmp0, $4  }
0x25: {  	[tilespmem:s7+$0x13A30] =	vst v0  }
0x26: {  	[tilespmem:s7+$0x13A40] =	vst v0  }
0x27: {  	[tilespmem:s7+$0x13A50] =	vst v0  }
0x28: {  	[tilespmem:s7+$0x13A60] =	vst v0;
	s7 =	sshra.s32 s8, $0x2;
	s8 =	sadd.s32 $0x200, s8  }
0x29: {  	[tilespmem:s7+$0x13A70] =	vst v0  }
0x2a: {  	[tilespmem:s7+$0x13A00] =	vst v0  }
0x2b: {  	[tilespmem:s7+$0x13A10] =	vst v0  }
0x2c: {  	[tilespmem:s7+$0x13A20] =	vst v0  }
0x2d: {  	[tilespmem:s7+$0x13A30] =	vst v0  }
0x2e: {  	[tilespmem:s7+$0x13A40] =	vst v0  }
0x2f: {  	[tilespmem:s7+$0x13A50] =	vst v0  }
0x30: {  	[tilespmem:s7+$0x13A60] =	vst v0  }
0x31: {  	[spmem:s16] =	stream.linear.scatter [tilespmem:s26], [sflag:$0x2], $0x2800, $0x38;
	[tilespmem:$0x16200] =	vst v63  }
0x32: {  	_ =	swait.ge [sflag:s28], $0x2800  }
0x33: {  	[sflag:s28] =	ssyncset.done $0x0  }
0x34: {  	[sflag:s28] =	ssyncadd.s32 $0xFFFFD800  }
0x35: {  	[spmem:s17] =	stream.linear.scatter [tilespmem:s26], [sflag:$0x2], $0x2800, $0x38;
	[tilespmem:$0x16200] =	vst v63  }
0x36: {  	_ =	swait.ge [sflag:s28], $0x2800  }
0x37: {  	[sflag:s28] =	ssyncset.done $0x0  }
0x38: {  	[sflag:s28] =	ssyncadd.s32 $0xFFFFD800  }
0x39: {  	[spmem:s18] =	stream.linear.scatter [tilespmem:s26], [sflag:$0x2], $0x2800, $0x38;
	[tilespmem:$0x16200] =	vst v63  }
0x3a: {  	_ =	swait.ge [sflag:s28], $0x2800  }
0x3b: {  	[sflag:s28] =	ssyncset.done $0x0  }
0x3c: {  	[sflag:s28] =	ssyncadd.s32 $0xFFFFD800  }
0x3d: {  	[spmem:s19] =	stream.linear.scatter [tilespmem:s26], [sflag:$0x2], $0x2800, $0x38;
	[tilespmem:$0x16200] =	vst v63  }
0x3e: {  	_ =	swait.ge [sflag:s28], $0x2800  }
0x3f: {  	[sflag:s28] =	ssyncset.done $0x0  }
0x40: {  	[sflag:s28] =	ssyncadd.s32 $0xFFFFD800  }
0x41: {  	[spmem:s20] =	stream.linear.scatter [tilespmem:s26], [sflag:$0x2], $0x2800, $0x38;
	[tilespmem:$0x16200] =	vst v63  }
0x42: {  	_ =	swait.ge [sflag:s28], $0x2800  }
0x43: {  	[sflag:s28] =	ssyncset.done $0x0  }
0x44: {  	[sflag:s28] =	ssyncadd.s32 $0xFFFFD800  }
0x45: {  	[spmem:s21] =	stream.linear.scatter [tilespmem:s26], [sflag:$0x2], $0x2800, $0x38;
	[tilespmem:$0x16200] =	vst v63  }
0x46: {  	_ =	swait.ge [sflag:s28], $0x2800  }
0x47: {  	[sflag:s28] =	ssyncset.done $0x0  }
0x48: {  	[sflag:s28] =	ssyncadd.s32 $0xFFFFD800  }
0x49: {  	[spmem:s22] =	stream.linear.scatter [tilespmem:s26], [sflag:$0x2], $0x2800, $0x38;
	[tilespmem:$0x16200] =	vst v63  }
0x4a: {  	_ =	swait.ge [sflag:s28], $0x2800  }
0x4b: {  	[sflag:s28] =	ssyncset.done $0x0  }
0x4c: {  	s7 =	simm.s32 @!p0 $0x13A00;
	[sflag:s28] =	ssyncadd.s32 $0xFFFFD800  }
0x4d: {  	[spmem:s23] =	stream.linear.scatter @!p0 [tilespmem:s7], [sflag:$0x2], $0x2800, $0x38;
	[tilespmem:$0x16200] =	vst v63  }
0x4e: {  	s7 =	simm.s32 @!p0 $0x2  }
0x4f: {  	_ =	swait.ge @!p0 [sflag:s7], $0x2800  }
0x50: {  	[sflag:s7] =	ssyncset.done @!p0 $0x0  }
0x51: {  	[sflag:s7] =	ssyncadd.s32 @!p0 $0xFFFFD800  }
0x52: {  	s8 =	simm.s32 $0x0;
	s7 =	simm.s32 $0x0;
	[bflag:$0x0] =	sbarrier.arrive $0xFFFF  }
.LBB2_4:
0x53: {  	s9 =	smul.u32 $0x50, s8;
	_ =	sdelay $0x1  }
0x54: {  	s9 =	sadd.s32 s24, s9  }
0x55: {  	s9 =	sshrl.u32 s9, $0x3  }
0x56: {  	s11 =	sadd.s32 s15, s9  }
0x57: {  	[tilespmem:s29], [sflag:$0x2] =	stream.linear.gather [hbm4b:s11+s7], $0x50, $0x38;
	[tilespmem:$0x16200] =	vst v63  }
0x58: {  	_ =	swait.ge [sflag:s28], $0x50  }
0x59: {  	[sflag:s28] =	ssyncset.done $0x0  }
0x5a: {  	s11 =	sadd.s32 s0, s9;
	[sflag:s28] =	ssyncadd.s32 $0xFFFFFFB0  }
0x5b: {  	[tilespmem:s30], [sflag:$0x2] =	stream.linear.gather [hbm4b:s11+s7], $0x50, $0x38;
	[tilespmem:$0x16200] =	vst v63  }
0x5c: {  	_ =	swait.ge [sflag:s28], $0x50  }
0x5d: {  	[sflag:s28] =	ssyncset.done $0x0  }
0x5e: {  	s9 =	sadd.s32 s1, s9;
	[sflag:s28] =	ssyncadd.s32 $0xFFFFFFB0  }
0x5f: {  	[tilespmem:s31], [sflag:$0x2] =	stream.linear.gather [hbm4b:s9+s7], $0x50, $0x38;
	[tilespmem:$0x16200] =	vst v63  }
0x60: {  	_ =	swait.ge [sflag:s28], $0x50  }
0x61: {  	[sflag:s28] =	ssyncset.done $0x0  }
0x62: {  	[sflag:s28] =	ssyncadd.s32 $0xFFFFFFB0  }
0x63: {  	[tilespmem:s26], [sflag:$0x1] =	stream.indirect.gather [hbm4b:s2+s10], $0x80, s29, s10, $0xb8;
	[tilespmem:$0x16200] =	vst v63  }
0x64: {  	_ =	swait.ge [sflag:s3], $0x2800  }
0x65: {  	[sflag:s3] =	ssyncset.done $0x0  }
0x66: {  	s9 =	simm.s32 $0x0;
	[sflag:s3] =	ssyncadd.s32 $0xFFFFD800  }
.LBB2_5:
0x67: {  	s11 =	sshll.u32 s9, $0x4  }
0x68: {  	s11 =	sand.u32 $0x3FFFFFF0, s11  }
0x69: {  	v17 =	vld [tilespmem:s11+$0x13980];
	s11 =	sshll.u32 s9, $0xB  }
0x6a: {  	s11 =	sand.u32 $0x3FFFF800, s11  }
0x6b: {  	v18 =	vld [tilespmem:s11+$0x13A00]  }
0x6c: {  	v19 =	vld [tilespmem:s11+$0x13A10]  }
0x6d: {  	v20 =	vld [tilespmem:s11+$0x13A20]  }
0x6e: {  	v22 =	vld [tilespmem:s11+$0x13A30];
	v21 =	vperm.xlane v17, v1  }
0x6f: {  	v23 =	vld [tilespmem:s11+$0x13A40]  }
0x70: {  	v24 =	vld [tilespmem:s11+$0x13A50];
	v18 =	vmul.f32 v18, v21  }
0x71: {  	v25 =	vld [tilespmem:s11+$0x13A60];
	v19 =	vmul.f32 v19, v21  }
0x72: {  	v38 =	vld [tilespmem:s11+$0x13A70];
	[tilespmem:s11+$0x13A00] =	vst v18;
	v18 =	vmul.f32 v20, v21  }
0x73: {  	v39 =	vld [tilespmem:s11+$0x13A80];
	[tilespmem:s11+$0x13A10] =	vst v19;
	v19 =	vmul.f32 v22, v21  }
0x74: {  	v40 =	vld [tilespmem:s11+$0x13A90];
	[tilespmem:s11+$0x13A20] =	vst v18;
	v18 =	vmul.f32 v23, v21  }
0x75: {  	v41 =	vld [tilespmem:s11+$0x13AA0];
	[tilespmem:s11+$0x13A30] =	vst v19;
	v19 =	vmul.f32 v24, v21  }
0x76: {  	v26 =	vld [tilespmem:s11+$0x13AB0];
	v42 =	vperm.xlane v17, v2;
	[tilespmem:s11+$0x13A40] =	vst v18;
	v18 =	vmul.f32 v25, v21  }
0x77: {  	v43 =	vld [tilespmem:s11+$0x13AC0];
	[tilespmem:s11+$0x13A50] =	vst v19;
	v19 =	vmul.f32 v38, v21  }
0x78: {  	v44 =	vld [tilespmem:s11+$0x13AD0];
	[tilespmem:s11+$0x13A60] =	vst v18;
	v18 =	vmul.f32 v39, v42  }
0x79: {  	v45 =	vld [tilespmem:s11+$0x13AE0];
	[tilespmem:s11+$0x13A70] =	vst v19;
	v19 =	vmul.f32 v40, v42  }
0x7a: {  	v46 =	vld [tilespmem:s11+$0x13AF0];
	[tilespmem:s11+$0x13A80] =	vst v18;
	v18 =	vmul.f32 v41, v42  }
0x7b: {  	v47 =	vld [tilespmem:s11+$0x13B00];
	[tilespmem:s11+$0x13A90] =	vst v19;
	v19 =	vmul.f32 v26, v42  }
0x7c: {  	v48 =	vld [tilespmem:s11+$0x13B10];
	[tilespmem:s11+$0x13AA0] =	vst v18;
	v18 =	vmul.f32 v43, v42  }
0x7d: {  	v49 =	vld [tilespmem:s11+$0x13B20];
	[tilespmem:s11+$0x13AB0] =	vst v19;
	v19 =	vmul.f32 v44, v42  }
0x7e: {  	v51 =	vld [tilespmem:s11+$0x13B30];
	v50 =	vperm.xlane v17, v3;
	[tilespmem:s11+$0x13AC0] =	vst v18;
	v18 =	vmul.f32 v45, v42  }
0x7f: {  	v52 =	vld [tilespmem:s11+$0x13B40];
	[tilespmem:s11+$0x13AD0] =	vst v19;
	v19 =	vmul.f32 v46, v42  }
0x80: {  	v53 =	vld [tilespmem:s11+$0x13B50];
	[tilespmem:s11+$0x13AE0] =	vst v18;
	v18 =	vmul.f32 v47, v50  }
0x81: {  	v54 =	vld [tilespmem:s11+$0x13B60];
	[tilespmem:s11+$0x13AF0] =	vst v19;
	v19 =	vmul.f32 v48, v50  }
0x82: {  	v55 =	vld [tilespmem:s11+$0x13B70];
	[tilespmem:s11+$0x13B00] =	vst v18;
	v18 =	vmul.f32 v49, v50  }
0x83: {  	v56 =	vld [tilespmem:s11+$0x13B80];
	[tilespmem:s11+$0x13B10] =	vst v19;
	v19 =	vmul.f32 v51, v50  }
0x84: {  	v57 =	vld [tilespmem:s11+$0x13B90];
	[tilespmem:s11+$0x13B20] =	vst v18;
	v18 =	vmul.f32 v52, v50  }
0x85: {  	v58 =	vld [tilespmem:s11+$0x13BA0];
	[tilespmem:s11+$0x13B30] =	vst v19;
	v19 =	vmul.f32 v53, v50  }
0x86: {  	v60 =	vld [tilespmem:s11+$0x13BB0];
	v59 =	vperm.xlane v17, v4;
	[tilespmem:s11+$0x13B40] =	vst v18;
	v18 =	vmul.f32 v54, v50  }
0x87: {  	v61 =	vld [tilespmem:s11+$0x13BC0];
	[tilespmem:s11+$0x13B50] =	vst v19;
	v19 =	vmul.f32 v55, v50  }
0x88: {  	v62 =	vld [tilespmem:s11+$0x13BD0];
	[tilespmem:s11+$0x13B60] =	vst v18;
	v18 =	vmul.f32 v56, v59  }
0x89: {  	v63 =	vld [tilespmem:s11+$0x13BE0];
	[tilespmem:s11+$0x13B70] =	vst v19;
	v19 =	vmul.f32 v57, v59  }
0x8a: {  	v28 =	vld [tilespmem:s11+$0x13BF0];
	[tilespmem:s11+$0x13B80] =	vst v18;
	v18 =	vmul.f32 v58, v59  }
0x8b: {  	v29 =	vld [tilespmem:s11+$0x13C00];
	[tilespmem:s11+$0x13B90] =	vst v19;
	v19 =	vmul.f32 v60, v59  }
0x8c: {  	v30 =	vld [tilespmem:s11+$0x13C10];
	[tilespmem:s11+$0x13BA0] =	vst v18;
	v18 =	vmul.f32 v61, v59  }
0x8d: {  	v31 =	vld [tilespmem:s11+$0x13C20];
	[tilespmem:s11+$0x13BB0] =	vst v19;
	v19 =	vmul.f32 v62, v59  }
0x8e: {  	v33 =	vld [tilespmem:s11+$0x13C30];
	v32 =	vperm.xlane v17, v5;
	[tilespmem:s11+$0x13BC0] =	vst v18;
	v18 =	vmul.f32 v63, v59  }
0x8f: {  	v34 =	vld [tilespmem:s11+$0x13C40];
	[tilespmem:s11+$0x13BD0] =	vst v19;
	v19 =	vmul.f32 v28, v59  }
0x90: {  	v35 =	vld [tilespmem:s11+$0x13C50];
	[tilespmem:s11+$0x13BE0] =	vst v18;
	v18 =	vmul.f32 v29, v32  }
0x91: {  	v36 =	vld [tilespmem:s11+$0x13C60];
	[tilespmem:s11+$0x13BF0] =	vst v19;
	v19 =	vmul.f32 v30, v32  }
0x92: {  	v37 =	vld [tilespmem:s11+$0x13C70];
	[tilespmem:s11+$0x13C00] =	vst v18;
	v18 =	vmul.f32 v31, v32  }
0x93: {  	v38 =	vld [tilespmem:s11+$0x13C80];
	[tilespmem:s11+$0x13C10] =	vst v19;
	v19 =	vmul.f32 v33, v32  }
0x94: {  	v39 =	vld [tilespmem:s11+$0x13C90];
	[tilespmem:s11+$0x13C20] =	vst v18;
	v18 =	vmul.f32 v34, v32  }
0x95: {  	v40 =	vld [tilespmem:s11+$0x13CA0];
	[tilespmem:s11+$0x13C30] =	vst v19;
	v19 =	vmul.f32 v35, v32  }
0x96: {  	v41 =	vperm.xlane v17, v6;
	v42 =	vld [tilespmem:s11+$0x13CB0];
	[tilespmem:s11+$0x13C40] =	vst v18;
	v18 =	vmul.f32 v36, v32  }
0x97: {  	v43 =	vld [tilespmem:s11+$0x13CC0];
	[tilespmem:s11+$0x13C50] =	vst v19;
	v19 =	vmul.f32 v37, v32  }
0x98: {  	v44 =	vld [tilespmem:s11+$0x13CD0];
	[tilespmem:s11+$0x13C60] =	vst v18;
	v18 =	vmul.f32 v38, v41  }
0x99: {  	v45 =	vld [tilespmem:s11+$0x13CE0];
	[tilespmem:s11+$0x13C70] =	vst v19;
	v19 =	vmul.f32 v39, v41  }
0x9a: {  	v46 =	vld [tilespmem:s11+$0x13CF0];
	[tilespmem:s11+$0x13C80] =	vst v18;
	v18 =	vmul.f32 v40, v41  }
0x9b: {  	v47 =	vld [tilespmem:s11+$0x13D00];
	[tilespmem:s11+$0x13C90] =	vst v19;
	v19 =	vmul.f32 v42, v41  }
0x9c: {  	v48 =	vld [tilespmem:s11+$0x13D10];
	[tilespmem:s11+$0x13CA0] =	vst v18;
	v18 =	vmul.f32 v43, v41  }
0x9d: {  	v49 =	vld [tilespmem:s11+$0x13D20];
	[tilespmem:s11+$0x13CB0] =	vst v19;
	v19 =	vmul.f32 v44, v41  }
0x9e: {  	v51 =	vld [tilespmem:s11+$0x13D30];
	v50 =	vperm.xlane v17, v7;
	[tilespmem:s11+$0x13CC0] =	vst v18;
	v18 =	vmul.f32 v45, v41  }
0x9f: {  	v52 =	vld [tilespmem:s11+$0x13D40];
	[tilespmem:s11+$0x13CD0] =	vst v19;
	v19 =	vmul.f32 v46, v41  }
0xa0: {  	v53 =	vld [tilespmem:s11+$0x13D50];
	[tilespmem:s11+$0x13CE0] =	vst v18;
	v18 =	vmul.f32 v47, v50  }
0xa1: {  	v54 =	vld [tilespmem:s11+$0x13D60];
	[tilespmem:s11+$0x13CF0] =	vst v19;
	v19 =	vmul.f32 v48, v50  }
0xa2: {  	v55 =	vld [tilespmem:s11+$0x13D70];
	[tilespmem:s11+$0x13D00] =	vst v18;
	v18 =	vmul.f32 v49, v50  }
0xa3: {  	v56 =	vld [tilespmem:s11+$0x13D80];
	[tilespmem:s11+$0x13D10] =	vst v19;
	v19 =	vmul.f32 v51, v50  }
0xa4: {  	v57 =	vld [tilespmem:s11+$0x13D90];
	[tilespmem:s11+$0x13D20] =	vst v18;
	v18 =	vmul.f32 v52, v50  }
0xa5: {  	v58 =	vld [tilespmem:s11+$0x13DA0];
	[tilespmem:s11+$0x13D30] =	vst v19;
	v19 =	vmul.f32 v53, v50  }
0xa6: {  	v60 =	vld [tilespmem:s11+$0x13DB0];
	v59 =	vperm.xlane v17, v8;
	[tilespmem:s11+$0x13D40] =	vst v18;
	v18 =	vmul.f32 v54, v50  }
0xa7: {  	v61 =	vld [tilespmem:s11+$0x13DC0];
	[tilespmem:s11+$0x13D50] =	vst v19;
	v19 =	vmul.f32 v55, v50  }
0xa8: {  	v62 =	vld [tilespmem:s11+$0x13DD0];
	[tilespmem:s11+$0x13D60] =	vst v18;
	v18 =	vmul.f32 v56, v59  }
0xa9: {  	v63 =	vld [tilespmem:s11+$0x13DE0];
	[tilespmem:s11+$0x13D70] =	vst v19;
	v19 =	vmul.f32 v57, v59  }
0xaa: {  	v28 =	vld [tilespmem:s11+$0x13DF0];
	[tilespmem:s11+$0x13D80] =	vst v18;
	v18 =	vmul.f32 v58, v59  }
0xab: {  	v29 =	vld [tilespmem:s11+$0x13E00];
	[tilespmem:s11+$0x13D90] =	vst v19;
	v19 =	vmul.f32 v60, v59  }
0xac: {  	v30 =	vld [tilespmem:s11+$0x13E10];
	[tilespmem:s11+$0x13DA0] =	vst v18;
	v18 =	vmul.f32 v61, v59  }
0xad: {  	v31 =	vld [tilespmem:s11+$0x13E20];
	[tilespmem:s11+$0x13DB0] =	vst v19;
	v19 =	vmul.f32 v62, v59  }
0xae: {  	v33 =	vld [tilespmem:s11+$0x13E30];
	v32 =	vperm.xlane v17, v9;
	[tilespmem:s11+$0x13DC0] =	vst v18;
	v18 =	vmul.f32 v63, v59  }
0xaf: {  	v34 =	vld [tilespmem:s11+$0x13E40];
	[tilespmem:s11+$0x13DD0] =	vst v19;
	v19 =	vmul.f32 v28, v59  }
0xb0: {  	v35 =	vld [tilespmem:s11+$0x13E50];
	[tilespmem:s11+$0x13DE0] =	vst v18;
	v18 =	vmul.f32 v29, v32  }
0xb1: {  	v36 =	vld [tilespmem:s11+$0x13E60];
	[tilespmem:s11+$0x13DF0] =	vst v19;
	v19 =	vmul.f32 v30, v32  }
0xb2: {  	v37 =	vld [tilespmem:s11+$0x13E70];
	[tilespmem:s11+$0x13E00] =	vst v18;
	v18 =	vmul.f32 v31, v32  }
0xb3: {  	v38 =	vld [tilespmem:s11+$0x13E80];
	[tilespmem:s11+$0x13E10] =	vst v19;
	v19 =	vmul.f32 v33, v32  }
0xb4: {  	v39 =	vld [tilespmem:s11+$0x13E90];
	[tilespmem:s11+$0x13E20] =	vst v18;
	v18 =	vmul.f32 v34, v32  }
0xb5: {  	v40 =	vld [tilespmem:s11+$0x13EA0];
	[tilespmem:s11+$0x13E30] =	vst v19;
	v19 =	vmul.f32 v35, v32  }
0xb6: {  	v42 =	vld [tilespmem:s11+$0x13EB0];
	v41 =	vperm.xlane v17, v10;
	[tilespmem:s11+$0x13E40] =	vst v18;
	v18 =	vmul.f32 v36, v32  }
0xb7: {  	v43 =	vld [tilespmem:s11+$0x13EC0];
	[tilespmem:s11+$0x13E50] =	vst v19;
	v19 =	vmul.f32 v37, v32  }
0xb8: {  	v44 =	vld [tilespmem:s11+$0x13ED0];
	[tilespmem:s11+$0x13E60] =	vst v18;
	v18 =	vmul.f32 v38, v41  }
0xb9: {  	v45 =	vld [tilespmem:s11+$0x13EE0];
	[tilespmem:s11+$0x13E70] =	vst v19;
	v19 =	vmul.f32 v39, v41  }
0xba: {  	v46 =	vld [tilespmem:s11+$0x13EF0];
	[tilespmem:s11+$0x13E80] =	vst v18;
	v18 =	vmul.f32 v40, v41  }
0xbb: {  	v47 =	vld [tilespmem:s11+$0x13F00];
	[tilespmem:s11+$0x13E90] =	vst v19;
	v19 =	vmul.f32 v42, v41  }
0xbc: {  	v48 =	vld [tilespmem:s11+$0x13F10];
	[tilespmem:s11+$0x13EA0] =	vst v18;
	v18 =	vmul.f32 v43, v41  }
0xbd: {  	v49 =	vld [tilespmem:s11+$0x13F20];
	[tilespmem:s11+$0x13EB0] =	vst v19;
	v19 =	vmul.f32 v44, v41  }
0xbe: {  	v51 =	vld [tilespmem:s11+$0x13F30];
	v50 =	vperm.xlane v17, v11;
	[tilespmem:s11+$0x13EC0] =	vst v18;
	v18 =	vmul.f32 v45, v41  }
0xbf: {  	v52 =	vld [tilespmem:s11+$0x13F40];
	[tilespmem:s11+$0x13ED0] =	vst v19;
	v19 =	vmul.f32 v46, v41  }
0xc0: {  	v53 =	vld [tilespmem:s11+$0x13F50];
	[tilespmem:s11+$0x13EE0] =	vst v18;
	v18 =	vmul.f32 v47, v50  }
0xc1: {  	v54 =	vld [tilespmem:s11+$0x13F60];
	[tilespmem:s11+$0x13EF0] =	vst v19;
	v19 =	vmul.f32 v48, v50  }
0xc2: {  	v55 =	vld [tilespmem:s11+$0x13F70];
	[tilespmem:s11+$0x13F00] =	vst v18;
	v18 =	vmul.f32 v49, v50  }
0xc3: {  	v56 =	vld [tilespmem:s11+$0x13F80];
	[tilespmem:s11+$0x13F10] =	vst v19;
	v19 =	vmul.f32 v51, v50  }
0xc4: {  	v57 =	vld [tilespmem:s11+$0x13F90];
	[tilespmem:s11+$0x13F20] =	vst v18;
	v18 =	vmul.f32 v52, v50  }
0xc5: {  	v58 =	vld [tilespmem:s11+$0x13FA0];
	[tilespmem:s11+$0x13F30] =	vst v19;
	v19 =	vmul.f32 v53, v50  }
0xc6: {  	v60 =	vld [tilespmem:s11+$0x13FB0];
	v59 =	vperm.xlane v17, v12;
	[tilespmem:s11+$0x13F40] =	vst v18;
	v18 =	vmul.f32 v54, v50  }
0xc7: {  	v61 =	vld [tilespmem:s11+$0x13FC0];
	[tilespmem:s11+$0x13F50] =	vst v19;
	v19 =	vmul.f32 v55, v50  }
0xc8: {  	v62 =	vld [tilespmem:s11+$0x13FD0];
	[tilespmem:s11+$0x13F60] =	vst v18;
	v18 =	vmul.f32 v56, v59  }
0xc9: {  	v63 =	vld [tilespmem:s11+$0x13FE0];
	[tilespmem:s11+$0x13F70] =	vst v19;
	v19 =	vmul.f32 v57, v59  }
0xca: {  	v28 =	vld [tilespmem:s11+$0x13FF0];
	[tilespmem:s11+$0x13F80] =	vst v18;
	v18 =	vmul.f32 v58, v59  }
0xcb: {  	v29 =	vld [tilespmem:s11+$0x14000];
	[tilespmem:s11+$0x13F90] =	vst v19;
	v19 =	vmul.f32 v60, v59  }
0xcc: {  	v30 =	vld [tilespmem:s11+$0x14010];
	[tilespmem:s11+$0x13FA0] =	vst v18;
	v18 =	vmul.f32 v61, v59  }
0xcd: {  	v31 =	vld [tilespmem:s11+$0x14020];
	[tilespmem:s11+$0x13FB0] =	vst v19;
	v19 =	vmul.f32 v62, v59  }
0xce: {  	v33 =	vld [tilespmem:s11+$0x14030];
	v32 =	vperm.xlane v17, v13;
	[tilespmem:s11+$0x13FC0] =	vst v18;
	v18 =	vmul.f32 v63, v59  }
0xcf: {  	v34 =	vld [tilespmem:s11+$0x14040];
	[tilespmem:s11+$0x13FD0] =	vst v19;
	v19 =	vmul.f32 v28, v59  }
0xd0: {  	v35 =	vld [tilespmem:s11+$0x14050];
	[tilespmem:s11+$0x13FE0] =	vst v18;
	v18 =	vmul.f32 v29, v32  }
0xd1: {  	v36 =	vld [tilespmem:s11+$0x14060];
	[tilespmem:s11+$0x13FF0] =	vst v19;
	v19 =	vmul.f32 v30, v32  }
0xd2: {  	v37 =	vld [tilespmem:s11+$0x14070];
	[tilespmem:s11+$0x14000] =	vst v18;
	v18 =	vmul.f32 v31, v32  }
0xd3: {  	v38 =	vld [tilespmem:s11+$0x14080];
	[tilespmem:s11+$0x14010] =	vst v19;
	v19 =	vmul.f32 v33, v32  }
0xd4: {  	v39 =	vld [tilespmem:s11+$0x14090];
	[tilespmem:s11+$0x14020] =	vst v18;
	v18 =	vmul.f32 v34, v32  }
0xd5: {  	v40 =	vld [tilespmem:s11+$0x140A0];
	[tilespmem:s11+$0x14030] =	vst v19;
	v19 =	vmul.f32 v35, v32  }
0xd6: {  	v42 =	vld [tilespmem:s11+$0x140B0];
	v41 =	vperm.xlane v17, v14;
	[tilespmem:s11+$0x14040] =	vst v18;
	v18 =	vmul.f32 v36, v32  }
0xd7: {  	v43 =	vld [tilespmem:s11+$0x140C0];
	[tilespmem:s11+$0x14050] =	vst v19;
	v19 =	vmul.f32 v37, v32  }
0xd8: {  	v44 =	vld [tilespmem:s11+$0x140D0];
	[tilespmem:s11+$0x14060] =	vst v18;
	v18 =	vmul.f32 v38, v41  }
0xd9: {  	v45 =	vld [tilespmem:s11+$0x140E0];
	[tilespmem:s11+$0x14070] =	vst v19;
	v19 =	vmul.f32 v39, v41  }
0xda: {  	v46 =	vld [tilespmem:s11+$0x140F0];
	[tilespmem:s11+$0x14080] =	vst v18;
	v18 =	vmul.f32 v40, v41  }
0xdb: {  	v47 =	vld [tilespmem:s11+$0x14100];
	[tilespmem:s11+$0x14090] =	vst v19;
	v19 =	vmul.f32 v42, v41  }
0xdc: {  	v48 =	vld [tilespmem:s11+$0x14110];
	[tilespmem:s11+$0x140A0] =	vst v18;
	v18 =	vmul.f32 v43, v41  }
0xdd: {  	v49 =	vld [tilespmem:s11+$0x14120];
	[tilespmem:s11+$0x140B0] =	vst v19;
	v19 =	vmul.f32 v44, v41  }
0xde: {  	v51 =	vld [tilespmem:s11+$0x14130];
	v50 =	vperm.xlane v17, v15;
	[tilespmem:s11+$0x140C0] =	vst v18;
	v18 =	vmul.f32 v45, v41  }
0xdf: {  	v52 =	vld [tilespmem:s11+$0x14140];
	[tilespmem:s11+$0x140D0] =	vst v19;
	v19 =	vmul.f32 v46, v41  }
0xe0: {  	v53 =	vld [tilespmem:s11+$0x14150];
	[tilespmem:s11+$0x140E0] =	vst v18;
	v18 =	vmul.f32 v47, v50  }
0xe1: {  	v54 =	vld [tilespmem:s11+$0x14160];
	[tilespmem:s11+$0x140F0] =	vst v19;
	v19 =	vmul.f32 v48, v50  }
0xe2: {  	v55 =	vld [tilespmem:s11+$0x14170];
	[tilespmem:s11+$0x14100] =	vst v18;
	v18 =	vmul.f32 v49, v50  }
0xe3: {  	v56 =	vld [tilespmem:s11+$0x14180];
	[tilespmem:s11+$0x14110] =	vst v19;
	v19 =	vmul.f32 v51, v50  }
0xe4: {  	v57 =	vld [tilespmem:s11+$0x14190];
	[tilespmem:s11+$0x14120] =	vst v18;
	v18 =	vmul.f32 v52, v50  }
0xe5: {  	v58 =	vld [tilespmem:s11+$0x141A0];
	[tilespmem:s11+$0x14130] =	vst v19;
	v19 =	vmul.f32 v53, v50  }
0xe6: {  	v17 =	vperm.xlane v17, v16;
	v59 =	vld [tilespmem:s11+$0x141B0];
	[tilespmem:s11+$0x14140] =	vst v18;
	v18 =	vmul.f32 v54, v50  }
0xe7: {  	v60 =	vld [tilespmem:s11+$0x141C0];
	[tilespmem:s11+$0x14150] =	vst v19;
	v19 =	vmul.f32 v55, v50  }
0xe8: {  	v61 =	vld [tilespmem:s11+$0x141D0];
	[tilespmem:s11+$0x14160] =	vst v18;
	v18 =	vmul.f32 v56, v17  }
0xe9: {  	v62 =	vld [tilespmem:s11+$0x141E0];
	[tilespmem:s11+$0x14170] =	vst v19;
	v19 =	vmul.f32 v57, v17  }
0xea: {  	v63 =	vld [tilespmem:s11+$0x141F0];
	[tilespmem:s11+$0x14180] =	vst v18;
	v18 =	vmul.f32 v58, v17  }
0xeb: {  	[tilespmem:s11+$0x14190] =	vst v19;
	v19 =	vmul.f32 v59, v17  }
0xec: {  	p1 =	sne.s32 s9, $0x4;
	[tilespmem:s11+$0x141A0] =	vst v18;
	v18 =	vmul.f32 v60, v17  }
.Ltmp1:
0xed: {  	[tilespmem:s11+$0x141B0] =	vst v19;
	v19 =	vmul.f32 v61, v17;
	(pc) =	sbr.rel @p1 .LBB2_5-.Ltmp1, $4  }
0xee: {  	[tilespmem:s11+$0x141C0] =	vst v18;
	v18 =	vmul.f32 v62, v17  }
0xef: {  	[tilespmem:s11+$0x141D0] =	vst v19;
	v17 =	vmul.f32 v63, v17  }
0xf0: {  	[tilespmem:s11+$0x141E0] =	vst v18  }
0xf1: {  	s9 =	sadd.s32 $0x1, s9;
	[tilespmem:s11+$0x141F0] =	vst v17  }
0xf2: {  	s8 =	sadd.s32 $0x1, s8  }
0xf3: {  	p1 =	sne.s32 s8, $0x7D  }
.Ltmp2:
0xf4: {  	_ = 	snop;
	(pc) =	sbr.rel @p1 .LBB2_4-.Ltmp2, $4  }
0xf5: {  	[spmem:s4] =	stream.indirect.scatter.add.f32 [tilespmem:s26], [sflag:$0x2], $0x80, s30, s10, $0xb8;
	[tilespmem:$0x16200] =	vst v63  }
0xf6: {  	_ =	swait.ge [sflag:s28], $0x2800  }
0xf7: {  	[sflag:s28] =	ssyncset.done $0x0  }
0xf8: {  	[sflag:s28] =	ssyncadd.s32 $0xFFFFD800  }
0xf9: {  	[bflag:$0x0] =	sbarrier.arrive $0xFFFF  }
0xfa: {  	[tilespmem:s26], [sflag:$0x2] =	stream.linear.gather [spmem:s16], $0x2800, $0x38;
	[tilespmem:$0x16200] =	vst v63  }
0xfb: {  	_ =	swait.ge [sflag:s28], $0x2800  }
0xfc: {  	[sflag:s28] =	ssyncset.done $0x0  }
0xfd: {  	s7 =	rddreg [dreg:$0x6];
	[sflag:s28] =	ssyncadd.s32 $0xFFFFD800  }
0xfe: {  	[hbm4b:s7+s5] =	stream.linear.scatter [tilespmem:s26], [sflag:$0x2], $0x2800, $0x38;
	[tilespmem:$0x16200] =	vst v63  }
0xff: {  	_ =	swait.ge [sflag:s28], $0x2800  }
0x100: {  	[sflag:s28] =	ssyncset.done $0x0  }
0x101: {  	[sflag:s28] =	ssyncadd.s32 $0xFFFFD800  }
0x102: {  	[tilespmem:s26], [sflag:$0x2] =	stream.linear.gather [spmem:s17], $0x2800, $0x38;
	[tilespmem:$0x16200] =	vst v63  }
0x103: {  	_ =	swait.ge [sflag:s28], $0x2800  }
0x104: {  	[sflag:s28] =	ssyncset.done $0x0  }
0x105: {  	s11 =	rddreg [dreg:$0x7];
	[sflag:s28] =	ssyncadd.s32 $0xFFFFD800  }
0x106: {  	[hbm4b:s11+s5] =	stream.linear.scatter [tilespmem:s26], [sflag:$0x2], $0x2800, $0x38;
	[tilespmem:$0x16200] =	vst v63  }
0x107: {  	_ =	swait.ge [sflag:s28], $0x2800  }
0x108: {  	[sflag:s28] =	ssyncset.done $0x0  }
0x109: {  	[sflag:s28] =	ssyncadd.s32 $0xFFFFD800  }
0x10a: {  	[tilespmem:s26], [sflag:$0x2] =	stream.linear.gather [spmem:s18], $0x2800, $0x38;
	[tilespmem:$0x16200] =	vst v63  }
0x10b: {  	_ =	swait.ge [sflag:s28], $0x2800  }
0x10c: {  	[sflag:s28] =	ssyncset.done $0x0  }
0x10d: {  	s8 =	rddreg [dreg:$0x8];
	[sflag:s28] =	ssyncadd.s32 $0xFFFFD800  }
0x10e: {  	[hbm4b:s8+s5] =	stream.linear.scatter [tilespmem:s26], [sflag:$0x2], $0x2800, $0x38;
	[tilespmem:$0x16200] =	vst v63  }
0x10f: {  	_ =	swait.ge [sflag:s28], $0x2800  }
0x110: {  	[sflag:s28] =	ssyncset.done $0x0  }
0x111: {  	[sflag:s28] =	ssyncadd.s32 $0xFFFFD800  }
0x112: {  	[tilespmem:s26], [sflag:$0x2] =	stream.linear.gather [spmem:s19], $0x2800, $0x38;
	[tilespmem:$0x16200] =	vst v63  }
0x113: {  	_ =	swait.ge [sflag:s28], $0x2800  }
0x114: {  	[sflag:s28] =	ssyncset.done $0x0  }
0x115: {  	s9 =	rddreg [dreg:$0x9];
	[sflag:s28] =	ssyncadd.s32 $0xFFFFD800  }
0x116: {  	[hbm4b:s9+s5] =	stream.linear.scatter [tilespmem:s26], [sflag:$0x2], $0x2800, $0x38;
	[tilespmem:$0x16200] =	vst v63  }
0x117: {  	_ =	swait.ge [sflag:s28], $0x2800  }
0x118: {  	[sflag:s28] =	ssyncset.done $0x0  }
0x119: {  	[sflag:s28] =	ssyncadd.s32 $0xFFFFD800  }
0x11a: {  	[tilespmem:s26], [sflag:$0x2] =	stream.linear.gather [spmem:s20], $0x2800, $0x38;
	[tilespmem:$0x16200] =	vst v63  }
0x11b: {  	_ =	swait.ge [sflag:s28], $0x2800  }
0x11c: {  	[sflag:s28] =	ssyncset.done $0x0  }
0x11d: {  	s11 =	rddreg [dreg:$0xa];
	[sflag:s28] =	ssyncadd.s32 $0xFFFFD800  }
0x11e: {  	[hbm4b:s11+s5] =	stream.linear.scatter [tilespmem:s26], [sflag:$0x2], $0x2800, $0x38;
	[tilespmem:$0x16200] =	vst v63  }
0x11f: {  	_ =	swait.ge [sflag:s28], $0x2800  }
0x120: {  	[sflag:s28] =	ssyncset.done $0x0  }
0x121: {  	[sflag:s28] =	ssyncadd.s32 $0xFFFFD800  }
0x122: {  	[tilespmem:s26], [sflag:$0x2] =	stream.linear.gather [spmem:s21], $0x2800, $0x38;
	[tilespmem:$0x16200] =	vst v63  }
0x123: {  	_ =	swait.ge [sflag:s28], $0x2800  }
0x124: {  	[sflag:s28] =	ssyncset.done $0x0  }
0x125: {  	[sflag:s28] =	ssyncadd.s32 $0xFFFFD800  }
0x126: {  	[hbm4b:s12+s5] =	stream.linear.scatter [tilespmem:s26], [sflag:$0x2], $0x2800, $0x38;
	[tilespmem:$0x16200] =	vst v63  }
0x127: {  	_ =	swait.ge [sflag:s28], $0x2800  }
0x128: {  	[sflag:s28] =	ssyncset.done $0x0  }
0x129: {  	[sflag:s28] =	ssyncadd.s32 $0xFFFFD800  }
0x12a: {  	[tilespmem:s26], [sflag:$0x2] =	stream.linear.gather [spmem:s22], $0x2800, $0x38;
	[tilespmem:$0x16200] =	vst v63  }
0x12b: {  	_ =	swait.ge [sflag:s28], $0x2800  }
0x12c: {  	[sflag:s28] =	ssyncset.done $0x0  }
0x12d: {  	[sflag:s28] =	ssyncadd.s32 $0xFFFFD800  }
0x12e: {  	[hbm4b:s13+s5] =	stream.linear.scatter [tilespmem:s26], [sflag:$0x2], $0x2800, $0x38;
	[tilespmem:$0x16200] =	vst v63  }
0x12f: {  	_ =	swait.ge [sflag:s28], $0x2800  }
0x130: {  	[sflag:s28] =	ssyncset.done $0x0  }
0x131: {  	s7 =	simm.s32 @!p0 $0x13A00;
	s8 =	simm.s32 @!p0 $0x2;
	[sflag:s28] =	ssyncadd.s32 $0xFFFFD800  }
0x132: {  	[tilespmem:s7], [sflag:$0x2] =	stream.linear.gather @!p0 [spmem:s23], $0x2800, $0x38;
	[tilespmem:$0x16200] =	vst v63  }
0x133: {  	s6 =	sadd.s32 $0x1, s6;
	_ =	swait.ge @!p0 [sflag:s8], $0x2800  }
0x134: {  	p1 =	sne.s32 s6, s25;
	[sflag:s8] =	ssyncset.done @!p0 $0x0  }
.Ltmp3:
0x135: {  	s9 =	simm.s32 @!p0 $0x0;
	[sflag:s8] =	ssyncadd.s32 @!p0 $0xFFFFD800;
	(pc) =	sbr.rel @p1 .LBB2_1-.Ltmp3, $4  }
0x136: {  	[hbm4b:s14+s9] =	stream.linear.scatter @!p0 [tilespmem:s7], [sflag:$0x2], $0x2800, $0x38;
	[tilespmem:$0x16200] =	vst v63  }
0x137: {  	_ =	swait.ge @!p0 [sflag:s8], $0x2800  }
0x138: {  	[sflag:s8] =	ssyncset.done @!p0 $0x0  }
0x139: {  	[sflag:s8] =	ssyncadd.s32 @!p0 $0xFFFFD800  }
0x13a: {  	_ =	sfence.sel $0x180000  }
0x13b: {  	[bflag:$0x0] =	sbarrier.arrive $0xFFFF  }
0x13c: {  	_ =	strace $0x90000047  }
0x13d: {  	s0 =	stileid.u32;
	[bflag:$0x2] =	sbarrier.arrive $0xFFFF  }
0x13e: {  	p0 =	sne.s32 s0, $0x0;
	s0 =	rddreg [dreg:$0x5]  }
0x13f: {  	s0 =	sadd.s32 @!p0 $0x100000, s0  }
0x140: {  	[sflag:s0] =	ssyncadd.tile.s32 @!p0 $0x1;
	_ =	shalt  }
.Lfunc_end2:
_tile_overlayer_lowered:
.L_overlay_start_2:
0x141: {  	(tag) =	ssettag $0x2  }
0x142: {  	s0 =	rddreg [dreg:$0x0];
	s2 =	stileid.u32  }
0x143: {  	s1 =	rddreg [dreg:$0x1];
	p0 =	sne.s32 s2, $0x0  }
0x144: {  	s3 =	rddreg [dreg:$0x2];
	[bflag:$0x3] =	sbarrier.arrive $0xFFFF;
	s2 =	simm.s32 @!p0 $0x1C02  }
0x145: {  	[timem:s3], [sflag:s2] =	dma.local @!p0 [hbm:s0], s1  }
0x146: {  	s0 =	simm.s32 @!p0 $0x2  }
0x147: {  	_ =	swait.ge @!p0 [sflag:s0], s1  }
0x148: {  	s1 =	ssub.s32 @!p0 $0x0, s1;
	[sflag:s0] =	ssyncset.done @!p0 $0x0  }
0x149: {  	[sflag:s0] =	ssyncadd.s32 @!p0 s1  }
0x14a: {  	[bflag:$0x3] =	sbarrier.arrive $0xFFFF  }
0x14b: {  	_ =	shalt  }

</sc_bundles>
